<compile_context>
chip_gen: v7x
topology: tpu7x:2x2x1
jax: 0.10.2.dev20260603
libtpu: 0.0.44.dev20260713+nightly
codegen_flags: <defaults>
</compile_context>

<pallas_src>
import jax
import jax.numpy as jnp
from jax import lax
from jax.experimental import pallas as pl
from jax.experimental.pallas import tpu as pltpu
from jax.experimental.pallas import tpu_sc as plsc

N = 10000
D = 128
H = 16
C = 40
NC = 2
NS = 16
NW = NC * NS
CH = 125
NB = 8
NK = 80
NT = 10240
ZR = NT // NS
ZR2 = NT // (NC * NS)
P8 = NT // 8

_mesh = plsc.VectorSubcoreMesh(
    core_axis_name="c", subcore_axis_name="s", num_cores=NC, num_subcores=NS)


def _newton_rsqrt(d):
    i = plsc.bitcast(d, jnp.int32)
    i = jnp.int32(0x5F3759DF) - lax.shift_right_logical(i, 1)
    y = plsc.bitcast(i, jnp.float32)
    half_d = 0.5 * d
    for _ in range(3):
        y = y * (1.5 - half_d * y * y)
    return y



def _sc_disb_body(dst_hbm, out_hbm, idx_d, ones_v, stage_v, pk_v, dacc):
    c = lax.axis_index("c")
    s = lax.axis_index("s")

    def _fill(i, carry):
        stage_v[pl.ds(i * 16, 16)] = jnp.zeros((16,), jnp.float32)
        return carry
    lax.fori_loop(0, ZR // 16, _fill, 0)
    pltpu.sync_copy(stage_v, dacc.at[pl.ds(s * ZR, ZR)])

    def _ones(i, carry):
        ones_v[pl.ds(i * 16, 16)] = jnp.ones((16,), jnp.float32)
        return carry
    lax.fori_loop(0, 128 // 16, _ones, 0)
    pltpu.sync_copy(dst_hbm.at[2 * s], idx_d.at[pl.ds(0, NK)])
    pltpu.sync_copy(dst_hbm.at[2 * s + 1], idx_d.at[pl.ds(NK, NK)])
    plsc.subcore_barrier()

    def _chunk(j, carry):
        pltpu.sync_copy(ones_v.at[pl.ds(0, CH)], dacc.at[idx_d.at[j]],
                        add=True)
        return carry
    lax.fori_loop(0, 2 * NK, _chunk, 0)
    plsc.subcore_barrier()

    base = pl.multiple_of(c * (NT // 2) + s * ZR2, 8)
    pltpu.sync_copy(dacc.at[pl.ds(base, ZR2)], stage_v.at[pl.ds(0, ZR2)])

    def _rows(v, carry):
        d = stage_v[pl.ds(v * 16, 16)] + 1.0
        y = _newton_rsqrt(d)
        for l in range(16):
            pk_v[v * 16 + l, :] = jnp.broadcast_to(y[l], (16,))
        return carry
    lax.fori_loop(0, ZR2 // 16, _rows, 0)
    pltpu.sync_copy(pk_v, out_hbm.at[pl.ds(base, ZR2)])


_sc_disb_scratch = [
    pltpu.VMEM((2 * NK, CH), jnp.int32),
    pltpu.VMEM((128,), jnp.float32),
    pltpu.VMEM((ZR,), jnp.float32),
    pltpu.VMEM((ZR2, H), jnp.float32),
    pltpu.VMEM_SHARED((NT,), jnp.float32),
]

_sc_disb = pl.kernel(
    _sc_disb_body,
    out_type=jax.ShapeDtypeStruct((NT, H), jnp.float32),
    mesh=_mesh,
    scratch_types=_sc_disb_scratch,
    compiler_params=pltpu.CompilerParams(use_tc_tiling_on_sc=False, needs_layout_passes=False),
)



def _sc_scatter_body(q_hbm, src_hbm, dst_hbm, out0, out1,
                     idx_s, idx_d, rows, stage_v, zacc, qsp, sems):
    c = lax.axis_index("c")
    s = lax.axis_index("s")
    wid = s * NC + c

    def _fill(i, carry):
        stage_v[i, :] = jnp.zeros((16,), jnp.float32)
        return carry
    lax.fori_loop(0, ZR, _fill, 0)
    pltpu.sync_copy(q_hbm.at[pl.ds(s * ZR, ZR)], qsp.at[pl.ds(s * ZR, ZR)])
    pltpu.sync_copy(stage_v, zacc.at[pl.ds(s * ZR, ZR)])
    pltpu.sync_copy(src_hbm.at[wid], idx_s)
    pltpu.sync_copy(dst_hbm.at[wid], idx_d)
    plsc.subcore_barrier()

    def _group(g, carry):
        j0 = g * NB
        descs = [
            pltpu.async_copy(qsp.at[idx_s.at[j0 + b]], rows.at[b],
                             sems.at[b])
            for b in range(NB)
        ]
        for b in range(NB):
            descs[b].wait()
            pltpu.sync_copy(rows.at[b], zacc.at[idx_d.at[j0 + b]], add=True)
        return carry
    lax.fori_loop(0, NK // NB, _group, 0)
    plsc.subcore_barrier()

    pltpu.sync_copy(zacc.at[pl.ds(s * ZR, ZR)], stage_v)

    @pl.when(c == 0)
    def _():
        pltpu.sync_copy(stage_v, out0.at[pl.ds(s * ZR, ZR)])

    @pl.when(c == 1)
    def _():
        pltpu.sync_copy(stage_v, out1.at[pl.ds(s * ZR, ZR)])


_sc_scatter_scratch = [
    pltpu.VMEM((NK, CH), jnp.int32),
    pltpu.VMEM((NK, CH), jnp.int32),
    pltpu.VMEM((NB, CH, H), jnp.float32),
    pltpu.VMEM((ZR, H), jnp.float32),
    pltpu.VMEM_SHARED((NT, H), jnp.float32),
    pltpu.VMEM_SHARED((NT, H), jnp.float32),
    pltpu.SemaphoreType.DMA((NB,)),
]

_sc_scatter = pl.kernel(
    _sc_scatter_body,
    out_type=(jax.ShapeDtypeStruct((NT, H), jnp.float32),
              jax.ShapeDtypeStruct((NT, H), jnp.float32)),
    mesh=_mesh,
    scratch_types=_sc_scatter_scratch,
    compiler_params=pltpu.CompilerParams(use_tc_tiling_on_sc=False, needs_layout_passes=False),
)



RX = 1280
PX = RX // 8
RB8 = P8 // 8


def _tc0_body(x_ref, w_ref, p_ref):
    acc = jnp.zeros((PX, 128), jnp.float32)
    for n in range(8):
        acc += jnp.dot(x_ref[:, n, :], w_ref[n],
                       preferred_element_type=jnp.float32)
    p_ref[...] = acc


_tc0 = pl.pallas_call(
    _tc0_body,
    grid=(NT // RX,),
    in_specs=[
        pl.BlockSpec((PX, 8, D), lambda i: (i, 0, 0)),
        pl.BlockSpec((8, D, 128), lambda i: (0, 0, 0)),
    ],
    out_specs=pl.BlockSpec((PX, 128), lambda i: (i, 0)),
    out_shape=jax.ShapeDtypeStruct((P8, 128), jnp.float32),
)


def _tc1_body(p_ref, disb_ref, q_ref):
    q_ref[...] = p_ref[...] * disb_ref[...]


_tc1 = pl.pallas_call(
    _tc1_body,
    grid=(P8 // RB8,),
    in_specs=[
        pl.BlockSpec((RB8, 128), lambda i: (i, 0)),
        pl.BlockSpec((RB8, 128), lambda i: (i, 0)),
    ],
    out_specs=pl.BlockSpec((RB8, 128), lambda i: (i, 0)),
    out_shape=jax.ShapeDtypeStruct((P8, 128), jnp.float32),
)


def _tc2_body(z0_ref, z1_ref, q1_ref, disb_ref, b_ref, q2_ref):
    z = z0_ref[...] + z1_ref[...] + q1_ref[...]
    y = jnp.maximum(disb_ref[...] * z + b_ref[...], 0.0)
    q2_ref[...] = disb_ref[...] * y


_tc2 = pl.pallas_call(
    _tc2_body,
    grid=(P8 // RB8,),
    in_specs=[
        pl.BlockSpec((RB8, 128), lambda i: (i, 0)),
        pl.BlockSpec((RB8, 128), lambda i: (i, 0)),
        pl.BlockSpec((RB8, 128), lambda i: (i, 0)),
        pl.BlockSpec((RB8, 128), lambda i: (i, 0)),
        pl.BlockSpec((1, 128), lambda i: (0, 0)),
    ],
    out_specs=pl.BlockSpec((RB8, 128), lambda i: (i, 0)),
    out_shape=jax.ShapeDtypeStruct((P8, 128), jnp.float32),
)


def _tc2b_body(z0_ref, z1_ref, q2_ref, disb_ref, u_ref):
    u_ref[...] = disb_ref[...] * (z0_ref[...] + z1_ref[...] + q2_ref[...])


_tc2b = pl.pallas_call(
    _tc2b_body,
    grid=(P8 // RB8,),
    in_specs=[
        pl.BlockSpec((RB8, 128), lambda i: (i, 0)),
        pl.BlockSpec((RB8, 128), lambda i: (i, 0)),
        pl.BlockSpec((RB8, 128), lambda i: (i, 0)),
        pl.BlockSpec((RB8, 128), lambda i: (i, 0)),
    ],
    out_specs=pl.BlockSpec((RB8, 128), lambda i: (i, 0)),
    out_shape=jax.ShapeDtypeStruct((P8, 128), jnp.float32),
)


def _tc3_body(u_ref, w_ref, b_ref, o_ref):
    v = jnp.dot(u_ref[...], w_ref[...],
                preferred_element_type=jnp.float32) + b_ref[...]
    m = jnp.max(v, axis=1, keepdims=True)
    e = jnp.exp(v - m)
    lse = jnp.log(jnp.sum(e, axis=1, keepdims=True))
    o_ref[...] = v - m - lse


_tc3 = pl.pallas_call(
    _tc3_body,
    grid=(NT // RX,),
    in_specs=[
        pl.BlockSpec((RX, H), lambda i: (i, 0)),
        pl.BlockSpec((H, C), lambda i: (0, 0)),
        pl.BlockSpec((1, C), lambda i: (0, 0)),
    ],
    out_specs=pl.BlockSpec((RX, C), lambda i: (i, 0)),
    out_shape=jax.ShapeDtypeStruct((N, C), jnp.float32),
)


def kernel(x, edge_index, W1, b1, W2, b2):
    srcp = edge_index[0].reshape(NW, NK, CH)
    dstp = edge_index[1].reshape(NW, NK, CH)

    disb_l = _sc_disb(dstp)
    disb = disb_l.reshape(P8, 128)
    x3 = x.reshape(N // 8, 8, D)
    w1e = jnp.kron(jnp.eye(8, dtype=x.dtype), W1).reshape(8, D, 128)
    p = _tc0(x3, w1e)
    q1 = _tc1(p, disb)
    z0, z1 = _sc_scatter(q1.reshape(NT, H), srcp, dstp)
    q2 = _tc2(z0.reshape(P8, 128), z1.reshape(P8, 128), q1, disb,
              jnp.tile(b1, 8).reshape(1, 128))
    z0b, z1b = _sc_scatter(q2.reshape(NT, H), srcp, dstp)
    u = _tc2b(z0b.reshape(P8, 128), z1b.reshape(P8, 128), q2, disb)
    out = _tc3(u.reshape(NT, H), W2, b2.reshape(1, C))
    return out

# --- scband reference (transcript-rebuilt; emitter-appended) ---
"""Pipeline reference for scband-gcnmodel-10282151706867 (READ-ONLY COPY).

The authoritative reference and input builder live on the scoring server;
editing this copy changes nothing except your own understanding.
"""

import jax, jax.numpy as jnp
import numpy as np

N = 10000
E = 320000
D = 128
H = 16
C = 40


def gcn_conv(x, src, dst, W, b, num_nodes):
    # PyG GCNConv: lin -> add self-loops -> sym-norm -> scatter-add -> + bias
    x = x @ W
    loop = jnp.arange(num_nodes, dtype=src.dtype)
    src = jnp.concatenate([src, loop])
    dst = jnp.concatenate([dst, loop])
    ones = jnp.ones(src.shape[0], dtype=x.dtype)
    deg = jnp.zeros((num_nodes,), dtype=x.dtype).at[dst].add(ones)
    deg_inv_sqrt = jnp.where(deg > 0, deg ** -0.5, 0.0)
    norm = deg_inv_sqrt[src] * deg_inv_sqrt[dst]
    msg = x[src] * norm[:, None]
    out = jnp.zeros((num_nodes, W.shape[1]), dtype=x.dtype).at[dst].add(msg)
    return out + b


def setup_inputs(seed: int = 0):
    key = jax.random.key(seed)
    k1, k2, k3, k4 = jax.random.split(key, 4)
    x = jax.random.normal(k1, (N, D), dtype=jnp.float32)
    edge_index = jax.random.randint(k2, (2, E), 0, N, dtype=jnp.int32)
    W1 = jax.random.normal(k3, (D, H), dtype=jnp.float32) * (1.0 / np.sqrt(D))
    b1 = jnp.zeros((H,), dtype=jnp.float32)
    W2 = jax.random.normal(k4, (H, C), dtype=jnp.float32) * (1.0 / np.sqrt(H))
    b2 = jnp.zeros((C,), dtype=jnp.float32)
    return {"x": x, "edge_index": edge_index, "W1": W1, "b1": b1, "W2": W2, "b2": b2}


def reference(x, edge_index, W1, b1, W2, b2):
    src = edge_index[0]
    dst = edge_index[1]
    h = gcn_conv(x, src, dst, W1, b1, N)
    h = jax.nn.relu(h)
    # F.dropout with training=self.training; eval mode -> identity
    out = gcn_conv(h, src, dst, W2, b2, N)
    return jax.nn.log_softmax(out, axis=1)

if __name__ == "__main__":
    import jax
    _d = setup_inputs()
    print(jax.jit(kernel)(*tuple(_d.values())))

</pallas_src>

<mosaic_0001>
#map = affine_map<(d0, d1) -> (0, 0)>
#map1 = affine_map<(d0, d1) -> (0, 0, 0)>
module attributes {stable_mosaic.version = 14 : i64} {
  func.func @_sc_scatter_body(%arg0: i32, %arg1: i32, %arg2: memref<10240x16xf32, #tpu.memory_space<hbm>>, %arg3: memref<32x80x125xi32, #tpu.memory_space<hbm>>, %arg4: memref<32x80x125xi32, #tpu.memory_space<hbm>>, %arg5: memref<10240x16xf32, #tpu.memory_space<hbm>>, %arg6: memref<10240x16xf32, #tpu.memory_space<hbm>>, %arg7: memref<80x125xi32, #tpu.memory_space<vmem>>, %arg8: memref<80x125xi32, #tpu.memory_space<vmem>>, %arg9: memref<8x125x16xf32, #tpu.memory_space<vmem>>, %arg10: memref<640x16xf32, #tpu.memory_space<vmem>>, %arg11: memref<10240x16xf32, #tpu.memory_space<vmem_shared>>, %arg12: memref<10240x16xf32, #tpu.memory_space<vmem_shared>>, %arg13: memref<8x!tpu.dma_semaphore, #tpu.memory_space<semaphore_mem>>) attributes {dimension_semantics = [#tpu.dimension_semantics<core_parallel>, #tpu.dimension_semantics<subcore_parallel>], iteration_bounds = array<i64: 2, 16>, scalar_prefetch = 0 : i64, scratch_operands = 7 : i64, tpu.core_type = #tpu.core_type<sc_vector_subcore>, window_params = [{transform_indices = #map}, {transform_indices = #map1}, {transform_indices = #map1}, {transform_indices = #map}, {transform_indices = #map}]} {
    %mul3A = arith.constant 2 : i32
    %mul3A_0 = arith.muli %arg1, %mul3A : i32
    %add3A = arith.addi %mul3A_0, %arg0 : i32
    %scan3A = arith.constant 0 : i32
    %scan3A_1 = arith.constant 0 : i32
    %scan3A_2 = arith.constant 640 : i32
    %scan3A_3 = arith.addi %scan3A_1, %scan3A_2 : i32
    %scan3A_4 = arith.constant 1 : i32
    scf.for %scan3A_28 = %scan3A_1 to %scan3A_3 step %scan3A_4  : i32 {
      %broadcast_in_dim3A = arith.constant 0.000000e+00 : f32
      %broadcast_in_dim3A_29 = vector.broadcast %broadcast_in_dim3A : f32 to vector<16xf32>
      %swap3A = arith.index_cast %scan3A_28 : i32 to index
      %swap3A_30 = arith.constant 0 : index
      %swap3A_31 = tpu.vector_load %arg10[%swap3A, %swap3A_30] {strides = array<i32>} : memref<640x16xf32, #tpu.memory_space<vmem>>, vector<16xf32>,
      tpu.vector_store %arg10[%swap3A, %swap3A_30], %broadcast_in_dim3A_29 {strides = array<i32>} : memref<640x16xf32, #tpu.memory_space<vmem>>, vector<16xf32>,
    }
    %scan3A_5 = arith.constant 640 : i32
    %mul3A_6 = arith.constant 640 : i32
    %mul3A_7 = arith.muli %arg1, %mul3A_6 : i32
    %mul3A_8 = arith.constant 640 : i32
    %mul3A_9 = arith.muli %arg1, %mul3A_8 : i32
    "tpu.region"() ({
      %run_scoped3A = tpu.sem_alloc : memref<!tpu.dma_semaphore, #tpu.memory_space<semaphore_mem>>
      %dma_start3A = arith.constant 0 : i32
      %dma_start3A_28 = tpu.memref_slice %arg12[%mul3A_9, %dma_start3A] : memref<10240x16xf32, #tpu.memory_space<vmem_shared>> -> memref<640x16xf32, #tpu.memory_space<vmem_shared>>
      %dma_start3A_29 = arith.constant 0 : i32
      %dma_start3A_30 = tpu.memref_slice %arg2[%mul3A_7, %dma_start3A_29] : memref<10240x16xf32, #tpu.memory_space<hbm>> -> memref<640x16xf32, #tpu.memory_space<hbm>>
      tpu.enqueue_dma source(%dma_start3A_30 : memref<640x16xf32, #tpu.memory_space<hbm>>) target(%dma_start3A_28 : memref<640x16xf32, #tpu.memory_space<vmem_shared>>) target_semaphore(%run_scoped3A : memref<!tpu.dma_semaphore, #tpu.memory_space<semaphore_mem>>)
      %dma_wait3A = arith.constant 0 : i32
      %dma_wait3A_31 = tpu.memref_slice %arg12[%mul3A_9, %dma_wait3A] : memref<10240x16xf32, #tpu.memory_space<vmem_shared>> -> memref<640x16xf32, #tpu.memory_space<vmem_shared>>
      %dma_wait3A_32 = arith.constant 0 : i32
      %dma_wait3A_33 = tpu.memref_slice %arg2[%mul3A_7, %dma_wait3A_32] : memref<10240x16xf32, #tpu.memory_space<hbm>> -> memref<640x16xf32, #tpu.memory_space<hbm>>
      tpu.wait_dma2 semaphore(%run_scoped3A : memref<!tpu.dma_semaphore, #tpu.memory_space<semaphore_mem>>) src(%dma_wait3A_33 : memref<640x16xf32, #tpu.memory_space<hbm>>) dst(%dma_wait3A_31 : memref<640x16xf32, #tpu.memory_space<vmem_shared>>)
      tpu.yield
    }) : () -> ()
    %mul3A_10 = arith.constant 640 : i32
    %mul3A_11 = arith.muli %arg1, %mul3A_10 : i32
    "tpu.region"() ({
      %run_scoped3A = tpu.sem_alloc : memref<!tpu.dma_semaphore, #tpu.memory_space<semaphore_mem>>
      %dma_start3A = arith.constant 0 : i32
      %dma_start3A_28 = tpu.memref_slice %arg11[%mul3A_11, %dma_start3A] : memref<10240x16xf32, #tpu.memory_space<vmem_shared>> -> memref<640x16xf32, #tpu.memory_space<vmem_shared>>
      %dma_start3A_29 = arith.constant 0 : i32
      %dma_start3A_30 = tpu.memref_slice %arg11[%mul3A_11, %dma_start3A_29] : memref<10240x16xf32, #tpu.memory_space<vmem_shared>> -> memref<640x16xf32, #tpu.memory_space<vmem_shared>>
      tpu.enqueue_dma source(%arg10 : memref<640x16xf32, #tpu.memory_space<vmem>>) target(%dma_start3A_30 : memref<640x16xf32, #tpu.memory_space<vmem_shared>>) target_semaphore(%run_scoped3A : memref<!tpu.dma_semaphore, #tpu.memory_space<semaphore_mem>>)
      %dma_wait3A = arith.constant 0 : i32
      %dma_wait3A_31 = tpu.memref_slice %arg11[%mul3A_11, %dma_wait3A] : memref<10240x16xf32, #tpu.memory_space<vmem_shared>> -> memref<640x16xf32, #tpu.memory_space<vmem_shared>>
      %dma_wait3A_32 = arith.constant 0 : i32
      %dma_wait3A_33 = tpu.memref_slice %arg11[%mul3A_11, %dma_wait3A_32] : memref<10240x16xf32, #tpu.memory_space<vmem_shared>> -> memref<640x16xf32, #tpu.memory_space<vmem_shared>>
      tpu.wait_dma2 semaphore(%run_scoped3A : memref<!tpu.dma_semaphore, #tpu.memory_space<semaphore_mem>>) src(%arg10 : memref<640x16xf32, #tpu.memory_space<vmem>>) dst(%dma_wait3A_33 : memref<640x16xf32, #tpu.memory_space<vmem_shared>>)
      tpu.yield
    }) : () -> ()
    "tpu.region"() ({
      %run_scoped3A = tpu.sem_alloc : memref<!tpu.dma_semaphore, #tpu.memory_space<semaphore_mem>>
      %dma_start3A = arith.constant 0 : i32
      %dma_start3A_28 = arith.constant 0 : i32
      %dma_start3A_29 = tpu.memref_slice %arg3[%add3A, %dma_start3A, %dma_start3A_28] : memref<32x80x125xi32, #tpu.memory_space<hbm>> -> memref<1x80x125xi32, #tpu.memory_space<hbm>>
      %dma_start3A_30 = tpu.memref_squeeze %dma_start3A_29 : memref<1x80x125xi32, #tpu.memory_space<hbm>> -> memref<80x125xi32, #tpu.memory_space<hbm>>
      %dma_start3A_31 = arith.constant 0 : i32
      %dma_start3A_32 = arith.constant 0 : i32
      %dma_start3A_33 = tpu.memref_slice %arg3[%add3A, %dma_start3A_31, %dma_start3A_32] : memref<32x80x125xi32, #tpu.memory_space<hbm>> -> memref<1x80x125xi32, #tpu.memory_space<hbm>>
      %dma_start3A_34 = tpu.memref_squeeze %dma_start3A_33 : memref<1x80x125xi32, #tpu.memory_space<hbm>> -> memref<80x125xi32, #tpu.memory_space<hbm>>
      tpu.enqueue_dma source(%dma_start3A_34 : memref<80x125xi32, #tpu.memory_space<hbm>>) target(%arg7 : memref<80x125xi32, #tpu.memory_space<vmem>>) target_semaphore(%run_scoped3A : memref<!tpu.dma_semaphore, #tpu.memory_space<semaphore_mem>>)
      %dma_wait3A = arith.constant 0 : i32
      %dma_wait3A_35 = arith.constant 0 : i32
      %dma_wait3A_36 = tpu.memref_slice %arg3[%add3A, %dma_wait3A, %dma_wait3A_35] : memref<32x80x125xi32, #tpu.memory_space<hbm>> -> memref<1x80x125xi32, #tpu.memory_space<hbm>>
      %dma_wait3A_37 = tpu.memref_squeeze %dma_wait3A_36 : memref<1x80x125xi32, #tpu.memory_space<hbm>> -> memref<80x125xi32, #tpu.memory_space<hbm>>
      %dma_wait3A_38 = arith.constant 0 : i32
      %dma_wait3A_39 = arith.constant 0 : i32
      %dma_wait3A_40 = tpu.memref_slice %arg3[%add3A, %dma_wait3A_38, %dma_wait3A_39] : memref<32x80x125xi32, #tpu.memory_space<hbm>> -> memref<1x80x125xi32, #tpu.memory_space<hbm>>
      %dma_wait3A_41 = tpu.memref_squeeze %dma_wait3A_40 : memref<1x80x125xi32, #tpu.memory_space<hbm>> -> memref<80x125xi32, #tpu.memory_space<hbm>>
      tpu.wait_dma2 semaphore(%run_scoped3A : memref<!tpu.dma_semaphore, #tpu.memory_space<semaphore_mem>>) src(%dma_wait3A_41 : memref<80x125xi32, #tpu.memory_space<hbm>>) dst(%arg7 : memref<80x125xi32, #tpu.memory_space<vmem>>)
      tpu.yield
    }) : () -> ()
    "tpu.region"() ({
      %run_scoped3A = tpu.sem_alloc : memref<!tpu.dma_semaphore, #tpu.memory_space<semaphore_mem>>
      %dma_start3A = arith.constant 0 : i32
      %dma_start3A_28 = arith.constant 0 : i32
      %dma_start3A_29 = tpu.memref_slice %arg4[%add3A, %dma_start3A, %dma_start3A_28] : memref<32x80x125xi32, #tpu.memory_space<hbm>> -> memref<1x80x125xi32, #tpu.memory_space<hbm>>
      %dma_start3A_30 = tpu.memref_squeeze %dma_start3A_29 : memref<1x80x125xi32, #tpu.memory_space<hbm>> -> memref<80x125xi32, #tpu.memory_space<hbm>>
      %dma_start3A_31 = arith.constant 0 : i32
      %dma_start3A_32 = arith.constant 0 : i32
      %dma_start3A_33 = tpu.memref_slice %arg4[%add3A, %dma_start3A_31, %dma_start3A_32] : memref<32x80x125xi32, #tpu.memory_space<hbm>> -> memref<1x80x125xi32, #tpu.memory_space<hbm>>
      %dma_start3A_34 = tpu.memref_squeeze %dma_start3A_33 : memref<1x80x125xi32, #tpu.memory_space<hbm>> -> memref<80x125xi32, #tpu.memory_space<hbm>>
      tpu.enqueue_dma source(%dma_start3A_34 : memref<80x125xi32, #tpu.memory_space<hbm>>) target(%arg8 : memref<80x125xi32, #tpu.memory_space<vmem>>) target_semaphore(%run_scoped3A : memref<!tpu.dma_semaphore, #tpu.memory_space<semaphore_mem>>)
      %dma_wait3A = arith.constant 0 : i32
      %dma_wait3A_35 = arith.constant 0 : i32
      %dma_wait3A_36 = tpu.memref_slice %arg4[%add3A, %dma_wait3A, %dma_wait3A_35] : memref<32x80x125xi32, #tpu.memory_space<hbm>> -> memref<1x80x125xi32, #tpu.memory_space<hbm>>
      %dma_wait3A_37 = tpu.memref_squeeze %dma_wait3A_36 : memref<1x80x125xi32, #tpu.memory_space<hbm>> -> memref<80x125xi32, #tpu.memory_space<hbm>>
      %dma_wait3A_38 = arith.constant 0 : i32
      %dma_wait3A_39 = arith.constant 0 : i32
      %dma_wait3A_40 = tpu.memref_slice %arg4[%add3A, %dma_wait3A_38, %dma_wait3A_39] : memref<32x80x125xi32, #tpu.memory_space<hbm>> -> memref<1x80x125xi32, #tpu.memory_space<hbm>>
      %dma_wait3A_41 = tpu.memref_squeeze %dma_wait3A_40 : memref<1x80x125xi32, #tpu.memory_space<hbm>> -> memref<80x125xi32, #tpu.memory_space<hbm>>
      tpu.wait_dma2 semaphore(%run_scoped3A : memref<!tpu.dma_semaphore, #tpu.memory_space<semaphore_mem>>) src(%dma_wait3A_41 : memref<80x125xi32, #tpu.memory_space<hbm>>) dst(%arg8 : memref<80x125xi32, #tpu.memory_space<vmem>>)
      tpu.yield
    }) : () -> ()
    %barrier3A = arith.constant 0 : index
    tpu.barrier barrier_id(%barrier3A)
    %scan3A_12 = arith.constant 0 : i32
    %scan3A_13 = arith.constant 0 : i32
    %scan3A_14 = arith.constant 10 : i32
    %scan3A_15 = arith.addi %scan3A_13, %scan3A_14 : i32
    %scan3A_16 = arith.constant 1 : i32
    scf.for %scan3A_28 = %scan3A_13 to %scan3A_15 step %scan3A_16  : i32 {
      %mul3A_29 = arith.constant 8 : i32
      %mul3A_30 = arith.muli %scan3A_28, %mul3A_29 : i32
      %add3A_31 = arith.constant 0 : i32
      %add3A_32 = arith.addi %mul3A_30, %add3A_31 : i32
      %dma_start3A = arith.constant 0 : i32
      %dma_start3A_33 = arith.constant 0 : i32
      %dma_start3A_34 = arith.constant 0 : i32
      %dma_start3A_35 = arith.constant 0 : i32
      %dma_start3A_36 = tpu.memref_slice %arg9[%dma_start3A, %dma_start3A_34, %dma_start3A_35] : memref<8x125x16xf32, #tpu.memory_space<vmem>> -> memref<1x125x16xf32, #tpu.memory_space<vmem>>
      %dma_start3A_37 = tpu.memref_squeeze %dma_start3A_36 : memref<1x125x16xf32, #tpu.memory_space<vmem>> -> memref<125x16xf32, #tpu.memory_space<vmem>>
      %dma_start3A_38 = arith.constant 0 : i32
      %dma_start3A_39 = tpu.memref_slice %arg7[%add3A_32, %dma_start3A_38] : memref<80x125xi32, #tpu.memory_space<vmem>> -> memref<1x125xi32, #tpu.memory_space<vmem>>
      %dma_start3A_40 = tpu.memref_squeeze %dma_start3A_39 : memref<1x125xi32, #tpu.memory_space<vmem>> -> memref<125xi32, #tpu.memory_space<vmem>>
      %dma_start3A_41 = arith.constant 0 : i32
      %dma_start3A_42 = arith.constant 0 : i32
      %dma_start3A_43 = tpu.memref_slice %arg12[%dma_start3A_41, %dma_start3A_42] : memref<10240x16xf32, #tpu.memory_space<vmem_shared>> -> memref<10240x16xf32, #tpu.memory_space<vmem_shared>>
      %dma_start3A_44 = tpu.memref_slice %arg13[%dma_start3A_33] : memref<8x!tpu.dma_semaphore, #tpu.memory_space<semaphore_mem>> -> memref<1x!tpu.dma_semaphore, #tpu.memory_space<semaphore_mem>>
      %dma_start3A_45 = tpu.memref_squeeze %dma_start3A_44 : memref<1x!tpu.dma_semaphore, #tpu.memory_space<semaphore_mem>> -> memref<!tpu.dma_semaphore, #tpu.memory_space<semaphore_mem>>
      tpu.enqueue_indirect_dma source(%dma_start3A_43 : memref<10240x16xf32, #tpu.memory_space<vmem_shared>>) target(%dma_start3A_37 : memref<125x16xf32, #tpu.memory_space<vmem>>) offsets(%dma_start3A_40 : memref<125xi32, #tpu.memory_space<vmem>>) semaphore(%dma_start3A_45 : memref<!tpu.dma_semaphore, #tpu.memory_space<semaphore_mem>>)
      %add3A_46 = arith.constant 1 : i32
      %add3A_47 = arith.addi %mul3A_30, %add3A_46 : i32
      %dma_start3A_48 = arith.constant 1 : i32
      %dma_start3A_49 = arith.constant 1 : i32
      %dma_start3A_50 = arith.constant 0 : i32
      %dma_start3A_51 = arith.constant 0 : i32
      %dma_start3A_52 = tpu.memref_slice %arg9[%dma_start3A_48, %dma_start3A_50, %dma_start3A_51] : memref<8x125x16xf32, #tpu.memory_space<vmem>> -> memref<1x125x16xf32, #tpu.memory_space<vmem>>
      %dma_start3A_53 = tpu.memref_squeeze %dma_start3A_52 : memref<1x125x16xf32, #tpu.memory_space<vmem>> -> memref<125x16xf32, #tpu.memory_space<vmem>>
      %dma_start3A_54 = arith.constant 0 : i32
      %dma_start3A_55 = tpu.memref_slice %arg7[%add3A_47, %dma_start3A_54] : memref<80x125xi32, #tpu.memory_space<vmem>> -> memref<1x125xi32, #tpu.memory_space<vmem>>
      %dma_start3A_56 = tpu.memref_squeeze %dma_start3A_55 : memref<1x125xi32, #tpu.memory_space<vmem>> -> memref<125xi32, #tpu.memory_space<vmem>>
      %dma_start3A_57 = arith.constant 0 : i32
      %dma_start3A_58 = arith.constant 0 : i32
      %dma_start3A_59 = tpu.memref_slice %arg12[%dma_start3A_57, %dma_start3A_58] : memref<10240x16xf32, #tpu.memory_space<vmem_shared>> -> memref<10240x16xf32, #tpu.memory_space<vmem_shared>>
      %dma_start3A_60 = tpu.memref_slice %arg13[%dma_start3A_49] : memref<8x!tpu.dma_semaphore, #tpu.memory_space<semaphore_mem>> -> memref<1x!tpu.dma_semaphore, #tpu.memory_space<semaphore_mem>>
      %dma_start3A_61 = tpu.memref_squeeze %dma_start3A_60 : memref<1x!tpu.dma_semaphore, #tpu.memory_space<semaphore_mem>> -> memref<!tpu.dma_semaphore, #tpu.memory_space<semaphore_mem>>
      tpu.enqueue_indirect_dma source(%dma_start3A_59 : memref<10240x16xf32, #tpu.memory_space<vmem_shared>>) target(%dma_start3A_53 : memref<125x16xf32, #tpu.memory_space<vmem>>) offsets(%dma_start3A_56 : memref<125xi32, #tpu.memory_space<vmem>>) semaphore(%dma_start3A_61 : memref<!tpu.dma_semaphore, #tpu.memory_space<semaphore_mem>>)
      %add3A_62 = arith.constant 2 : i32
      %add3A_63 = arith.addi %mul3A_30, %add3A_62 : i32
      %dma_start3A_64 = arith.constant 2 : i32
      %dma_start3A_65 = arith.constant 2 : i32
      %dma_start3A_66 = arith.constant 0 : i32
      %dma_start3A_67 = arith.constant 0 : i32
      %dma_start3A_68 = tpu.memref_slice %arg9[%dma_start3A_64, %dma_start3A_66, %dma_start3A_67] : memref<8x125x16xf32, #tpu.memory_space<vmem>> -> memref<1x125x16xf32, #tpu.memory_space<vmem>>
      %dma_start3A_69 = tpu.memref_squeeze %dma_start3A_68 : memref<1x125x16xf32, #tpu.memory_space<vmem>> -> memref<125x16xf32, #tpu.memory_space<vmem>>
      %dma_start3A_70 = arith.constant 0 : i32
      %dma_start3A_71 = tpu.memref_slice %arg7[%add3A_63, %dma_start3A_70] : memref<80x125xi32, #tpu.memory_space<vmem>> -> memref<1x125xi32, #tpu.memory_space<vmem>>
      %dma_start3A_72 = tpu.memref_squeeze %dma_start3A_71 : memref<1x125xi32, #tpu.memory_space<vmem>> -> memref<125xi32, #tpu.memory_space<vmem>>
      %dma_start3A_73 = arith.constant 0 : i32
      %dma_start3A_74 = arith.constant 0 : i32
      %dma_start3A_75 = tpu.memref_slice %arg12[%dma_start3A_73, %dma_start3A_74] : memref<10240x16xf32, #tpu.memory_space<vmem_shared>> -> memref<10240x16xf32, #tpu.memory_space<vmem_shared>>
      %dma_start3A_76 = tpu.memref_slice %arg13[%dma_start3A_65] : memref<8x!tpu.dma_semaphore, #tpu.memory_space<semaphore_mem>> -> memref<1x!tpu.dma_semaphore, #tpu.memory_space<semaphore_mem>>
      %dma_start3A_77 = tpu.memref_squeeze %dma_start3A_76 : memref<1x!tpu.dma_semaphore, #tpu.memory_space<semaphore_mem>> -> memref<!tpu.dma_semaphore, #tpu.memory_space<semaphore_mem>>
      tpu.enqueue_indirect_dma source(%dma_start3A_75 : memref<10240x16xf32, #tpu.memory_space<vmem_shared>>) target(%dma_start3A_69 : memref<125x16xf32, #tpu.memory_space<vmem>>) offsets(%dma_start3A_72 : memref<125xi32, #tpu.memory_space<vmem>>) semaphore(%dma_start3A_77 : memref<!tpu.dma_semaphore, #tpu.memory_space<semaphore_mem>>)
      %add3A_78 = arith.constant 3 : i32
      %add3A_79 = arith.addi %mul3A_30, %add3A_78 : i32
      %dma_start3A_80 = arith.constant 3 : i32
      %dma_start3A_81 = arith.constant 3 : i32
      %dma_start3A_82 = arith.constant 0 : i32
      %dma_start3A_83 = arith.constant 0 : i32
      %dma_start3A_84 = tpu.memref_slice %arg9[%dma_start3A_80, %dma_start3A_82, %dma_start3A_83] : memref<8x125x16xf32, #tpu.memory_space<vmem>> -> memref<1x125x16xf32, #tpu.memory_space<vmem>>
      %dma_start3A_85 = tpu.memref_squeeze %dma_start3A_84 : memref<1x125x16xf32, #tpu.memory_space<vmem>> -> memref<125x16xf32, #tpu.memory_space<vmem>>
      %dma_start3A_86 = arith.constant 0 : i32
      %dma_start3A_87 = tpu.memref_slice %arg7[%add3A_79, %dma_start3A_86] : memref<80x125xi32, #tpu.memory_space<vmem>> -> memref<1x125xi32, #tpu.memory_space<vmem>>
      %dma_start3A_88 = tpu.memref_squeeze %dma_start3A_87 : memref<1x125xi32, #tpu.memory_space<vmem>> -> memref<125xi32, #tpu.memory_space<vmem>>
      %dma_start3A_89 = arith.constant 0 : i32
      %dma_start3A_90 = arith.constant 0 : i32
      %dma_start3A_91 = tpu.memref_slice %arg12[%dma_start3A_89, %dma_start3A_90] : memref<10240x16xf32, #tpu.memory_space<vmem_shared>> -> memref<10240x16xf32, #tpu.memory_space<vmem_shared>>
      %dma_start3A_92 = tpu.memref_slice %arg13[%dma_start3A_81] : memref<8x!tpu.dma_semaphore, #tpu.memory_space<semaphore_mem>> -> memref<1x!tpu.dma_semaphore, #tpu.memory_space<semaphore_mem>>
      %dma_start3A_93 = tpu.memref_squeeze %dma_start3A_92 : memref<1x!tpu.dma_semaphore, #tpu.memory_space<semaphore_mem>> -> memref<!tpu.dma_semaphore, #tpu.memory_space<semaphore_mem>>
      tpu.enqueue_indirect_dma source(%dma_start3A_91 : memref<10240x16xf32, #tpu.memory_space<vmem_shared>>) target(%dma_start3A_85 : memref<125x16xf32, #tpu.memory_space<vmem>>) offsets(%dma_start3A_88 : memref<125xi32, #tpu.memory_space<vmem>>) semaphore(%dma_start3A_93 : memref<!tpu.dma_semaphore, #tpu.memory_space<semaphore_mem>>)
      %add3A_94 = arith.constant 4 : i32
      %add3A_95 = arith.addi %mul3A_30, %add3A_94 : i32
      %dma_start3A_96 = arith.constant 4 : i32
      %dma_start3A_97 = arith.constant 4 : i32
      %dma_start3A_98 = arith.constant 0 : i32
      %dma_start3A_99 = arith.constant 0 : i32
      %dma_start3A_100 = tpu.memref_slice %arg9[%dma_start3A_96, %dma_start3A_98, %dma_start3A_99] : memref<8x125x16xf32, #tpu.memory_space<vmem>> -> memref<1x125x16xf32, #tpu.memory_space<vmem>>
      %dma_start3A_101 = tpu.memref_squeeze %dma_start3A_100 : memref<1x125x16xf32, #tpu.memory_space<vmem>> -> memref<125x16xf32, #tpu.memory_space<vmem>>
      %dma_start3A_102 = arith.constant 0 : i32
      %dma_start3A_103 = tpu.memref_slice %arg7[%add3A_95, %dma_start3A_102] : memref<80x125xi32, #tpu.memory_space<vmem>> -> memref<1x125xi32, #tpu.memory_space<vmem>>
      %dma_start3A_104 = tpu.memref_squeeze %dma_start3A_103 : memref<1x125xi32, #tpu.memory_space<vmem>> -> memref<125xi32, #tpu.memory_space<vmem>>
      %dma_start3A_105 = arith.constant 0 : i32
      %dma_start3A_106 = arith.constant 0 : i32
      %dma_start3A_107 = tpu.memref_slice %arg12[%dma_start3A_105, %dma_start3A_106] : memref<10240x16xf32, #tpu.memory_space<vmem_shared>> -> memref<10240x16xf32, #tpu.memory_space<vmem_shared>>
      %dma_start3A_108 = tpu.memref_slice %arg13[%dma_start3A_97] : memref<8x!tpu.dma_semaphore, #tpu.memory_space<semaphore_mem>> -> memref<1x!tpu.dma_semaphore, #tpu.memory_space<semaphore_mem>>
      %dma_start3A_109 = tpu.memref_squeeze %dma_start3A_108 : memref<1x!tpu.dma_semaphore, #tpu.memory_space<semaphore_mem>> -> memref<!tpu.dma_semaphore, #tpu.memory_space<semaphore_mem>>
      tpu.enqueue_indirect_dma source(%dma_start3A_107 : memref<10240x16xf32, #tpu.memory_space<vmem_shared>>) target(%dma_start3A_101 : memref<125x16xf32, #tpu.memory_space<vmem>>) offsets(%dma_start3A_104 : memref<125xi32, #tpu.memory_space<vmem>>) semaphore(%dma_start3A_109 : memref<!tpu.dma_semaphore, #tpu.memory_space<semaphore_mem>>)
      %add3A_110 = arith.constant 5 : i32
      %add3A_111 = arith.addi %mul3A_30, %add3A_110 : i32
      %dma_start3A_112 = arith.constant 5 : i32
      %dma_start3A_113 = arith.constant 5 : i32
      %dma_start3A_114 = arith.constant 0 : i32
      %dma_start3A_115 = arith.constant 0 : i32
      %dma_start3A_116 = tpu.memref_slice %arg9[%dma_start3A_112, %dma_start3A_114, %dma_start3A_115] : memref<8x125x16xf32, #tpu.memory_space<vmem>> -> memref<1x125x16xf32, #tpu.memory_space<vmem>>
      %dma_start3A_117 = tpu.memref_squeeze %dma_start3A_116 : memref<1x125x16xf32, #tpu.memory_space<vmem>> -> memref<125x16xf32, #tpu.memory_space<vmem>>
      %dma_start3A_118 = arith.constant 0 : i32
      %dma_start3A_119 = tpu.memref_slice %arg7[%add3A_111, %dma_start3A_118] : memref<80x125xi32, #tpu.memory_space<vmem>> -> memref<1x125xi32, #tpu.memory_space<vmem>>
      %dma_start3A_120 = tpu.memref_squeeze %dma_start3A_119 : memref<1x125xi32, #tpu.memory_space<vmem>> -> memref<125xi32, #tpu.memory_space<vmem>>
      %dma_start3A_121 = arith.constant 0 : i32
      %dma_start3A_122 = arith.constant 0 : i32
      %dma_start3A_123 = tpu.memref_slice %arg12[%dma_start3A_121, %dma_start3A_122] : memref<10240x16xf32, #tpu.memory_space<vmem_shared>> -> memref<10240x16xf32, #tpu.memory_space<vmem_shared>>
      %dma_start3A_124 = tpu.memref_slice %arg13[%dma_start3A_113] : memref<8x!tpu.dma_semaphore, #tpu.memory_space<semaphore_mem>> -> memref<1x!tpu.dma_semaphore, #tpu.memory_space<semaphore_mem>>
      %dma_start3A_125 = tpu.memref_squeeze %dma_start3A_124 : memref<1x!tpu.dma_semaphore, #tpu.memory_space<semaphore_mem>> -> memref<!tpu.dma_semaphore, #tpu.memory_space<semaphore_mem>>
      tpu.enqueue_indirect_dma source(%dma_start3A_123 : memref<10240x16xf32, #tpu.memory_space<vmem_shared>>) target(%dma_start3A_117 : memref<125x16xf32, #tpu.memory_space<vmem>>) offsets(%dma_start3A_120 : memref<125xi32, #tpu.memory_space<vmem>>) semaphore(%dma_start3A_125 : memref<!tpu.dma_semaphore, #tpu.memory_space<semaphore_mem>>)
      %add3A_126 = arith.constant 6 : i32
      %add3A_127 = arith.addi %mul3A_30, %add3A_126 : i32
      %dma_start3A_128 = arith.constant 6 : i32
      %dma_start3A_129 = arith.constant 6 : i32
      %dma_start3A_130 = arith.constant 0 : i32
      %dma_start3A_131 = arith.constant 0 : i32
      %dma_start3A_132 = tpu.memref_slice %arg9[%dma_start3A_128, %dma_start3A_130, %dma_start3A_131] : memref<8x125x16xf32, #tpu.memory_space<vmem>> -> memref<1x125x16xf32, #tpu.memory_space<vmem>>
      %dma_start3A_133 = tpu.memref_squeeze %dma_start3A_132 : memref<1x125x16xf32, #tpu.memory_space<vmem>> -> memref<125x16xf32, #tpu.memory_space<vmem>>
      %dma_start3A_134 = arith.constant 0 : i32
      %dma_start3A_135 = tpu.memref_slice %arg7[%add3A_127, %dma_start3A_134] : memref<80x125xi32, #tpu.memory_space<vmem>> -> memref<1x125xi32, #tpu.memory_space<vmem>>
      %dma_start3A_136 = tpu.memref_squeeze %dma_start3A_135 : memref<1x125xi32, #tpu.memory_space<vmem>> -> memref<125xi32, #tpu.memory_space<vmem>>
      %dma_start3A_137 = arith.constant 0 : i32
      %dma_start3A_138 = arith.constant 0 : i32
      %dma_start3A_139 = tpu.memref_slice %arg12[%dma_start3A_137, %dma_start3A_138] : memref<10240x16xf32, #tpu.memory_space<vmem_shared>> -> memref<10240x16xf32, #tpu.memory_space<vmem_shared>>
      %dma_start3A_140 = tpu.memref_slice %arg13[%dma_start3A_129] : memref<8x!tpu.dma_semaphore, #tpu.memory_space<semaphore_mem>> -> memref<1x!tpu.dma_semaphore, #tpu.memory_space<semaphore_mem>>
      %dma_start3A_141 = tpu.memref_squeeze %dma_start3A_140 : memref<1x!tpu.dma_semaphore, #tpu.memory_space<semaphore_mem>> -> memref<!tpu.dma_semaphore, #tpu.memory_space<semaphore_mem>>
      tpu.enqueue_indirect_dma source(%dma_start3A_139 : memref<10240x16xf32, #tpu.memory_space<vmem_shared>>) target(%dma_start3A_133 : memref<125x16xf32, #tpu.memory_space<vmem>>) offsets(%dma_start3A_136 : memref<125xi32, #tpu.memory_space<vmem>>) semaphore(%dma_start3A_141 : memref<!tpu.dma_semaphore, #tpu.memory_space<semaphore_mem>>)
      %add3A_142 = arith.constant 7 : i32
      %add3A_143 = arith.addi %mul3A_30, %add3A_142 : i32
      %dma_start3A_144 = arith.constant 7 : i32
      %dma_start3A_145 = arith.constant 7 : i32
      %dma_start3A_146 = arith.constant 0 : i32
      %dma_start3A_147 = arith.constant 0 : i32
      %dma_start3A_148 = tpu.memref_slice %arg9[%dma_start3A_144, %dma_start3A_146, %dma_start3A_147] : memref<8x125x16xf32, #tpu.memory_space<vmem>> -> memref<1x125x16xf32, #tpu.memory_space<vmem>>
      %dma_start3A_149 = tpu.memref_squeeze %dma_start3A_148 : memref<1x125x16xf32, #tpu.memory_space<vmem>> -> memref<125x16xf32, #tpu.memory_space<vmem>>
      %dma_start3A_150 = arith.constant 0 : i32
      %dma_start3A_151 = tpu.memref_slice %arg7[%add3A_143, %dma_start3A_150] : memref<80x125xi32, #tpu.memory_space<vmem>> -> memref<1x125xi32, #tpu.memory_space<vmem>>
      %dma_start3A_152 = tpu.memref_squeeze %dma_start3A_151 : memref<1x125xi32, #tpu.memory_space<vmem>> -> memref<125xi32, #tpu.memory_space<vmem>>
      %dma_start3A_153 = arith.constant 0 : i32
      %dma_start3A_154 = arith.constant 0 : i32
      %dma_start3A_155 = tpu.memref_slice %arg12[%dma_start3A_153, %dma_start3A_154] : memref<10240x16xf32, #tpu.memory_space<vmem_shared>> -> memref<10240x16xf32, #tpu.memory_space<vmem_shared>>
      %dma_start3A_156 = tpu.memref_slice %arg13[%dma_start3A_145] : memref<8x!tpu.dma_semaphore, #tpu.memory_space<semaphore_mem>> -> memref<1x!tpu.dma_semaphore, #tpu.memory_space<semaphore_mem>>
      %dma_start3A_157 = tpu.memref_squeeze %dma_start3A_156 : memref<1x!tpu.dma_semaphore, #tpu.memory_space<semaphore_mem>> -> memref<!tpu.dma_semaphore, #tpu.memory_space<semaphore_mem>>
      tpu.enqueue_indirect_dma source(%dma_start3A_155 : memref<10240x16xf32, #tpu.memory_space<vmem_shared>>) target(%dma_start3A_149 : memref<125x16xf32, #tpu.memory_space<vmem>>) offsets(%dma_start3A_152 : memref<125xi32, #tpu.memory_space<vmem>>) semaphore(%dma_start3A_157 : memref<!tpu.dma_semaphore, #tpu.memory_space<semaphore_mem>>)
      %dma_wait3A = arith.constant 0 : i32
      %dma_wait3A_158 = arith.constant 0 : i32
      %dma_wait3A_159 = arith.constant 0 : i32
      %dma_wait3A_160 = arith.constant 0 : i32
      %dma_wait3A_161 = tpu.memref_slice %arg9[%dma_wait3A, %dma_wait3A_159, %dma_wait3A_160] : memref<8x125x16xf32, #tpu.memory_space<vmem>> -> memref<1x125x16xf32, #tpu.memory_space<vmem>>
      %dma_wait3A_162 = tpu.memref_squeeze %dma_wait3A_161 : memref<1x125x16xf32, #tpu.memory_space<vmem>> -> memref<125x16xf32, #tpu.memory_space<vmem>>
      %dma_wait3A_163 = arith.constant 0 : i32
      %dma_wait3A_164 = tpu.memref_slice %arg7[%add3A_32, %dma_wait3A_163] : memref<80x125xi32, #tpu.memory_space<vmem>> -> memref<1x125xi32, #tpu.memory_space<vmem>>
      %dma_wait3A_165 = tpu.memref_squeeze %dma_wait3A_164 : memref<1x125xi32, #tpu.memory_space<vmem>> -> memref<125xi32, #tpu.memory_space<vmem>>
      %dma_wait3A_166 = arith.constant 0 : i32
      %dma_wait3A_167 = arith.constant 0 : i32
      %dma_wait3A_168 = tpu.memref_slice %arg12[%dma_wait3A_166, %dma_wait3A_167] : memref<10240x16xf32, #tpu.memory_space<vmem_shared>> -> memref<10240x16xf32, #tpu.memory_space<vmem_shared>>
      %dma_wait3A_169 = tpu.memref_slice %arg13[%dma_wait3A_158] : memref<8x!tpu.dma_semaphore, #tpu.memory_space<semaphore_mem>> -> memref<1x!tpu.dma_semaphore, #tpu.memory_space<semaphore_mem>>
      %dma_wait3A_170 = tpu.memref_squeeze %dma_wait3A_169 : memref<1x!tpu.dma_semaphore, #tpu.memory_space<semaphore_mem>> -> memref<!tpu.dma_semaphore, #tpu.memory_space<semaphore_mem>>
      tpu.wait_indirect_dma semaphore(%dma_wait3A_170 : memref<!tpu.dma_semaphore, #tpu.memory_space<semaphore_mem>>) src(%dma_wait3A_168 : memref<10240x16xf32, #tpu.memory_space<vmem_shared>>) dst(%dma_wait3A_162 : memref<125x16xf32, #tpu.memory_space<vmem>>)
      %add3A_171 = arith.constant 0 : i32
      %add3A_172 = arith.addi %mul3A_30, %add3A_171 : i32
      %run_scoped3A = arith.constant 0 : i32
      "tpu.region"() ({
        %run_scoped3A_292 = tpu.sem_alloc : memref<!tpu.dma_semaphore, #tpu.memory_space<semaphore_mem>>
        %dma_start3A_293 = arith.constant 0 : i32
        %dma_start3A_294 = arith.constant 0 : i32
        %dma_start3A_295 = tpu.memref_slice %arg9[%run_scoped3A, %dma_start3A_293, %dma_start3A_294] : memref<8x125x16xf32, #tpu.memory_space<vmem>> -> memref<1x125x16xf32, #tpu.memory_space<vmem>>
        %dma_start3A_296 = tpu.memref_squeeze %dma_start3A_295 : memref<1x125x16xf32, #tpu.memory_space<vmem>> -> memref<125x16xf32, #tpu.memory_space<vmem>>
        %dma_start3A_297 = arith.constant 0 : i32
        %dma_start3A_298 = tpu.memref_slice %arg8[%add3A_172, %dma_start3A_297] : memref<80x125xi32, #tpu.memory_space<vmem>> -> memref<1x125xi32, #tpu.memory_space<vmem>>
        %dma_start3A_299 = tpu.memref_squeeze %dma_start3A_298 : memref<1x125xi32, #tpu.memory_space<vmem>> -> memref<125xi32, #tpu.memory_space<vmem>>
        %dma_start3A_300 = arith.constant 0 : i32
        %dma_start3A_301 = arith.constant 0 : i32
        %dma_start3A_302 = tpu.memref_slice %arg11[%dma_start3A_300, %dma_start3A_301] : memref<10240x16xf32, #tpu.memory_space<vmem_shared>> -> memref<10240x16xf32, #tpu.memory_space<vmem_shared>>
        tpu.enqueue_indirect_dma source(%dma_start3A_296 : memref<125x16xf32, #tpu.memory_space<vmem>>) target(%dma_start3A_302 : memref<10240x16xf32, #tpu.memory_space<vmem_shared>>) offsets(%dma_start3A_299 : memref<125xi32, #tpu.memory_space<vmem>>) semaphore(%run_scoped3A_292 : memref<!tpu.dma_semaphore, #tpu.memory_space<semaphore_mem>>) {add = true}
        %dma_wait3A_303 = arith.constant 0 : i32
        %dma_wait3A_304 = arith.constant 0 : i32
        %dma_wait3A_305 = tpu.memref_slice %arg9[%run_scoped3A, %dma_wait3A_303, %dma_wait3A_304] : memref<8x125x16xf32, #tpu.memory_space<vmem>> -> memref<1x125x16xf32, #tpu.memory_space<vmem>>
        %dma_wait3A_306 = tpu.memref_squeeze %dma_wait3A_305 : memref<1x125x16xf32, #tpu.memory_space<vmem>> -> memref<125x16xf32, #tpu.memory_space<vmem>>
        %dma_wait3A_307 = arith.constant 0 : i32
        %dma_wait3A_308 = tpu.memref_slice %arg8[%add3A_172, %dma_wait3A_307] : memref<80x125xi32, #tpu.memory_space<vmem>> -> memref<1x125xi32, #tpu.memory_space<vmem>>
        %dma_wait3A_309 = tpu.memref_squeeze %dma_wait3A_308 : memref<1x125xi32, #tpu.memory_space<vmem>> -> memref<125xi32, #tpu.memory_space<vmem>>
        %dma_wait3A_310 = arith.constant 0 : i32
        %dma_wait3A_311 = arith.constant 0 : i32
        %dma_wait3A_312 = tpu.memref_slice %arg11[%dma_wait3A_310, %dma_wait3A_311] : memref<10240x16xf32, #tpu.memory_space<vmem_shared>> -> memref<10240x16xf32, #tpu.memory_space<vmem_shared>>
        tpu.wait_indirect_dma semaphore(%run_scoped3A_292 : memref<!tpu.dma_semaphore, #tpu.memory_space<semaphore_mem>>) src(%dma_wait3A_306 : memref<125x16xf32, #tpu.memory_space<vmem>>) dst(%dma_wait3A_312 : memref<10240x16xf32, #tpu.memory_space<vmem_shared>>)
        tpu.yield
      }) : () -> ()
      %dma_wait3A_173 = arith.constant 1 : i32
      %dma_wait3A_174 = arith.constant 1 : i32
      %dma_wait3A_175 = arith.constant 0 : i32
      %dma_wait3A_176 = arith.constant 0 : i32
      %dma_wait3A_177 = tpu.memref_slice %arg9[%dma_wait3A_173, %dma_wait3A_175, %dma_wait3A_176] : memref<8x125x16xf32, #tpu.memory_space<vmem>> -> memref<1x125x16xf32, #tpu.memory_space<vmem>>
      %dma_wait3A_178 = tpu.memref_squeeze %dma_wait3A_177 : memref<1x125x16xf32, #tpu.memory_space<vmem>> -> memref<125x16xf32, #tpu.memory_space<vmem>>
      %dma_wait3A_179 = arith.constant 0 : i32
      %dma_wait3A_180 = tpu.memref_slice %arg7[%add3A_47, %dma_wait3A_179] : memref<80x125xi32, #tpu.memory_space<vmem>> -> memref<1x125xi32, #tpu.memory_space<vmem>>
      %dma_wait3A_181 = tpu.memref_squeeze %dma_wait3A_180 : memref<1x125xi32, #tpu.memory_space<vmem>> -> memref<125xi32, #tpu.memory_space<vmem>>
      %dma_wait3A_182 = arith.constant 0 : i32
      %dma_wait3A_183 = arith.constant 0 : i32
      %dma_wait3A_184 = tpu.memref_slice %arg12[%dma_wait3A_182, %dma_wait3A_183] : memref<10240x16xf32, #tpu.memory_space<vmem_shared>> -> memref<10240x16xf32, #tpu.memory_space<vmem_shared>>
      %dma_wait3A_185 = tpu.memref_slice %arg13[%dma_wait3A_174] : memref<8x!tpu.dma_semaphore, #tpu.memory_space<semaphore_mem>> -> memref<1x!tpu.dma_semaphore, #tpu.memory_space<semaphore_mem>>
      %dma_wait3A_186 = tpu.memref_squeeze %dma_wait3A_185 : memref<1x!tpu.dma_semaphore, #tpu.memory_space<semaphore_mem>> -> memref<!tpu.dma_semaphore, #tpu.memory_space<semaphore_mem>>
      tpu.wait_indirect_dma semaphore(%dma_wait3A_186 : memref<!tpu.dma_semaphore, #tpu.memory_space<semaphore_mem>>) src(%dma_wait3A_184 : memref<10240x16xf32, #tpu.memory_space<vmem_shared>>) dst(%dma_wait3A_178 : memref<125x16xf32, #tpu.memory_space<vmem>>)
      %add3A_187 = arith.constant 1 : i32
      %add3A_188 = arith.addi %mul3A_30, %add3A_187 : i32
      %run_scoped3A_189 = arith.constant 1 : i32
      "tpu.region"() ({
        %run_scoped3A_292 = tpu.sem_alloc : memref<!tpu.dma_semaphore, #tpu.memory_space<semaphore_mem>>
        %dma_start3A_293 = arith.constant 0 : i32
        %dma_start3A_294 = arith.constant 0 : i32
        %dma_start3A_295 = tpu.memref_slice %arg9[%run_scoped3A_189, %dma_start3A_293, %dma_start3A_294] : memref<8x125x16xf32, #tpu.memory_space<vmem>> -> memref<1x125x16xf32, #tpu.memory_space<vmem>>
        %dma_start3A_296 = tpu.memref_squeeze %dma_start3A_295 : memref<1x125x16xf32, #tpu.memory_space<vmem>> -> memref<125x16xf32, #tpu.memory_space<vmem>>
        %dma_start3A_297 = arith.constant 0 : i32
        %dma_start3A_298 = tpu.memref_slice %arg8[%add3A_188, %dma_start3A_297] : memref<80x125xi32, #tpu.memory_space<vmem>> -> memref<1x125xi32, #tpu.memory_space<vmem>>
        %dma_start3A_299 = tpu.memref_squeeze %dma_start3A_298 : memref<1x125xi32, #tpu.memory_space<vmem>> -> memref<125xi32, #tpu.memory_space<vmem>>
        %dma_start3A_300 = arith.constant 0 : i32
        %dma_start3A_301 = arith.constant 0 : i32
        %dma_start3A_302 = tpu.memref_slice %arg11[%dma_start3A_300, %dma_start3A_301] : memref<10240x16xf32, #tpu.memory_space<vmem_shared>> -> memref<10240x16xf32, #tpu.memory_space<vmem_shared>>
        tpu.enqueue_indirect_dma source(%dma_start3A_296 : memref<125x16xf32, #tpu.memory_space<vmem>>) target(%dma_start3A_302 : memref<10240x16xf32, #tpu.memory_space<vmem_shared>>) offsets(%dma_start3A_299 : memref<125xi32, #tpu.memory_space<vmem>>) semaphore(%run_scoped3A_292 : memref<!tpu.dma_semaphore, #tpu.memory_space<semaphore_mem>>) {add = true}
        %dma_wait3A_303 = arith.constant 0 : i32
        %dma_wait3A_304 = arith.constant 0 : i32
        %dma_wait3A_305 = tpu.memref_slice %arg9[%run_scoped3A_189, %dma_wait3A_303, %dma_wait3A_304] : memref<8x125x16xf32, #tpu.memory_space<vmem>> -> memref<1x125x16xf32, #tpu.memory_space<vmem>>
        %dma_wait3A_306 = tpu.memref_squeeze %dma_wait3A_305 : memref<1x125x16xf32, #tpu.memory_space<vmem>> -> memref<125x16xf32, #tpu.memory_space<vmem>>
        %dma_wait3A_307 = arith.constant 0 : i32
        %dma_wait3A_308 = tpu.memref_slice %arg8[%add3A_188, %dma_wait3A_307] : memref<80x125xi32, #tpu.memory_space<vmem>> -> memref<1x125xi32, #tpu.memory_space<vmem>>
        %dma_wait3A_309 = tpu.memref_squeeze %dma_wait3A_308 : memref<1x125xi32, #tpu.memory_space<vmem>> -> memref<125xi32, #tpu.memory_space<vmem>>
        %dma_wait3A_310 = arith.constant 0 : i32
        %dma_wait3A_311 = arith.constant 0 : i32
        %dma_wait3A_312 = tpu.memref_slice %arg11[%dma_wait3A_310, %dma_wait3A_311] : memref<10240x16xf32, #tpu.memory_space<vmem_shared>> -> memref<10240x16xf32, #tpu.memory_space<vmem_shared>>
        tpu.wait_indirect_dma semaphore(%run_scoped3A_292 : memref<!tpu.dma_semaphore, #tpu.memory_space<semaphore_mem>>) src(%dma_wait3A_306 : memref<125x16xf32, #tpu.memory_space<vmem>>) dst(%dma_wait3A_312 : memref<10240x16xf32, #tpu.memory_space<vmem_shared>>)
        tpu.yield
      }) : () -> ()
      %dma_wait3A_190 = arith.constant 2 : i32
      %dma_wait3A_191 = arith.constant 2 : i32
      %dma_wait3A_192 = arith.constant 0 : i32
      %dma_wait3A_193 = arith.constant 0 : i32
      %dma_wait3A_194 = tpu.memref_slice %arg9[%dma_wait3A_190, %dma_wait3A_192, %dma_wait3A_193] : memref<8x125x16xf32, #tpu.memory_space<vmem>> -> memref<1x125x16xf32, #tpu.memory_space<vmem>>
      %dma_wait3A_195 = tpu.memref_squeeze %dma_wait3A_194 : memref<1x125x16xf32, #tpu.memory_space<vmem>> -> memref<125x16xf32, #tpu.memory_space<vmem>>
      %dma_wait3A_196 = arith.constant 0 : i32
      %dma_wait3A_197 = tpu.memref_slice %arg7[%add3A_63, %dma_wait3A_196] : memref<80x125xi32, #tpu.memory_space<vmem>> -> memref<1x125xi32, #tpu.memory_space<vmem>>
      %dma_wait3A_198 = tpu.memref_squeeze %dma_wait3A_197 : memref<1x125xi32, #tpu.memory_space<vmem>> -> memref<125xi32, #tpu.memory_space<vmem>>
      %dma_wait3A_199 = arith.constant 0 : i32
      %dma_wait3A_200 = arith.constant 0 : i32
      %dma_wait3A_201 = tpu.memref_slice %arg12[%dma_wait3A_199, %dma_wait3A_200] : memref<10240x16xf32, #tpu.memory_space<vmem_shared>> -> memref<10240x16xf32, #tpu.memory_space<vmem_shared>>
      %dma_wait3A_202 = tpu.memref_slice %arg13[%dma_wait3A_191] : memref<8x!tpu.dma_semaphore, #tpu.memory_space<semaphore_mem>> -> memref<1x!tpu.dma_semaphore, #tpu.memory_space<semaphore_mem>>
      %dma_wait3A_203 = tpu.memref_squeeze %dma_wait3A_202 : memref<1x!tpu.dma_semaphore, #tpu.memory_space<semaphore_mem>> -> memref<!tpu.dma_semaphore, #tpu.memory_space<semaphore_mem>>
      tpu.wait_indirect_dma semaphore(%dma_wait3A_203 : memref<!tpu.dma_semaphore, #tpu.memory_space<semaphore_mem>>) src(%dma_wait3A_201 : memref<10240x16xf32, #tpu.memory_space<vmem_shared>>) dst(%dma_wait3A_195 : memref<125x16xf32, #tpu.memory_space<vmem>>)
      %add3A_204 = arith.constant 2 : i32
      %add3A_205 = arith.addi %mul3A_30, %add3A_204 : i32
      %run_scoped3A_206 = arith.constant 2 : i32
      "tpu.region"() ({
        %run_scoped3A_292 = tpu.sem_alloc : memref<!tpu.dma_semaphore, #tpu.memory_space<semaphore_mem>>
        %dma_start3A_293 = arith.constant 0 : i32
        %dma_start3A_294 = arith.constant 0 : i32
        %dma_start3A_295 = tpu.memref_slice %arg9[%run_scoped3A_206, %dma_start3A_293, %dma_start3A_294] : memref<8x125x16xf32, #tpu.memory_space<vmem>> -> memref<1x125x16xf32, #tpu.memory_space<vmem>>
        %dma_start3A_296 = tpu.memref_squeeze %dma_start3A_295 : memref<1x125x16xf32, #tpu.memory_space<vmem>> -> memref<125x16xf32, #tpu.memory_space<vmem>>
        %dma_start3A_297 = arith.constant 0 : i32
        %dma_start3A_298 = tpu.memref_slice %arg8[%add3A_205, %dma_start3A_297] : memref<80x125xi32, #tpu.memory_space<vmem>> -> memref<1x125xi32, #tpu.memory_space<vmem>>
        %dma_start3A_299 = tpu.memref_squeeze %dma_start3A_298 : memref<1x125xi32, #tpu.memory_space<vmem>> -> memref<125xi32, #tpu.memory_space<vmem>>
        %dma_start3A_300 = arith.constant 0 : i32
        %dma_start3A_301 = arith.constant 0 : i32
        %dma_start3A_302 = tpu.memref_slice %arg11[%dma_start3A_300, %dma_start3A_301] : memref<10240x16xf32, #tpu.memory_space<vmem_shared>> -> memref<10240x16xf32, #tpu.memory_space<vmem_shared>>
        tpu.enqueue_indirect_dma source(%dma_start3A_296 : memref<125x16xf32, #tpu.memory_space<vmem>>) target(%dma_start3A_302 : memref<10240x16xf32, #tpu.memory_space<vmem_shared>>) offsets(%dma_start3A_299 : memref<125xi32, #tpu.memory_space<vmem>>) semaphore(%run_scoped3A_292 : memref<!tpu.dma_semaphore, #tpu.memory_space<semaphore_mem>>) {add = true}
        %dma_wait3A_303 = arith.constant 0 : i32
        %dma_wait3A_304 = arith.constant 0 : i32
        %dma_wait3A_305 = tpu.memref_slice %arg9[%run_scoped3A_206, %dma_wait3A_303, %dma_wait3A_304] : memref<8x125x16xf32, #tpu.memory_space<vmem>> -> memref<1x125x16xf32, #tpu.memory_space<vmem>>
        %dma_wait3A_306 = tpu.memref_squeeze %dma_wait3A_305 : memref<1x125x16xf32, #tpu.memory_space<vmem>> -> memref<125x16xf32, #tpu.memory_space<vmem>>
        %dma_wait3A_307 = arith.constant 0 : i32
        %dma_wait3A_308 = tpu.memref_slice %arg8[%add3A_205, %dma_wait3A_307] : memref<80x125xi32, #tpu.memory_space<vmem>> -> memref<1x125xi32, #tpu.memory_space<vmem>>
        %dma_wait3A_309 = tpu.memref_squeeze %dma_wait3A_308 : memref<1x125xi32, #tpu.memory_space<vmem>> -> memref<125xi32, #tpu.memory_space<vmem>>
        %dma_wait3A_310 = arith.constant 0 : i32
        %dma_wait3A_311 = arith.constant 0 : i32
        %dma_wait3A_312 = tpu.memref_slice %arg11[%dma_wait3A_310, %dma_wait3A_311] : memref<10240x16xf32, #tpu.memory_space<vmem_shared>> -> memref<10240x16xf32, #tpu.memory_space<vmem_shared>>
        tpu.wait_indirect_dma semaphore(%run_scoped3A_292 : memref<!tpu.dma_semaphore, #tpu.memory_space<semaphore_mem>>) src(%dma_wait3A_306 : memref<125x16xf32, #tpu.memory_space<vmem>>) dst(%dma_wait3A_312 : memref<10240x16xf32, #tpu.memory_space<vmem_shared>>)
        tpu.yield
      }) : () -> ()
      %dma_wait3A_207 = arith.constant 3 : i32
      %dma_wait3A_208 = arith.constant 3 : i32
      %dma_wait3A_209 = arith.constant 0 : i32
      %dma_wait3A_210 = arith.constant 0 : i32
      %dma_wait3A_211 = tpu.memref_slice %arg9[%dma_wait3A_207, %dma_wait3A_209, %dma_wait3A_210] : memref<8x125x16xf32, #tpu.memory_space<vmem>> -> memref<1x125x16xf32, #tpu.memory_space<vmem>>
      %dma_wait3A_212 = tpu.memref_squeeze %dma_wait3A_211 : memref<1x125x16xf32, #tpu.memory_space<vmem>> -> memref<125x16xf32, #tpu.memory_space<vmem>>
      %dma_wait3A_213 = arith.constant 0 : i32
      %dma_wait3A_214 = tpu.memref_slice %arg7[%add3A_79, %dma_wait3A_213] : memref<80x125xi32, #tpu.memory_space<vmem>> -> memref<1x125xi32, #tpu.memory_space<vmem>>
      %dma_wait3A_215 = tpu.memref_squeeze %dma_wait3A_214 : memref<1x125xi32, #tpu.memory_space<vmem>> -> memref<125xi32, #tpu.memory_space<vmem>>
      %dma_wait3A_216 = arith.constant 0 : i32
      %dma_wait3A_217 = arith.constant 0 : i32
      %dma_wait3A_218 = tpu.memref_slice %arg12[%dma_wait3A_216, %dma_wait3A_217] : memref<10240x16xf32, #tpu.memory_space<vmem_shared>> -> memref<10240x16xf32, #tpu.memory_space<vmem_shared>>
      %dma_wait3A_219 = tpu.memref_slice %arg13[%dma_wait3A_208] : memref<8x!tpu.dma_semaphore, #tpu.memory_space<semaphore_mem>> -> memref<1x!tpu.dma_semaphore, #tpu.memory_space<semaphore_mem>>
      %dma_wait3A_220 = tpu.memref_squeeze %dma_wait3A_219 : memref<1x!tpu.dma_semaphore, #tpu.memory_space<semaphore_mem>> -> memref<!tpu.dma_semaphore, #tpu.memory_space<semaphore_mem>>
      tpu.wait_indirect_dma semaphore(%dma_wait3A_220 : memref<!tpu.dma_semaphore, #tpu.memory_space<semaphore_mem>>) src(%dma_wait3A_218 : memref<10240x16xf32, #tpu.memory_space<vmem_shared>>) dst(%dma_wait3A_212 : memref<125x16xf32, #tpu.memory_space<vmem>>)
      %add3A_221 = arith.constant 3 : i32
      %add3A_222 = arith.addi %mul3A_30, %add3A_221 : i32
      %run_scoped3A_223 = arith.constant 3 : i32
      "tpu.region"() ({
        %run_scoped3A_292 = tpu.sem_alloc : memref<!tpu.dma_semaphore, #tpu.memory_space<semaphore_mem>>
        %dma_start3A_293 = arith.constant 0 : i32
        %dma_start3A_294 = arith.constant 0 : i32
        %dma_start3A_295 = tpu.memref_slice %arg9[%run_scoped3A_223, %dma_start3A_293, %dma_start3A_294] : memref<8x125x16xf32, #tpu.memory_space<vmem>> -> memref<1x125x16xf32, #tpu.memory_space<vmem>>
        %dma_start3A_296 = tpu.memref_squeeze %dma_start3A_295 : memref<1x125x16xf32, #tpu.memory_space<vmem>> -> memref<125x16xf32, #tpu.memory_space<vmem>>
        %dma_start3A_297 = arith.constant 0 : i32
        %dma_start3A_298 = tpu.memref_slice %arg8[%add3A_222, %dma_start3A_297] : memref<80x125xi32, #tpu.memory_space<vmem>> -> memref<1x125xi32, #tpu.memory_space<vmem>>
        %dma_start3A_299 = tpu.memref_squeeze %dma_start3A_298 : memref<1x125xi32, #tpu.memory_space<vmem>> -> memref<125xi32, #tpu.memory_space<vmem>>
        %dma_start3A_300 = arith.constant 0 : i32
        %dma_start3A_301 = arith.constant 0 : i32
        %dma_start3A_302 = tpu.memref_slice %arg11[%dma_start3A_300, %dma_start3A_301] : memref<10240x16xf32, #tpu.memory_space<vmem_shared>> -> memref<10240x16xf32, #tpu.memory_space<vmem_shared>>
        tpu.enqueue_indirect_dma source(%dma_start3A_296 : memref<125x16xf32, #tpu.memory_space<vmem>>) target(%dma_start3A_302 : memref<10240x16xf32, #tpu.memory_space<vmem_shared>>) offsets(%dma_start3A_299 : memref<125xi32, #tpu.memory_space<vmem>>) semaphore(%run_scoped3A_292 : memref<!tpu.dma_semaphore, #tpu.memory_space<semaphore_mem>>) {add = true}
        %dma_wait3A_303 = arith.constant 0 : i32
        %dma_wait3A_304 = arith.constant 0 : i32
        %dma_wait3A_305 = tpu.memref_slice %arg9[%run_scoped3A_223, %dma_wait3A_303, %dma_wait3A_304] : memref<8x125x16xf32, #tpu.memory_space<vmem>> -> memref<1x125x16xf32, #tpu.memory_space<vmem>>
        %dma_wait3A_306 = tpu.memref_squeeze %dma_wait3A_305 : memref<1x125x16xf32, #tpu.memory_space<vmem>> -> memref<125x16xf32, #tpu.memory_space<vmem>>
        %dma_wait3A_307 = arith.constant 0 : i32
        %dma_wait3A_308 = tpu.memref_slice %arg8[%add3A_222, %dma_wait3A_307] : memref<80x125xi32, #tpu.memory_space<vmem>> -> memref<1x125xi32, #tpu.memory_space<vmem>>
        %dma_wait3A_309 = tpu.memref_squeeze %dma_wait3A_308 : memref<1x125xi32, #tpu.memory_space<vmem>> -> memref<125xi32, #tpu.memory_space<vmem>>
        %dma_wait3A_310 = arith.constant 0 : i32
        %dma_wait3A_311 = arith.constant 0 : i32
        %dma_wait3A_312 = tpu.memref_slice %arg11[%dma_wait3A_310, %dma_wait3A_311] : memref<10240x16xf32, #tpu.memory_space<vmem_shared>> -> memref<10240x16xf32, #tpu.memory_space<vmem_shared>>
        tpu.wait_indirect_dma semaphore(%run_scoped3A_292 : memref<!tpu.dma_semaphore, #tpu.memory_space<semaphore_mem>>) src(%dma_wait3A_306 : memref<125x16xf32, #tpu.memory_space<vmem>>) dst(%dma_wait3A_312 : memref<10240x16xf32, #tpu.memory_space<vmem_shared>>)
        tpu.yield
      }) : () -> ()
      %dma_wait3A_224 = arith.constant 4 : i32
      %dma_wait3A_225 = arith.constant 4 : i32
      %dma_wait3A_226 = arith.constant 0 : i32
      %dma_wait3A_227 = arith.constant 0 : i32
      %dma_wait3A_228 = tpu.memref_slice %arg9[%dma_wait3A_224, %dma_wait3A_226, %dma_wait3A_227] : memref<8x125x16xf32, #tpu.memory_space<vmem>> -> memref<1x125x16xf32, #tpu.memory_space<vmem>>
      %dma_wait3A_229 = tpu.memref_squeeze %dma_wait3A_228 : memref<1x125x16xf32, #tpu.memory_space<vmem>> -> memref<125x16xf32, #tpu.memory_space<vmem>>
      %dma_wait3A_230 = arith.constant 0 : i32
      %dma_wait3A_231 = tpu.memref_slice %arg7[%add3A_95, %dma_wait3A_230] : memref<80x125xi32, #tpu.memory_space<vmem>> -> memref<1x125xi32, #tpu.memory_space<vmem>>
      %dma_wait3A_232 = tpu.memref_squeeze %dma_wait3A_231 : memref<1x125xi32, #tpu.memory_space<vmem>> -> memref<125xi32, #tpu.memory_space<vmem>>
      %dma_wait3A_233 = arith.constant 0 : i32
      %dma_wait3A_234 = arith.constant 0 : i32
      %dma_wait3A_235 = tpu.memref_slice %arg12[%dma_wait3A_233, %dma_wait3A_234] : memref<10240x16xf32, #tpu.memory_space<vmem_shared>> -> memref<10240x16xf32, #tpu.memory_space<vmem_shared>>
      %dma_wait3A_236 = tpu.memref_slice %arg13[%dma_wait3A_225] : memref<8x!tpu.dma_semaphore, #tpu.memory_space<semaphore_mem>> -> memref<1x!tpu.dma_semaphore, #tpu.memory_space<semaphore_mem>>
      %dma_wait3A_237 = tpu.memref_squeeze %dma_wait3A_236 : memref<1x!tpu.dma_semaphore, #tpu.memory_space<semaphore_mem>> -> memref<!tpu.dma_semaphore, #tpu.memory_space<semaphore_mem>>
      tpu.wait_indirect_dma semaphore(%dma_wait3A_237 : memref<!tpu.dma_semaphore, #tpu.memory_space<semaphore_mem>>) src(%dma_wait3A_235 : memref<10240x16xf32, #tpu.memory_space<vmem_shared>>) dst(%dma_wait3A_229 : memref<125x16xf32, #tpu.memory_space<vmem>>)
      %add3A_238 = arith.constant 4 : i32
      %add3A_239 = arith.addi %mul3A_30, %add3A_238 : i32
      %run_scoped3A_240 = arith.constant 4 : i32
      "tpu.region"() ({
        %run_scoped3A_292 = tpu.sem_alloc : memref<!tpu.dma_semaphore, #tpu.memory_space<semaphore_mem>>
        %dma_start3A_293 = arith.constant 0 : i32
        %dma_start3A_294 = arith.constant 0 : i32
        %dma_start3A_295 = tpu.memref_slice %arg9[%run_scoped3A_240, %dma_start3A_293, %dma_start3A_294] : memref<8x125x16xf32, #tpu.memory_space<vmem>> -> memref<1x125x16xf32, #tpu.memory_space<vmem>>
        %dma_start3A_296 = tpu.memref_squeeze %dma_start3A_295 : memref<1x125x16xf32, #tpu.memory_space<vmem>> -> memref<125x16xf32, #tpu.memory_space<vmem>>
        %dma_start3A_297 = arith.constant 0 : i32
        %dma_start3A_298 = tpu.memref_slice %arg8[%add3A_239, %dma_start3A_297] : memref<80x125xi32, #tpu.memory_space<vmem>> -> memref<1x125xi32, #tpu.memory_space<vmem>>
        %dma_start3A_299 = tpu.memref_squeeze %dma_start3A_298 : memref<1x125xi32, #tpu.memory_space<vmem>> -> memref<125xi32, #tpu.memory_space<vmem>>
        %dma_start3A_300 = arith.constant 0 : i32
        %dma_start3A_301 = arith.constant 0 : i32
        %dma_start3A_302 = tpu.memref_slice %arg11[%dma_start3A_300, %dma_start3A_301] : memref<10240x16xf32, #tpu.memory_space<vmem_shared>> -> memref<10240x16xf32, #tpu.memory_space<vmem_shared>>
        tpu.enqueue_indirect_dma source(%dma_start3A_296 : memref<125x16xf32, #tpu.memory_space<vmem>>) target(%dma_start3A_302 : memref<10240x16xf32, #tpu.memory_space<vmem_shared>>) offsets(%dma_start3A_299 : memref<125xi32, #tpu.memory_space<vmem>>) semaphore(%run_scoped3A_292 : memref<!tpu.dma_semaphore, #tpu.memory_space<semaphore_mem>>) {add = true}
        %dma_wait3A_303 = arith.constant 0 : i32
        %dma_wait3A_304 = arith.constant 0 : i32
        %dma_wait3A_305 = tpu.memref_slice %arg9[%run_scoped3A_240, %dma_wait3A_303, %dma_wait3A_304] : memref<8x125x16xf32, #tpu.memory_space<vmem>> -> memref<1x125x16xf32, #tpu.memory_space<vmem>>
        %dma_wait3A_306 = tpu.memref_squeeze %dma_wait3A_305 : memref<1x125x16xf32, #tpu.memory_space<vmem>> -> memref<125x16xf32, #tpu.memory_space<vmem>>
        %dma_wait3A_307 = arith.constant 0 : i32
        %dma_wait3A_308 = tpu.memref_slice %arg8[%add3A_239, %dma_wait3A_307] : memref<80x125xi32, #tpu.memory_space<vmem>> -> memref<1x125xi32, #tpu.memory_space<vmem>>
        %dma_wait3A_309 = tpu.memref_squeeze %dma_wait3A_308 : memref<1x125xi32, #tpu.memory_space<vmem>> -> memref<125xi32, #tpu.memory_space<vmem>>
        %dma_wait3A_310 = arith.constant 0 : i32
        %dma_wait3A_311 = arith.constant 0 : i32
        %dma_wait3A_312 = tpu.memref_slice %arg11[%dma_wait3A_310, %dma_wait3A_311] : memref<10240x16xf32, #tpu.memory_space<vmem_shared>> -> memref<10240x16xf32, #tpu.memory_space<vmem_shared>>
        tpu.wait_indirect_dma semaphore(%run_scoped3A_292 : memref<!tpu.dma_semaphore, #tpu.memory_space<semaphore_mem>>) src(%dma_wait3A_306 : memref<125x16xf32, #tpu.memory_space<vmem>>) dst(%dma_wait3A_312 : memref<10240x16xf32, #tpu.memory_space<vmem_shared>>)
        tpu.yield
      }) : () -> ()
      %dma_wait3A_241 = arith.constant 5 : i32
      %dma_wait3A_242 = arith.constant 5 : i32
      %dma_wait3A_243 = arith.constant 0 : i32
      %dma_wait3A_244 = arith.constant 0 : i32
      %dma_wait3A_245 = tpu.memref_slice %arg9[%dma_wait3A_241, %dma_wait3A_243, %dma_wait3A_244] : memref<8x125x16xf32, #tpu.memory_space<vmem>> -> memref<1x125x16xf32, #tpu.memory_space<vmem>>
      %dma_wait3A_246 = tpu.memref_squeeze %dma_wait3A_245 : memref<1x125x16xf32, #tpu.memory_space<vmem>> -> memref<125x16xf32, #tpu.memory_space<vmem>>
      %dma_wait3A_247 = arith.constant 0 : i32
      %dma_wait3A_248 = tpu.memref_slice %arg7[%add3A_111, %dma_wait3A_247] : memref<80x125xi32, #tpu.memory_space<vmem>> -> memref<1x125xi32, #tpu.memory_space<vmem>>
      %dma_wait3A_249 = tpu.memref_squeeze %dma_wait3A_248 : memref<1x125xi32, #tpu.memory_space<vmem>> -> memref<125xi32, #tpu.memory_space<vmem>>
      %dma_wait3A_250 = arith.constant 0 : i32
      %dma_wait3A_251 = arith.constant 0 : i32
      %dma_wait3A_252 = tpu.memref_slice %arg12[%dma_wait3A_250, %dma_wait3A_251] : memref<10240x16xf32, #tpu.memory_space<vmem_shared>> -> memref<10240x16xf32, #tpu.memory_space<vmem_shared>>
      %dma_wait3A_253 = tpu.memref_slice %arg13[%dma_wait3A_242] : memref<8x!tpu.dma_semaphore, #tpu.memory_space<semaphore_mem>> -> memref<1x!tpu.dma_semaphore, #tpu.memory_space<semaphore_mem>>
      %dma_wait3A_254 = tpu.memref_squeeze %dma_wait3A_253 : memref<1x!tpu.dma_semaphore, #tpu.memory_space<semaphore_mem>> -> memref<!tpu.dma_semaphore, #tpu.memory_space<semaphore_mem>>
      tpu.wait_indirect_dma semaphore(%dma_wait3A_254 : memref<!tpu.dma_semaphore, #tpu.memory_space<semaphore_mem>>) src(%dma_wait3A_252 : memref<10240x16xf32, #tpu.memory_space<vmem_shared>>) dst(%dma_wait3A_246 : memref<125x16xf32, #tpu.memory_space<vmem>>)
      %add3A_255 = arith.constant 5 : i32
      %add3A_256 = arith.addi %mul3A_30, %add3A_255 : i32
      %run_scoped3A_257 = arith.constant 5 : i32
      "tpu.region"() ({
        %run_scoped3A_292 = tpu.sem_alloc : memref<!tpu.dma_semaphore, #tpu.memory_space<semaphore_mem>>
        %dma_start3A_293 = arith.constant 0 : i32
        %dma_start3A_294 = arith.constant 0 : i32
        %dma_start3A_295 = tpu.memref_slice %arg9[%run_scoped3A_257, %dma_start3A_293, %dma_start3A_294] : memref<8x125x16xf32, #tpu.memory_space<vmem>> -> memref<1x125x16xf32, #tpu.memory_space<vmem>>
        %dma_start3A_296 = tpu.memref_squeeze %dma_start3A_295 : memref<1x125x16xf32, #tpu.memory_space<vmem>> -> memref<125x16xf32, #tpu.memory_space<vmem>>
        %dma_start3A_297 = arith.constant 0 : i32
        %dma_start3A_298 = tpu.memref_slice %arg8[%add3A_256, %dma_start3A_297] : memref<80x125xi32, #tpu.memory_space<vmem>> -> memref<1x125xi32, #tpu.memory_space<vmem>>
        %dma_start3A_299 = tpu.memref_squeeze %dma_start3A_298 : memref<1x125xi32, #tpu.memory_space<vmem>> -> memref<125xi32, #tpu.memory_space<vmem>>
        %dma_start3A_300 = arith.constant 0 : i32
        %dma_start3A_301 = arith.constant 0 : i32
        %dma_start3A_302 = tpu.memref_slice %arg11[%dma_start3A_300, %dma_start3A_301] : memref<10240x16xf32, #tpu.memory_space<vmem_shared>> -> memref<10240x16xf32, #tpu.memory_space<vmem_shared>>
        tpu.enqueue_indirect_dma source(%dma_start3A_296 : memref<125x16xf32, #tpu.memory_space<vmem>>) target(%dma_start3A_302 : memref<10240x16xf32, #tpu.memory_space<vmem_shared>>) offsets(%dma_start3A_299 : memref<125xi32, #tpu.memory_space<vmem>>) semaphore(%run_scoped3A_292 : memref<!tpu.dma_semaphore, #tpu.memory_space<semaphore_mem>>) {add = true}
        %dma_wait3A_303 = arith.constant 0 : i32
        %dma_wait3A_304 = arith.constant 0 : i32
        %dma_wait3A_305 = tpu.memref_slice %arg9[%run_scoped3A_257, %dma_wait3A_303, %dma_wait3A_304] : memref<8x125x16xf32, #tpu.memory_space<vmem>> -> memref<1x125x16xf32, #tpu.memory_space<vmem>>
        %dma_wait3A_306 = tpu.memref_squeeze %dma_wait3A_305 : memref<1x125x16xf32, #tpu.memory_space<vmem>> -> memref<125x16xf32, #tpu.memory_space<vmem>>
        %dma_wait3A_307 = arith.constant 0 : i32
        %dma_wait3A_308 = tpu.memref_slice %arg8[%add3A_256, %dma_wait3A_307] : memref<80x125xi32, #tpu.memory_space<vmem>> -> memref<1x125xi32, #tpu.memory_space<vmem>>
        %dma_wait3A_309 = tpu.memref_squeeze %dma_wait3A_308 : memref<1x125xi32, #tpu.memory_space<vmem>> -> memref<125xi32, #tpu.memory_space<vmem>>
        %dma_wait3A_310 = arith.constant 0 : i32
        %dma_wait3A_311 = arith.constant 0 : i32
        %dma_wait3A_312 = tpu.memref_slice %arg11[%dma_wait3A_310, %dma_wait3A_311] : memref<10240x16xf32, #tpu.memory_space<vmem_shared>> -> memref<10240x16xf32, #tpu.memory_space<vmem_shared>>
        tpu.wait_indirect_dma semaphore(%run_scoped3A_292 : memref<!tpu.dma_semaphore, #tpu.memory_space<semaphore_mem>>) src(%dma_wait3A_306 : memref<125x16xf32, #tpu.memory_space<vmem>>) dst(%dma_wait3A_312 : memref<10240x16xf32, #tpu.memory_space<vmem_shared>>)
        tpu.yield
      }) : () -> ()
      %dma_wait3A_258 = arith.constant 6 : i32
      %dma_wait3A_259 = arith.constant 6 : i32
      %dma_wait3A_260 = arith.constant 0 : i32
      %dma_wait3A_261 = arith.constant 0 : i32
      %dma_wait3A_262 = tpu.memref_slice %arg9[%dma_wait3A_258, %dma_wait3A_260, %dma_wait3A_261] : memref<8x125x16xf32, #tpu.memory_space<vmem>> -> memref<1x125x16xf32, #tpu.memory_space<vmem>>
      %dma_wait3A_263 = tpu.memref_squeeze %dma_wait3A_262 : memref<1x125x16xf32, #tpu.memory_space<vmem>> -> memref<125x16xf32, #tpu.memory_space<vmem>>
      %dma_wait3A_264 = arith.constant 0 : i32
      %dma_wait3A_265 = tpu.memref_slice %arg7[%add3A_127, %dma_wait3A_264] : memref<80x125xi32, #tpu.memory_space<vmem>> -> memref<1x125xi32, #tpu.memory_space<vmem>>
      %dma_wait3A_266 = tpu.memref_squeeze %dma_wait3A_265 : memref<1x125xi32, #tpu.memory_space<vmem>> -> memref<125xi32, #tpu.memory_space<vmem>>
      %dma_wait3A_267 = arith.constant 0 : i32
      %dma_wait3A_268 = arith.constant 0 : i32
      %dma_wait3A_269 = tpu.memref_slice %arg12[%dma_wait3A_267, %dma_wait3A_268] : memref<10240x16xf32, #tpu.memory_space<vmem_shared>> -> memref<10240x16xf32, #tpu.memory_space<vmem_shared>>
      %dma_wait3A_270 = tpu.memref_slice %arg13[%dma_wait3A_259] : memref<8x!tpu.dma_semaphore, #tpu.memory_space<semaphore_mem>> -> memref<1x!tpu.dma_semaphore, #tpu.memory_space<semaphore_mem>>
      %dma_wait3A_271 = tpu.memref_squeeze %dma_wait3A_270 : memref<1x!tpu.dma_semaphore, #tpu.memory_space<semaphore_mem>> -> memref<!tpu.dma_semaphore, #tpu.memory_space<semaphore_mem>>
      tpu.wait_indirect_dma semaphore(%dma_wait3A_271 : memref<!tpu.dma_semaphore, #tpu.memory_space<semaphore_mem>>) src(%dma_wait3A_269 : memref<10240x16xf32, #tpu.memory_space<vmem_shared>>) dst(%dma_wait3A_263 : memref<125x16xf32, #tpu.memory_space<vmem>>)
      %add3A_272 = arith.constant 6 : i32
      %add3A_273 = arith.addi %mul3A_30, %add3A_272 : i32
      %run_scoped3A_274 = arith.constant 6 : i32
      "tpu.region"() ({
        %run_scoped3A_292 = tpu.sem_alloc : memref<!tpu.dma_semaphore, #tpu.memory_space<semaphore_mem>>
        %dma_start3A_293 = arith.constant 0 : i32
        %dma_start3A_294 = arith.constant 0 : i32
        %dma_start3A_295 = tpu.memref_slice %arg9[%run_scoped3A_274, %dma_start3A_293, %dma_start3A_294] : memref<8x125x16xf32, #tpu.memory_space<vmem>> -> memref<1x125x16xf32, #tpu.memory_space<vmem>>
        %dma_start3A_296 = tpu.memref_squeeze %dma_start3A_295 : memref<1x125x16xf32, #tpu.memory_space<vmem>> -> memref<125x16xf32, #tpu.memory_space<vmem>>
        %dma_start3A_297 = arith.constant 0 : i32
        %dma_start3A_298 = tpu.memref_slice %arg8[%add3A_273, %dma_start3A_297] : memref<80x125xi32, #tpu.memory_space<vmem>> -> memref<1x125xi32, #tpu.memory_space<vmem>>
        %dma_start3A_299 = tpu.memref_squeeze %dma_start3A_298 : memref<1x125xi32, #tpu.memory_space<vmem>> -> memref<125xi32, #tpu.memory_space<vmem>>
        %dma_start3A_300 = arith.constant 0 : i32
        %dma_start3A_301 = arith.constant 0 : i32
        %dma_start3A_302 = tpu.memref_slice %arg11[%dma_start3A_300, %dma_start3A_301] : memref<10240x16xf32, #tpu.memory_space<vmem_shared>> -> memref<10240x16xf32, #tpu.memory_space<vmem_shared>>
        tpu.enqueue_indirect_dma source(%dma_start3A_296 : memref<125x16xf32, #tpu.memory_space<vmem>>) target(%dma_start3A_302 : memref<10240x16xf32, #tpu.memory_space<vmem_shared>>) offsets(%dma_start3A_299 : memref<125xi32, #tpu.memory_space<vmem>>) semaphore(%run_scoped3A_292 : memref<!tpu.dma_semaphore, #tpu.memory_space<semaphore_mem>>) {add = true}
        %dma_wait3A_303 = arith.constant 0 : i32
        %dma_wait3A_304 = arith.constant 0 : i32
        %dma_wait3A_305 = tpu.memref_slice %arg9[%run_scoped3A_274, %dma_wait3A_303, %dma_wait3A_304] : memref<8x125x16xf32, #tpu.memory_space<vmem>> -> memref<1x125x16xf32, #tpu.memory_space<vmem>>
        %dma_wait3A_306 = tpu.memref_squeeze %dma_wait3A_305 : memref<1x125x16xf32, #tpu.memory_space<vmem>> -> memref<125x16xf32, #tpu.memory_space<vmem>>
        %dma_wait3A_307 = arith.constant 0 : i32
        %dma_wait3A_308 = tpu.memref_slice %arg8[%add3A_273, %dma_wait3A_307] : memref<80x125xi32, #tpu.memory_space<vmem>> -> memref<1x125xi32, #tpu.memory_space<vmem>>
        %dma_wait3A_309 = tpu.memref_squeeze %dma_wait3A_308 : memref<1x125xi32, #tpu.memory_space<vmem>> -> memref<125xi32, #tpu.memory_space<vmem>>
        %dma_wait3A_310 = arith.constant 0 : i32
        %dma_wait3A_311 = arith.constant 0 : i32
        %dma_wait3A_312 = tpu.memref_slice %arg11[%dma_wait3A_310, %dma_wait3A_311] : memref<10240x16xf32, #tpu.memory_space<vmem_shared>> -> memref<10240x16xf32, #tpu.memory_space<vmem_shared>>
        tpu.wait_indirect_dma semaphore(%run_scoped3A_292 : memref<!tpu.dma_semaphore, #tpu.memory_space<semaphore_mem>>) src(%dma_wait3A_306 : memref<125x16xf32, #tpu.memory_space<vmem>>) dst(%dma_wait3A_312 : memref<10240x16xf32, #tpu.memory_space<vmem_shared>>)
        tpu.yield
      }) : () -> ()
      %dma_wait3A_275 = arith.constant 7 : i32
      %dma_wait3A_276 = arith.constant 7 : i32
      %dma_wait3A_277 = arith.constant 0 : i32
      %dma_wait3A_278 = arith.constant 0 : i32
      %dma_wait3A_279 = tpu.memref_slice %arg9[%dma_wait3A_275, %dma_wait3A_277, %dma_wait3A_278] : memref<8x125x16xf32, #tpu.memory_space<vmem>> -> memref<1x125x16xf32, #tpu.memory_space<vmem>>
      %dma_wait3A_280 = tpu.memref_squeeze %dma_wait3A_279 : memref<1x125x16xf32, #tpu.memory_space<vmem>> -> memref<125x16xf32, #tpu.memory_space<vmem>>
      %dma_wait3A_281 = arith.constant 0 : i32
      %dma_wait3A_282 = tpu.memref_slice %arg7[%add3A_143, %dma_wait3A_281] : memref<80x125xi32, #tpu.memory_space<vmem>> -> memref<1x125xi32, #tpu.memory_space<vmem>>
      %dma_wait3A_283 = tpu.memref_squeeze %dma_wait3A_282 : memref<1x125xi32, #tpu.memory_space<vmem>> -> memref<125xi32, #tpu.memory_space<vmem>>
      %dma_wait3A_284 = arith.constant 0 : i32
      %dma_wait3A_285 = arith.constant 0 : i32
      %dma_wait3A_286 = tpu.memref_slice %arg12[%dma_wait3A_284, %dma_wait3A_285] : memref<10240x16xf32, #tpu.memory_space<vmem_shared>> -> memref<10240x16xf32, #tpu.memory_space<vmem_shared>>
      %dma_wait3A_287 = tpu.memref_slice %arg13[%dma_wait3A_276] : memref<8x!tpu.dma_semaphore, #tpu.memory_space<semaphore_mem>> -> memref<1x!tpu.dma_semaphore, #tpu.memory_space<semaphore_mem>>
      %dma_wait3A_288 = tpu.memref_squeeze %dma_wait3A_287 : memref<1x!tpu.dma_semaphore, #tpu.memory_space<semaphore_mem>> -> memref<!tpu.dma_semaphore, #tpu.memory_space<semaphore_mem>>
      tpu.wait_indirect_dma semaphore(%dma_wait3A_288 : memref<!tpu.dma_semaphore, #tpu.memory_space<semaphore_mem>>) src(%dma_wait3A_286 : memref<10240x16xf32, #tpu.memory_space<vmem_shared>>) dst(%dma_wait3A_280 : memref<125x16xf32, #tpu.memory_space<vmem>>)
      %add3A_289 = arith.constant 7 : i32
      %add3A_290 = arith.addi %mul3A_30, %add3A_289 : i32
      %run_scoped3A_291 = arith.constant 7 : i32
      "tpu.region"() ({
        %run_scoped3A_292 = tpu.sem_alloc : memref<!tpu.dma_semaphore, #tpu.memory_space<semaphore_mem>>
        %dma_start3A_293 = arith.constant 0 : i32
        %dma_start3A_294 = arith.constant 0 : i32
        %dma_start3A_295 = tpu.memref_slice %arg9[%run_scoped3A_291, %dma_start3A_293, %dma_start3A_294] : memref<8x125x16xf32, #tpu.memory_space<vmem>> -> memref<1x125x16xf32, #tpu.memory_space<vmem>>
        %dma_start3A_296 = tpu.memref_squeeze %dma_start3A_295 : memref<1x125x16xf32, #tpu.memory_space<vmem>> -> memref<125x16xf32, #tpu.memory_space<vmem>>
        %dma_start3A_297 = arith.constant 0 : i32
        %dma_start3A_298 = tpu.memref_slice %arg8[%add3A_290, %dma_start3A_297] : memref<80x125xi32, #tpu.memory_space<vmem>> -> memref<1x125xi32, #tpu.memory_space<vmem>>
        %dma_start3A_299 = tpu.memref_squeeze %dma_start3A_298 : memref<1x125xi32, #tpu.memory_space<vmem>> -> memref<125xi32, #tpu.memory_space<vmem>>
        %dma_start3A_300 = arith.constant 0 : i32
        %dma_start3A_301 = arith.constant 0 : i32
        %dma_start3A_302 = tpu.memref_slice %arg11[%dma_start3A_300, %dma_start3A_301] : memref<10240x16xf32, #tpu.memory_space<vmem_shared>> -> memref<10240x16xf32, #tpu.memory_space<vmem_shared>>
        tpu.enqueue_indirect_dma source(%dma_start3A_296 : memref<125x16xf32, #tpu.memory_space<vmem>>) target(%dma_start3A_302 : memref<10240x16xf32, #tpu.memory_space<vmem_shared>>) offsets(%dma_start3A_299 : memref<125xi32, #tpu.memory_space<vmem>>) semaphore(%run_scoped3A_292 : memref<!tpu.dma_semaphore, #tpu.memory_space<semaphore_mem>>) {add = true}
        %dma_wait3A_303 = arith.constant 0 : i32
        %dma_wait3A_304 = arith.constant 0 : i32
        %dma_wait3A_305 = tpu.memref_slice %arg9[%run_scoped3A_291, %dma_wait3A_303, %dma_wait3A_304] : memref<8x125x16xf32, #tpu.memory_space<vmem>> -> memref<1x125x16xf32, #tpu.memory_space<vmem>>
        %dma_wait3A_306 = tpu.memref_squeeze %dma_wait3A_305 : memref<1x125x16xf32, #tpu.memory_space<vmem>> -> memref<125x16xf32, #tpu.memory_space<vmem>>
        %dma_wait3A_307 = arith.constant 0 : i32
        %dma_wait3A_308 = tpu.memref_slice %arg8[%add3A_290, %dma_wait3A_307] : memref<80x125xi32, #tpu.memory_space<vmem>> -> memref<1x125xi32, #tpu.memory_space<vmem>>
        %dma_wait3A_309 = tpu.memref_squeeze %dma_wait3A_308 : memref<1x125xi32, #tpu.memory_space<vmem>> -> memref<125xi32, #tpu.memory_space<vmem>>
        %dma_wait3A_310 = arith.constant 0 : i32
        %dma_wait3A_311 = arith.constant 0 : i32
        %dma_wait3A_312 = tpu.memref_slice %arg11[%dma_wait3A_310, %dma_wait3A_311] : memref<10240x16xf32, #tpu.memory_space<vmem_shared>> -> memref<10240x16xf32, #tpu.memory_space<vmem_shared>>
        tpu.wait_indirect_dma semaphore(%run_scoped3A_292 : memref<!tpu.dma_semaphore, #tpu.memory_space<semaphore_mem>>) src(%dma_wait3A_306 : memref<125x16xf32, #tpu.memory_space<vmem>>) dst(%dma_wait3A_312 : memref<10240x16xf32, #tpu.memory_space<vmem_shared>>)
        tpu.yield
      }) : () -> ()
    }
    %scan3A_17 = arith.constant 10 : i32
    %barrier3A_18 = arith.constant 0 : index
    tpu.barrier barrier_id(%barrier3A_18)
    %mul3A_19 = arith.constant 640 : i32
    %mul3A_20 = arith.muli %arg1, %mul3A_19 : i32
    "tpu.region"() ({
      %run_scoped3A = tpu.sem_alloc : memref<!tpu.dma_semaphore, #tpu.memory_space<semaphore_mem>>
      %dma_start3A = arith.constant 0 : i32
      %dma_start3A_28 = tpu.memref_slice %arg11[%mul3A_20, %dma_start3A] : memref<10240x16xf32, #tpu.memory_space<vmem_shared>> -> memref<640x16xf32, #tpu.memory_space<vmem_shared>>
      %dma_start3A_29 = arith.constant 0 : i32
      %dma_start3A_30 = tpu.memref_slice %arg11[%mul3A_20, %dma_start3A_29] : memref<10240x16xf32, #tpu.memory_space<vmem_shared>> -> memref<640x16xf32, #tpu.memory_space<vmem_shared>>
      tpu.enqueue_dma source(%dma_start3A_30 : memref<640x16xf32, #tpu.memory_space<vmem_shared>>) target(%arg10 : memref<640x16xf32, #tpu.memory_space<vmem>>) target_semaphore(%run_scoped3A : memref<!tpu.dma_semaphore, #tpu.memory_space<semaphore_mem>>)
      %dma_wait3A = arith.constant 0 : i32
      %dma_wait3A_31 = tpu.memref_slice %arg11[%mul3A_20, %dma_wait3A] : memref<10240x16xf32, #tpu.memory_space<vmem_shared>> -> memref<640x16xf32, #tpu.memory_space<vmem_shared>>
      %dma_wait3A_32 = arith.constant 0 : i32
      %dma_wait3A_33 = tpu.memref_slice %arg11[%mul3A_20, %dma_wait3A_32] : memref<10240x16xf32, #tpu.memory_space<vmem_shared>> -> memref<640x16xf32, #tpu.memory_space<vmem_shared>>
      tpu.wait_dma2 semaphore(%run_scoped3A : memref<!tpu.dma_semaphore, #tpu.memory_space<semaphore_mem>>) src(%dma_wait3A_33 : memref<640x16xf32, #tpu.memory_space<vmem_shared>>) dst(%arg10 : memref<640x16xf32, #tpu.memory_space<vmem>>)
      tpu.yield
    }) : () -> ()
    %eq3A = arith.constant 0 : i32
    %eq3A_21 = arith.cmpi eq, %arg0, %eq3A : i32
    %convert_element_type3A = arith.extui %eq3A_21 : i1 to i32
    %cond3A = arith.constant 0 : i32
    %cond3A_22 = arith.cmpi ne, %convert_element_type3A, %cond3A : i32
    scf.if %cond3A_22 {
      %mul3A_28 = arith.constant 640 : i32
      %mul3A_29 = arith.muli %arg1, %mul3A_28 : i32
      "tpu.region"() ({
        %run_scoped3A = tpu.sem_alloc : memref<!tpu.dma_semaphore, #tpu.memory_space<semaphore_mem>>
        %dma_start3A = arith.constant 0 : i32
        %dma_start3A_30 = tpu.memref_slice %arg5[%mul3A_29, %dma_start3A] : memref<10240x16xf32, #tpu.memory_space<hbm>> -> memref<640x16xf32, #tpu.memory_space<hbm>>
        %dma_start3A_31 = arith.constant 0 : i32
        %dma_start3A_32 = tpu.memref_slice %arg5[%mul3A_29, %dma_start3A_31] : memref<10240x16xf32, #tpu.memory_space<hbm>> -> memref<640x16xf32, #tpu.memory_space<hbm>>
        tpu.enqueue_dma source(%arg10 : memref<640x16xf32, #tpu.memory_space<vmem>>) target(%dma_start3A_32 : memref<640x16xf32, #tpu.memory_space<hbm>>) target_semaphore(%run_scoped3A : memref<!tpu.dma_semaphore, #tpu.memory_space<semaphore_mem>>)
        %dma_wait3A = arith.constant 0 : i32
        %dma_wait3A_33 = tpu.memref_slice %arg5[%mul3A_29, %dma_wait3A] : memref<10240x16xf32, #tpu.memory_space<hbm>> -> memref<640x16xf32, #tpu.memory_space<hbm>>
        %dma_wait3A_34 = arith.constant 0 : i32
        %dma_wait3A_35 = tpu.memref_slice %arg5[%mul3A_29, %dma_wait3A_34] : memref<10240x16xf32, #tpu.memory_space<hbm>> -> memref<640x16xf32, #tpu.memory_space<hbm>>
        tpu.wait_dma2 semaphore(%run_scoped3A : memref<!tpu.dma_semaphore, #tpu.memory_space<semaphore_mem>>) src(%arg10 : memref<640x16xf32, #tpu.memory_space<vmem>>) dst(%dma_wait3A_35 : memref<640x16xf32, #tpu.memory_space<hbm>>)
        tpu.yield
      }) : () -> ()
    } else {
    }
    %eq3A_23 = arith.constant 1 : i32
    %eq3A_24 = arith.cmpi eq, %arg0, %eq3A_23 : i32
    %convert_element_type3A_25 = arith.extui %eq3A_24 : i1 to i32
    %cond3A_26 = arith.constant 0 : i32
    %cond3A_27 = arith.cmpi ne, %convert_element_type3A_25, %cond3A_26 : i32
    scf.if %cond3A_27 {
      %mul3A_28 = arith.constant 640 : i32
      %mul3A_29 = arith.muli %arg1, %mul3A_28 : i32
      "tpu.region"() ({
        %run_scoped3A = tpu.sem_alloc : memref<!tpu.dma_semaphore, #tpu.memory_space<semaphore_mem>>
        %dma_start3A = arith.constant 0 : i32
        %dma_start3A_30 = tpu.memref_slice %arg6[%mul3A_29, %dma_start3A] : memref<10240x16xf32, #tpu.memory_space<hbm>> -> memref<640x16xf32, #tpu.memory_space<hbm>>
        %dma_start3A_31 = arith.constant 0 : i32
        %dma_start3A_32 = tpu.memref_slice %arg6[%mul3A_29, %dma_start3A_31] : memref<10240x16xf32, #tpu.memory_space<hbm>> -> memref<640x16xf32, #tpu.memory_space<hbm>>
        tpu.enqueue_dma source(%arg10 : memref<640x16xf32, #tpu.memory_space<vmem>>) target(%dma_start3A_32 : memref<640x16xf32, #tpu.memory_space<hbm>>) target_semaphore(%run_scoped3A : memref<!tpu.dma_semaphore, #tpu.memory_space<semaphore_mem>>)
        %dma_wait3A = arith.constant 0 : i32
        %dma_wait3A_33 = tpu.memref_slice %arg6[%mul3A_29, %dma_wait3A] : memref<10240x16xf32, #tpu.memory_space<hbm>> -> memref<640x16xf32, #tpu.memory_space<hbm>>
        %dma_wait3A_34 = arith.constant 0 : i32
        %dma_wait3A_35 = tpu.memref_slice %arg6[%mul3A_29, %dma_wait3A_34] : memref<10240x16xf32, #tpu.memory_space<hbm>> -> memref<640x16xf32, #tpu.memory_space<hbm>>
        tpu.wait_dma2 semaphore(%run_scoped3A : memref<!tpu.dma_semaphore, #tpu.memory_space<semaphore_mem>>) src(%arg10 : memref<640x16xf32, #tpu.memory_space<vmem>>) dst(%dma_wait3A_35 : memref<640x16xf32, #tpu.memory_space<hbm>>)
        tpu.yield
      }) : () -> ()
    } else {
    }
    return
  }
}

#map = affine_map<(d0, d1) -> (0, 0, 0)>
#map1 = affine_map<(d0, d1) -> (0, 0)>
module attributes {stable_mosaic.version = 14 : i64} {
  func.func @_sc_disb_body(%arg0: i32, %arg1: i32, %arg2: memref<32x80x125xi32, #tpu.memory_space<hbm>>, %arg3: memref<10240x16xf32, #tpu.memory_space<hbm>>, %arg4: memref<160x125xi32, #tpu.memory_space<vmem>>, %arg5: memref<128xf32, #tpu.memory_space<vmem>>, %arg6: memref<640xf32, #tpu.memory_space<vmem>>, %arg7: memref<320x16xf32, #tpu.memory_space<vmem>>, %arg8: memref<10240xf32, #tpu.memory_space<vmem_shared>>) attributes {dimension_semantics = [#tpu.dimension_semantics<core_parallel>, #tpu.dimension_semantics<subcore_parallel>], iteration_bounds = array<i64: 2, 16>, scalar_prefetch = 0 : i64, scratch_operands = 5 : i64, tpu.core_type = #tpu.core_type<sc_vector_subcore>, window_params = [{transform_indices = #map}, {transform_indices = #map1}]} {
    %scan3A = arith.constant 0 : i32
    %scan3A_0 = arith.constant 0 : i32
    %scan3A_1 = arith.constant 40 : i32
    %scan3A_2 = arith.addi %scan3A_0, %scan3A_1 : i32
    %scan3A_3 = arith.constant 1 : i32
    scf.for %scan3A_35 = %scan3A_0 to %scan3A_2 step %scan3A_3  : i32 {
      %broadcast_in_dim3A = arith.constant 0.000000e+00 : f32
      %broadcast_in_dim3A_36 = vector.broadcast %broadcast_in_dim3A : f32 to vector<16xf32>
      %mul3A_37 = arith.constant 16 : i32
      %mul3A_38 = arith.muli %scan3A_35, %mul3A_37 : i32
      %swap3A = arith.index_cast %mul3A_38 : i32 to index
      %swap3A_39 = tpu.vector_load %arg6[%swap3A] {strides = array<i32>} : memref<640xf32, #tpu.memory_space<vmem>>, vector<16xf32>,
      tpu.vector_store %arg6[%swap3A], %broadcast_in_dim3A_36 {strides = array<i32>} : memref<640xf32, #tpu.memory_space<vmem>>, vector<16xf32>,
    }
    %scan3A_4 = arith.constant 40 : i32
    %mul3A = arith.constant 640 : i32
    %mul3A_5 = arith.muli %arg1, %mul3A : i32
    "tpu.region"() ({
      %run_scoped3A = tpu.sem_alloc : memref<!tpu.dma_semaphore, #tpu.memory_space<semaphore_mem>>
      %dma_start3A = tpu.memref_slice %arg8[%mul3A_5] : memref<10240xf32, #tpu.memory_space<vmem_shared>> -> memref<640xf32, #tpu.memory_space<vmem_shared>>
      %dma_start3A_35 = tpu.memref_slice %arg8[%mul3A_5] : memref<10240xf32, #tpu.memory_space<vmem_shared>> -> memref<640xf32, #tpu.memory_space<vmem_shared>>
      tpu.enqueue_dma source(%arg6 : memref<640xf32, #tpu.memory_space<vmem>>) target(%dma_start3A_35 : memref<640xf32, #tpu.memory_space<vmem_shared>>) target_semaphore(%run_scoped3A : memref<!tpu.dma_semaphore, #tpu.memory_space<semaphore_mem>>)
      %dma_wait3A = tpu.memref_slice %arg8[%mul3A_5] : memref<10240xf32, #tpu.memory_space<vmem_shared>> -> memref<640xf32, #tpu.memory_space<vmem_shared>>
      %dma_wait3A_36 = tpu.memref_slice %arg8[%mul3A_5] : memref<10240xf32, #tpu.memory_space<vmem_shared>> -> memref<640xf32, #tpu.memory_space<vmem_shared>>
      tpu.wait_dma2 semaphore(%run_scoped3A : memref<!tpu.dma_semaphore, #tpu.memory_space<semaphore_mem>>) src(%arg6 : memref<640xf32, #tpu.memory_space<vmem>>) dst(%dma_wait3A_36 : memref<640xf32, #tpu.memory_space<vmem_shared>>)
      tpu.yield
    }) : () -> ()
    %scan3A_6 = arith.constant 0 : i32
    %scan3A_7 = arith.constant 0 : i32
    %scan3A_8 = arith.constant 8 : i32
    %scan3A_9 = arith.addi %scan3A_7, %scan3A_8 : i32
    %scan3A_10 = arith.constant 1 : i32
    scf.for %scan3A_35 = %scan3A_7 to %scan3A_9 step %scan3A_10  : i32 {
      %broadcast_in_dim3A = arith.constant 1.000000e+00 : f32
      %broadcast_in_dim3A_36 = vector.broadcast %broadcast_in_dim3A : f32 to vector<16xf32>
      %mul3A_37 = arith.constant 16 : i32
      %mul3A_38 = arith.muli %scan3A_35, %mul3A_37 : i32
      %swap3A = arith.index_cast %mul3A_38 : i32 to index
      %swap3A_39 = tpu.vector_load %arg5[%swap3A] {strides = array<i32>} : memref<128xf32, #tpu.memory_space<vmem>>, vector<16xf32>,
      tpu.vector_store %arg5[%swap3A], %broadcast_in_dim3A_36 {strides = array<i32>} : memref<128xf32, #tpu.memory_space<vmem>>, vector<16xf32>,
    }
    %scan3A_11 = arith.constant 8 : i32
    %mul3A_12 = arith.constant 2 : i32
    %mul3A_13 = arith.muli %mul3A_12, %arg1 : i32
    "tpu.region"() ({
      %run_scoped3A = tpu.sem_alloc : memref<!tpu.dma_semaphore, #tpu.memory_space<semaphore_mem>>
      %dma_start3A = arith.constant 0 : i32
      %dma_start3A_35 = arith.constant 0 : i32
      %dma_start3A_36 = tpu.memref_slice %arg4[%dma_start3A, %dma_start3A_35] : memref<160x125xi32, #tpu.memory_space<vmem>> -> memref<80x125xi32, #tpu.memory_space<vmem>>
      %dma_start3A_37 = arith.constant 0 : i32
      %dma_start3A_38 = arith.constant 0 : i32
      %dma_start3A_39 = tpu.memref_slice %arg2[%mul3A_13, %dma_start3A_37, %dma_start3A_38] : memref<32x80x125xi32, #tpu.memory_space<hbm>> -> memref<1x80x125xi32, #tpu.memory_space<hbm>>
      %dma_start3A_40 = tpu.memref_squeeze %dma_start3A_39 : memref<1x80x125xi32, #tpu.memory_space<hbm>> -> memref<80x125xi32, #tpu.memory_space<hbm>>
      %dma_start3A_41 = arith.constant 0 : i32
      %dma_start3A_42 = arith.constant 0 : i32
      %dma_start3A_43 = tpu.memref_slice %arg4[%dma_start3A_41, %dma_start3A_42] : memref<160x125xi32, #tpu.memory_space<vmem>> -> memref<80x125xi32, #tpu.memory_space<vmem>>
      %dma_start3A_44 = arith.constant 0 : i32
      %dma_start3A_45 = arith.constant 0 : i32
      %dma_start3A_46 = tpu.memref_slice %arg2[%mul3A_13, %dma_start3A_44, %dma_start3A_45] : memref<32x80x125xi32, #tpu.memory_space<hbm>> -> memref<1x80x125xi32, #tpu.memory_space<hbm>>
      %dma_start3A_47 = tpu.memref_squeeze %dma_start3A_46 : memref<1x80x125xi32, #tpu.memory_space<hbm>> -> memref<80x125xi32, #tpu.memory_space<hbm>>
      tpu.enqueue_dma source(%dma_start3A_47 : memref<80x125xi32, #tpu.memory_space<hbm>>) target(%dma_start3A_43 : memref<80x125xi32, #tpu.memory_space<vmem>>) target_semaphore(%run_scoped3A : memref<!tpu.dma_semaphore, #tpu.memory_space<semaphore_mem>>)
      %dma_wait3A = arith.constant 0 : i32
      %dma_wait3A_48 = arith.constant 0 : i32
      %dma_wait3A_49 = tpu.memref_slice %arg4[%dma_wait3A, %dma_wait3A_48] : memref<160x125xi32, #tpu.memory_space<vmem>> -> memref<80x125xi32, #tpu.memory_space<vmem>>
      %dma_wait3A_50 = arith.constant 0 : i32
      %dma_wait3A_51 = arith.constant 0 : i32
      %dma_wait3A_52 = tpu.memref_slice %arg2[%mul3A_13, %dma_wait3A_50, %dma_wait3A_51] : memref<32x80x125xi32, #tpu.memory_space<hbm>> -> memref<1x80x125xi32, #tpu.memory_space<hbm>>
      %dma_wait3A_53 = tpu.memref_squeeze %dma_wait3A_52 : memref<1x80x125xi32, #tpu.memory_space<hbm>> -> memref<80x125xi32, #tpu.memory_space<hbm>>
      %dma_wait3A_54 = arith.constant 0 : i32
      %dma_wait3A_55 = arith.constant 0 : i32
      %dma_wait3A_56 = tpu.memref_slice %arg4[%dma_wait3A_54, %dma_wait3A_55] : memref<160x125xi32, #tpu.memory_space<vmem>> -> memref<80x125xi32, #tpu.memory_space<vmem>>
      %dma_wait3A_57 = arith.constant 0 : i32
      %dma_wait3A_58 = arith.constant 0 : i32
      %dma_wait3A_59 = tpu.memref_slice %arg2[%mul3A_13, %dma_wait3A_57, %dma_wait3A_58] : memref<32x80x125xi32, #tpu.memory_space<hbm>> -> memref<1x80x125xi32, #tpu.memory_space<hbm>>
      %dma_wait3A_60 = tpu.memref_squeeze %dma_wait3A_59 : memref<1x80x125xi32, #tpu.memory_space<hbm>> -> memref<80x125xi32, #tpu.memory_space<hbm>>
      tpu.wait_dma2 semaphore(%run_scoped3A : memref<!tpu.dma_semaphore, #tpu.memory_space<semaphore_mem>>) src(%dma_wait3A_60 : memref<80x125xi32, #tpu.memory_space<hbm>>) dst(%dma_wait3A_56 : memref<80x125xi32, #tpu.memory_space<vmem>>)
      tpu.yield
    }) : () -> ()
    %mul3A_14 = arith.constant 2 : i32
    %mul3A_15 = arith.muli %mul3A_14, %arg1 : i32
    %add3A = arith.constant 1 : i32
    %add3A_16 = arith.addi %mul3A_15, %add3A : i32
    "tpu.region"() ({
      %run_scoped3A = tpu.sem_alloc : memref<!tpu.dma_semaphore, #tpu.memory_space<semaphore_mem>>
      %dma_start3A = arith.constant 80 : i32
      %dma_start3A_35 = arith.constant 0 : i32
      %dma_start3A_36 = tpu.memref_slice %arg4[%dma_start3A, %dma_start3A_35] : memref<160x125xi32, #tpu.memory_space<vmem>> -> memref<80x125xi32, #tpu.memory_space<vmem>>
      %dma_start3A_37 = arith.constant 0 : i32
      %dma_start3A_38 = arith.constant 0 : i32
      %dma_start3A_39 = tpu.memref_slice %arg2[%add3A_16, %dma_start3A_37, %dma_start3A_38] : memref<32x80x125xi32, #tpu.memory_space<hbm>> -> memref<1x80x125xi32, #tpu.memory_space<hbm>>
      %dma_start3A_40 = tpu.memref_squeeze %dma_start3A_39 : memref<1x80x125xi32, #tpu.memory_space<hbm>> -> memref<80x125xi32, #tpu.memory_space<hbm>>
      %dma_start3A_41 = arith.constant 80 : i32
      %dma_start3A_42 = arith.constant 0 : i32
      %dma_start3A_43 = tpu.memref_slice %arg4[%dma_start3A_41, %dma_start3A_42] : memref<160x125xi32, #tpu.memory_space<vmem>> -> memref<80x125xi32, #tpu.memory_space<vmem>>
      %dma_start3A_44 = arith.constant 0 : i32
      %dma_start3A_45 = arith.constant 0 : i32
      %dma_start3A_46 = tpu.memref_slice %arg2[%add3A_16, %dma_start3A_44, %dma_start3A_45] : memref<32x80x125xi32, #tpu.memory_space<hbm>> -> memref<1x80x125xi32, #tpu.memory_space<hbm>>
      %dma_start3A_47 = tpu.memref_squeeze %dma_start3A_46 : memref<1x80x125xi32, #tpu.memory_space<hbm>> -> memref<80x125xi32, #tpu.memory_space<hbm>>
      tpu.enqueue_dma source(%dma_start3A_47 : memref<80x125xi32, #tpu.memory_space<hbm>>) target(%dma_start3A_43 : memref<80x125xi32, #tpu.memory_space<vmem>>) target_semaphore(%run_scoped3A : memref<!tpu.dma_semaphore, #tpu.memory_space<semaphore_mem>>)
      %dma_wait3A = arith.constant 80 : i32
      %dma_wait3A_48 = arith.constant 0 : i32
      %dma_wait3A_49 = tpu.memref_slice %arg4[%dma_wait3A, %dma_wait3A_48] : memref<160x125xi32, #tpu.memory_space<vmem>> -> memref<80x125xi32, #tpu.memory_space<vmem>>
      %dma_wait3A_50 = arith.constant 0 : i32
      %dma_wait3A_51 = arith.constant 0 : i32
      %dma_wait3A_52 = tpu.memref_slice %arg2[%add3A_16, %dma_wait3A_50, %dma_wait3A_51] : memref<32x80x125xi32, #tpu.memory_space<hbm>> -> memref<1x80x125xi32, #tpu.memory_space<hbm>>
      %dma_wait3A_53 = tpu.memref_squeeze %dma_wait3A_52 : memref<1x80x125xi32, #tpu.memory_space<hbm>> -> memref<80x125xi32, #tpu.memory_space<hbm>>
      %dma_wait3A_54 = arith.constant 80 : i32
      %dma_wait3A_55 = arith.constant 0 : i32
      %dma_wait3A_56 = tpu.memref_slice %arg4[%dma_wait3A_54, %dma_wait3A_55] : memref<160x125xi32, #tpu.memory_space<vmem>> -> memref<80x125xi32, #tpu.memory_space<vmem>>
      %dma_wait3A_57 = arith.constant 0 : i32
      %dma_wait3A_58 = arith.constant 0 : i32
      %dma_wait3A_59 = tpu.memref_slice %arg2[%add3A_16, %dma_wait3A_57, %dma_wait3A_58] : memref<32x80x125xi32, #tpu.memory_space<hbm>> -> memref<1x80x125xi32, #tpu.memory_space<hbm>>
      %dma_wait3A_60 = tpu.memref_squeeze %dma_wait3A_59 : memref<1x80x125xi32, #tpu.memory_space<hbm>> -> memref<80x125xi32, #tpu.memory_space<hbm>>
      tpu.wait_dma2 semaphore(%run_scoped3A : memref<!tpu.dma_semaphore, #tpu.memory_space<semaphore_mem>>) src(%dma_wait3A_60 : memref<80x125xi32, #tpu.memory_space<hbm>>) dst(%dma_wait3A_56 : memref<80x125xi32, #tpu.memory_space<vmem>>)
      tpu.yield
    }) : () -> ()
    %barrier3A = arith.constant 0 : index
    tpu.barrier barrier_id(%barrier3A)
    %scan3A_17 = arith.constant 0 : i32
    %scan3A_18 = arith.constant 0 : i32
    %scan3A_19 = arith.constant 160 : i32
    %scan3A_20 = arith.addi %scan3A_18, %scan3A_19 : i32
    %scan3A_21 = arith.constant 1 : i32
    scf.for %scan3A_35 = %scan3A_18 to %scan3A_20 step %scan3A_21  : i32 {
      "tpu.region"() ({
        %run_scoped3A = tpu.sem_alloc : memref<!tpu.dma_semaphore, #tpu.memory_space<semaphore_mem>>
        %dma_start3A = arith.constant 0 : i32
        %dma_start3A_36 = tpu.memref_slice %arg5[%dma_start3A] : memref<128xf32, #tpu.memory_space<vmem>> -> memref<125xf32, #tpu.memory_space<vmem>>
        %dma_start3A_37 = arith.constant 0 : i32
        %dma_start3A_38 = tpu.memref_slice %arg4[%scan3A_35, %dma_start3A_37] : memref<160x125xi32, #tpu.memory_space<vmem>> -> memref<1x125xi32, #tpu.memory_space<vmem>>
        %dma_start3A_39 = tpu.memref_squeeze %dma_start3A_38 : memref<1x125xi32, #tpu.memory_space<vmem>> -> memref<125xi32, #tpu.memory_space<vmem>>
        %dma_start3A_40 = arith.constant 0 : i32
        %dma_start3A_41 = tpu.memref_slice %arg8[%dma_start3A_40] : memref<10240xf32, #tpu.memory_space<vmem_shared>> -> memref<10240xf32, #tpu.memory_space<vmem_shared>>
        tpu.enqueue_indirect_dma source(%dma_start3A_36 : memref<125xf32, #tpu.memory_space<vmem>>) target(%dma_start3A_41 : memref<10240xf32, #tpu.memory_space<vmem_shared>>) offsets(%dma_start3A_39 : memref<125xi32, #tpu.memory_space<vmem>>) semaphore(%run_scoped3A : memref<!tpu.dma_semaphore, #tpu.memory_space<semaphore_mem>>) {add = true}
        %dma_wait3A = arith.constant 0 : i32
        %dma_wait3A_42 = tpu.memref_slice %arg5[%dma_wait3A] : memref<128xf32, #tpu.memory_space<vmem>> -> memref<125xf32, #tpu.memory_space<vmem>>
        %dma_wait3A_43 = arith.constant 0 : i32
        %dma_wait3A_44 = tpu.memref_slice %arg4[%scan3A_35, %dma_wait3A_43] : memref<160x125xi32, #tpu.memory_space<vmem>> -> memref<1x125xi32, #tpu.memory_space<vmem>>
        %dma_wait3A_45 = tpu.memref_squeeze %dma_wait3A_44 : memref<1x125xi32, #tpu.memory_space<vmem>> -> memref<125xi32, #tpu.memory_space<vmem>>
        %dma_wait3A_46 = arith.constant 0 : i32
        %dma_wait3A_47 = tpu.memref_slice %arg8[%dma_wait3A_46] : memref<10240xf32, #tpu.memory_space<vmem_shared>> -> memref<10240xf32, #tpu.memory_space<vmem_shared>>
        tpu.wait_indirect_dma semaphore(%run_scoped3A : memref<!tpu.dma_semaphore, #tpu.memory_space<semaphore_mem>>) src(%dma_wait3A_42 : memref<125xf32, #tpu.memory_space<vmem>>) dst(%dma_wait3A_47 : memref<10240xf32, #tpu.memory_space<vmem_shared>>)
        tpu.yield
      }) : () -> ()
    }
    %scan3A_22 = arith.constant 160 : i32
    %barrier3A_23 = arith.constant 0 : index
    tpu.barrier barrier_id(%barrier3A_23)
    %mul3A_24 = arith.constant 5120 : i32
    %mul3A_25 = arith.muli %arg0, %mul3A_24 : i32
    %mul3A_26 = arith.constant 320 : i32
    %mul3A_27 = arith.muli %arg1, %mul3A_26 : i32
    %add3A_28 = arith.addi %mul3A_25, %mul3A_27 : i32
    %multiple_of3A = tpu.assume_multiple %add3A_28, 8 : i32
    "tpu.region"() ({
      %run_scoped3A = tpu.sem_alloc : memref<!tpu.dma_semaphore, #tpu.memory_space<semaphore_mem>>
      %dma_start3A = arith.constant 0 : i32
      %dma_start3A_35 = tpu.memref_slice %arg6[%dma_start3A] : memref<640xf32, #tpu.memory_space<vmem>> -> memref<320xf32, #tpu.memory_space<vmem>>
      %dma_start3A_36 = tpu.memref_slice %arg8[%multiple_of3A] : memref<10240xf32, #tpu.memory_space<vmem_shared>> -> memref<320xf32, #tpu.memory_space<vmem_shared>>
      %dma_start3A_37 = arith.constant 0 : i32
      %dma_start3A_38 = tpu.memref_slice %arg6[%dma_start3A_37] : memref<640xf32, #tpu.memory_space<vmem>> -> memref<320xf32, #tpu.memory_space<vmem>>
      %dma_start3A_39 = tpu.memref_slice %arg8[%multiple_of3A] : memref<10240xf32, #tpu.memory_space<vmem_shared>> -> memref<320xf32, #tpu.memory_space<vmem_shared>>
      tpu.enqueue_dma source(%dma_start3A_39 : memref<320xf32, #tpu.memory_space<vmem_shared>>) target(%dma_start3A_38 : memref<320xf32, #tpu.memory_space<vmem>>) target_semaphore(%run_scoped3A : memref<!tpu.dma_semaphore, #tpu.memory_space<semaphore_mem>>)
      %dma_wait3A = arith.constant 0 : i32
      %dma_wait3A_40 = tpu.memref_slice %arg6[%dma_wait3A] : memref<640xf32, #tpu.memory_space<vmem>> -> memref<320xf32, #tpu.memory_space<vmem>>
      %dma_wait3A_41 = tpu.memref_slice %arg8[%multiple_of3A] : memref<10240xf32, #tpu.memory_space<vmem_shared>> -> memref<320xf32, #tpu.memory_space<vmem_shared>>
      %dma_wait3A_42 = arith.constant 0 : i32
      %dma_wait3A_43 = tpu.memref_slice %arg6[%dma_wait3A_42] : memref<640xf32, #tpu.memory_space<vmem>> -> memref<320xf32, #tpu.memory_space<vmem>>
      %dma_wait3A_44 = tpu.memref_slice %arg8[%multiple_of3A] : memref<10240xf32, #tpu.memory_space<vmem_shared>> -> memref<320xf32, #tpu.memory_space<vmem_shared>>
      tpu.wait_dma2 semaphore(%run_scoped3A : memref<!tpu.dma_semaphore, #tpu.memory_space<semaphore_mem>>) src(%dma_wait3A_44 : memref<320xf32, #tpu.memory_space<vmem_shared>>) dst(%dma_wait3A_43 : memref<320xf32, #tpu.memory_space<vmem>>)
      tpu.yield
    }) : () -> ()
    %scan3A_29 = arith.constant 0 : i32
    %scan3A_30 = arith.constant 0 : i32
    %scan3A_31 = arith.constant 20 : i32
    %scan3A_32 = arith.addi %scan3A_30, %scan3A_31 : i32
    %scan3A_33 = arith.constant 1 : i32
    scf.for %scan3A_35 = %scan3A_30 to %scan3A_32 step %scan3A_33  : i32 {
      %mul3A_36 = arith.constant 16 : i32
      %mul3A_37 = arith.muli %scan3A_35, %mul3A_36 : i32
      %get3A = arith.index_cast %mul3A_37 : i32 to index
      %get3A_38 = tpu.vector_load %arg6[%get3A] {strides = array<i32>} : memref<640xf32, #tpu.memory_space<vmem>>, vector<16xf32>,
      %add3A_39 = arith.constant 1.000000e+00 : f32
      %add3A_40 = vector.broadcast %add3A_39 : f32 to vector<16xf32>
      %add3A_41 = arith.addf %get3A_38, %add3A_40 : vector<16xf32>
      %bitcast3A = vector.bitcast %add3A_41 : vector<16xf32> to vector<16xi32>
      %shift_right_logical3A = arith.constant 1 : i32
      %shift_right_logical3A_42 = vector.broadcast %shift_right_logical3A : i32 to vector<16xi32>
      %shift_right_logical3A_43 = arith.shrui %bitcast3A, %shift_right_logical3A_42 : vector<16xi32>
      %sub3A = arith.constant 1597463007 : i32
      %sub3A_44 = vector.broadcast %sub3A : i32 to vector<16xi32>
      %sub3A_45 = arith.subi %sub3A_44, %shift_right_logical3A_43 : vector<16xi32>
      %bitcast3A_46 = vector.bitcast %sub3A_45 : vector<16xi32> to vector<16xf32>
      %mul3A_47 = arith.constant 5.000000e-01 : f32
      %mul3A_48 = vector.broadcast %mul3A_47 : f32 to vector<16xf32>
      %mul3A_49 = arith.mulf %mul3A_48, %add3A_41 : vector<16xf32>
      %mul3A_50 = arith.mulf %mul3A_49, %bitcast3A_46 : vector<16xf32>
      %mul3A_51 = arith.mulf %mul3A_50, %bitcast3A_46 : vector<16xf32>
      %sub3A_52 = arith.constant 1.500000e+00 : f32
      %sub3A_53 = vector.broadcast %sub3A_52 : f32 to vector<16xf32>
      %sub3A_54 = arith.subf %sub3A_53, %mul3A_51 : vector<16xf32>
      %mul3A_55 = arith.mulf %bitcast3A_46, %sub3A_54 : vector<16xf32>
      %mul3A_56 = arith.mulf %mul3A_49, %mul3A_55 : vector<16xf32>
      %mul3A_57 = arith.mulf %mul3A_56, %mul3A_55 : vector<16xf32>
      %sub3A_58 = arith.constant 1.500000e+00 : f32
      %sub3A_59 = vector.broadcast %sub3A_58 : f32 to vector<16xf32>
      %sub3A_60 = arith.subf %sub3A_59, %mul3A_57 : vector<16xf32>
      %mul3A_61 = arith.mulf %mul3A_55, %sub3A_60 : vector<16xf32>
      %mul3A_62 = arith.mulf %mul3A_49, %mul3A_61 : vector<16xf32>
      %mul3A_63 = arith.mulf %mul3A_62, %mul3A_61 : vector<16xf32>
      %sub3A_64 = arith.constant 1.500000e+00 : f32
      %sub3A_65 = vector.broadcast %sub3A_64 : f32 to vector<16xf32>
      %sub3A_66 = arith.subf %sub3A_65, %mul3A_63 : vector<16xf32>
      %mul3A_67 = arith.mulf %mul3A_61, %sub3A_66 : vector<16xf32>
      %slice3A = vector.extract_strided_slice %mul3A_67 {offsets = [0], sizes = [1], strides = [1]} : vector<16xf32> to vector<1xf32>
      %squeeze3A = vector.extract %slice3A[0] : f32 from vector<1xf32>
      %broadcast_in_dim3A = vector.broadcast %squeeze3A : f32 to vector<16xf32>
      %mul3A_68 = arith.constant 16 : i32
      %mul3A_69 = arith.muli %scan3A_35, %mul3A_68 : i32
      %add3A_70 = arith.constant 0 : i32
      %add3A_71 = arith.addi %mul3A_69, %add3A_70 : i32
      %swap3A = arith.index_cast %add3A_71 : i32 to index
      %swap3A_72 = arith.constant 0 : index
      %swap3A_73 = tpu.vector_load %arg7[%swap3A, %swap3A_72] {strides = array<i32>} : memref<320x16xf32, #tpu.memory_space<vmem>>, vector<16xf32>,
      tpu.vector_store %arg7[%swap3A, %swap3A_72], %broadcast_in_dim3A {strides = array<i32>} : memref<320x16xf32, #tpu.memory_space<vmem>>, vector<16xf32>,
      %slice3A_74 = vector.extract_strided_slice %mul3A_67 {offsets = [1], sizes = [1], strides = [1]} : vector<16xf32> to vector<1xf32>
      %squeeze3A_75 = vector.extract %slice3A_74[0] : f32 from vector<1xf32>
      %broadcast_in_dim3A_76 = vector.broadcast %squeeze3A_75 : f32 to vector<16xf32>
      %mul3A_77 = arith.constant 16 : i32
      %mul3A_78 = arith.muli %scan3A_35, %mul3A_77 : i32
      %add3A_79 = arith.constant 1 : i32
      %add3A_80 = arith.addi %mul3A_78, %add3A_79 : i32
      %swap3A_81 = arith.index_cast %add3A_80 : i32 to index
      %swap3A_82 = arith.constant 0 : index
      %swap3A_83 = tpu.vector_load %arg7[%swap3A_81, %swap3A_82] {strides = array<i32>} : memref<320x16xf32, #tpu.memory_space<vmem>>, vector<16xf32>,
      tpu.vector_store %arg7[%swap3A_81, %swap3A_82], %broadcast_in_dim3A_76 {strides = array<i32>} : memref<320x16xf32, #tpu.memory_space<vmem>>, vector<16xf32>,
      %slice3A_84 = vector.extract_strided_slice %mul3A_67 {offsets = [2], sizes = [1], strides = [1]} : vector<16xf32> to vector<1xf32>
      %squeeze3A_85 = vector.extract %slice3A_84[0] : f32 from vector<1xf32>
      %broadcast_in_dim3A_86 = vector.broadcast %squeeze3A_85 : f32 to vector<16xf32>
      %mul3A_87 = arith.constant 16 : i32
      %mul3A_88 = arith.muli %scan3A_35, %mul3A_87 : i32
      %add3A_89 = arith.constant 2 : i32
      %add3A_90 = arith.addi %mul3A_88, %add3A_89 : i32
      %swap3A_91 = arith.index_cast %add3A_90 : i32 to index
      %swap3A_92 = arith.constant 0 : index
      %swap3A_93 = tpu.vector_load %arg7[%swap3A_91, %swap3A_92] {strides = array<i32>} : memref<320x16xf32, #tpu.memory_space<vmem>>, vector<16xf32>,
      tpu.vector_store %arg7[%swap3A_91, %swap3A_92], %broadcast_in_dim3A_86 {strides = array<i32>} : memref<320x16xf32, #tpu.memory_space<vmem>>, vector<16xf32>,
      %slice3A_94 = vector.extract_strided_slice %mul3A_67 {offsets = [3], sizes = [1], strides = [1]} : vector<16xf32> to vector<1xf32>
      %squeeze3A_95 = vector.extract %slice3A_94[0] : f32 from vector<1xf32>
      %broadcast_in_dim3A_96 = vector.broadcast %squeeze3A_95 : f32 to vector<16xf32>
      %mul3A_97 = arith.constant 16 : i32
      %mul3A_98 = arith.muli %scan3A_35, %mul3A_97 : i32
      %add3A_99 = arith.constant 3 : i32
      %add3A_100 = arith.addi %mul3A_98, %add3A_99 : i32
      %swap3A_101 = arith.index_cast %add3A_100 : i32 to index
      %swap3A_102 = arith.constant 0 : index
      %swap3A_103 = tpu.vector_load %arg7[%swap3A_101, %swap3A_102] {strides = array<i32>} : memref<320x16xf32, #tpu.memory_space<vmem>>, vector<16xf32>,
      tpu.vector_store %arg7[%swap3A_101, %swap3A_102], %broadcast_in_dim3A_96 {strides = array<i32>} : memref<320x16xf32, #tpu.memory_space<vmem>>, vector<16xf32>,
      %slice3A_104 = vector.extract_strided_slice %mul3A_67 {offsets = [4], sizes = [1], strides = [1]} : vector<16xf32> to vector<1xf32>
      %squeeze3A_105 = vector.extract %slice3A_104[0] : f32 from vector<1xf32>
      %broadcast_in_dim3A_106 = vector.broadcast %squeeze3A_105 : f32 to vector<16xf32>
      %mul3A_107 = arith.constant 16 : i32
      %mul3A_108 = arith.muli %scan3A_35, %mul3A_107 : i32
      %add3A_109 = arith.constant 4 : i32
      %add3A_110 = arith.addi %mul3A_108, %add3A_109 : i32
      %swap3A_111 = arith.index_cast %add3A_110 : i32 to index
      %swap3A_112 = arith.constant 0 : index
      %swap3A_113 = tpu.vector_load %arg7[%swap3A_111, %swap3A_112] {strides = array<i32>} : memref<320x16xf32, #tpu.memory_space<vmem>>, vector<16xf32>,
      tpu.vector_store %arg7[%swap3A_111, %swap3A_112], %broadcast_in_dim3A_106 {strides = array<i32>} : memref<320x16xf32, #tpu.memory_space<vmem>>, vector<16xf32>,
      %slice3A_114 = vector.extract_strided_slice %mul3A_67 {offsets = [5], sizes = [1], strides = [1]} : vector<16xf32> to vector<1xf32>
      %squeeze3A_115 = vector.extract %slice3A_114[0] : f32 from vector<1xf32>
      %broadcast_in_dim3A_116 = vector.broadcast %squeeze3A_115 : f32 to vector<16xf32>
      %mul3A_117 = arith.constant 16 : i32
      %mul3A_118 = arith.muli %scan3A_35, %mul3A_117 : i32
      %add3A_119 = arith.constant 5 : i32
      %add3A_120 = arith.addi %mul3A_118, %add3A_119 : i32
      %swap3A_121 = arith.index_cast %add3A_120 : i32 to index
      %swap3A_122 = arith.constant 0 : index
      %swap3A_123 = tpu.vector_load %arg7[%swap3A_121, %swap3A_122] {strides = array<i32>} : memref<320x16xf32, #tpu.memory_space<vmem>>, vector<16xf32>,
      tpu.vector_store %arg7[%swap3A_121, %swap3A_122], %broadcast_in_dim3A_116 {strides = array<i32>} : memref<320x16xf32, #tpu.memory_space<vmem>>, vector<16xf32>,
      %slice3A_124 = vector.extract_strided_slice %mul3A_67 {offsets = [6], sizes = [1], strides = [1]} : vector<16xf32> to vector<1xf32>
      %squeeze3A_125 = vector.extract %slice3A_124[0] : f32 from vector<1xf32>
      %broadcast_in_dim3A_126 = vector.broadcast %squeeze3A_125 : f32 to vector<16xf32>
      %mul3A_127 = arith.constant 16 : i32
      %mul3A_128 = arith.muli %scan3A_35, %mul3A_127 : i32
      %add3A_129 = arith.constant 6 : i32
      %add3A_130 = arith.addi %mul3A_128, %add3A_129 : i32
      %swap3A_131 = arith.index_cast %add3A_130 : i32 to index
      %swap3A_132 = arith.constant 0 : index
      %swap3A_133 = tpu.vector_load %arg7[%swap3A_131, %swap3A_132] {strides = array<i32>} : memref<320x16xf32, #tpu.memory_space<vmem>>, vector<16xf32>,
      tpu.vector_store %arg7[%swap3A_131, %swap3A_132], %broadcast_in_dim3A_126 {strides = array<i32>} : memref<320x16xf32, #tpu.memory_space<vmem>>, vector<16xf32>,
      %slice3A_134 = vector.extract_strided_slice %mul3A_67 {offsets = [7], sizes = [1], strides = [1]} : vector<16xf32> to vector<1xf32>
      %squeeze3A_135 = vector.extract %slice3A_134[0] : f32 from vector<1xf32>
      %broadcast_in_dim3A_136 = vector.broadcast %squeeze3A_135 : f32 to vector<16xf32>
      %mul3A_137 = arith.constant 16 : i32
      %mul3A_138 = arith.muli %scan3A_35, %mul3A_137 : i32
      %add3A_139 = arith.constant 7 : i32
      %add3A_140 = arith.addi %mul3A_138, %add3A_139 : i32
      %swap3A_141 = arith.index_cast %add3A_140 : i32 to index
      %swap3A_142 = arith.constant 0 : index
      %swap3A_143 = tpu.vector_load %arg7[%swap3A_141, %swap3A_142] {strides = array<i32>} : memref<320x16xf32, #tpu.memory_space<vmem>>, vector<16xf32>,
      tpu.vector_store %arg7[%swap3A_141, %swap3A_142], %broadcast_in_dim3A_136 {strides = array<i32>} : memref<320x16xf32, #tpu.memory_space<vmem>>, vector<16xf32>,
      %slice3A_144 = vector.extract_strided_slice %mul3A_67 {offsets = [8], sizes = [1], strides = [1]} : vector<16xf32> to vector<1xf32>
      %squeeze3A_145 = vector.extract %slice3A_144[0] : f32 from vector<1xf32>
      %broadcast_in_dim3A_146 = vector.broadcast %squeeze3A_145 : f32 to vector<16xf32>
      %mul3A_147 = arith.constant 16 : i32
      %mul3A_148 = arith.muli %scan3A_35, %mul3A_147 : i32
      %add3A_149 = arith.constant 8 : i32
      %add3A_150 = arith.addi %mul3A_148, %add3A_149 : i32
      %swap3A_151 = arith.index_cast %add3A_150 : i32 to index
      %swap3A_152 = arith.constant 0 : index
      %swap3A_153 = tpu.vector_load %arg7[%swap3A_151, %swap3A_152] {strides = array<i32>} : memref<320x16xf32, #tpu.memory_space<vmem>>, vector<16xf32>,
      tpu.vector_store %arg7[%swap3A_151, %swap3A_152], %broadcast_in_dim3A_146 {strides = array<i32>} : memref<320x16xf32, #tpu.memory_space<vmem>>, vector<16xf32>,
      %slice3A_154 = vector.extract_strided_slice %mul3A_67 {offsets = [9], sizes = [1], strides = [1]} : vector<16xf32> to vector<1xf32>
      %squeeze3A_155 = vector.extract %slice3A_154[0] : f32 from vector<1xf32>
      %broadcast_in_dim3A_156 = vector.broadcast %squeeze3A_155 : f32 to vector<16xf32>
      %mul3A_157 = arith.constant 16 : i32
      %mul3A_158 = arith.muli %scan3A_35, %mul3A_157 : i32
      %add3A_159 = arith.constant 9 : i32
      %add3A_160 = arith.addi %mul3A_158, %add3A_159 : i32
      %swap3A_161 = arith.index_cast %add3A_160 : i32 to index
      %swap3A_162 = arith.constant 0 : index
      %swap3A_163 = tpu.vector_load %arg7[%swap3A_161, %swap3A_162] {strides = array<i32>} : memref<320x16xf32, #tpu.memory_space<vmem>>, vector<16xf32>,
      tpu.vector_store %arg7[%swap3A_161, %swap3A_162], %broadcast_in_dim3A_156 {strides = array<i32>} : memref<320x16xf32, #tpu.memory_space<vmem>>, vector<16xf32>,
      %slice3A_164 = vector.extract_strided_slice %mul3A_67 {offsets = [10], sizes = [1], strides = [1]} : vector<16xf32> to vector<1xf32>
      %squeeze3A_165 = vector.extract %slice3A_164[0] : f32 from vector<1xf32>
      %broadcast_in_dim3A_166 = vector.broadcast %squeeze3A_165 : f32 to vector<16xf32>
      %mul3A_167 = arith.constant 16 : i32
      %mul3A_168 = arith.muli %scan3A_35, %mul3A_167 : i32
      %add3A_169 = arith.constant 10 : i32
      %add3A_170 = arith.addi %mul3A_168, %add3A_169 : i32
      %swap3A_171 = arith.index_cast %add3A_170 : i32 to index
      %swap3A_172 = arith.constant 0 : index
      %swap3A_173 = tpu.vector_load %arg7[%swap3A_171, %swap3A_172] {strides = array<i32>} : memref<320x16xf32, #tpu.memory_space<vmem>>, vector<16xf32>,
      tpu.vector_store %arg7[%swap3A_171, %swap3A_172], %broadcast_in_dim3A_166 {strides = array<i32>} : memref<320x16xf32, #tpu.memory_space<vmem>>, vector<16xf32>,
      %slice3A_174 = vector.extract_strided_slice %mul3A_67 {offsets = [11], sizes = [1], strides = [1]} : vector<16xf32> to vector<1xf32>
      %squeeze3A_175 = vector.extract %slice3A_174[0] : f32 from vector<1xf32>
      %broadcast_in_dim3A_176 = vector.broadcast %squeeze3A_175 : f32 to vector<16xf32>
      %mul3A_177 = arith.constant 16 : i32
      %mul3A_178 = arith.muli %scan3A_35, %mul3A_177 : i32
      %add3A_179 = arith.constant 11 : i32
      %add3A_180 = arith.addi %mul3A_178, %add3A_179 : i32
      %swap3A_181 = arith.index_cast %add3A_180 : i32 to index
      %swap3A_182 = arith.constant 0 : index
      %swap3A_183 = tpu.vector_load %arg7[%swap3A_181, %swap3A_182] {strides = array<i32>} : memref<320x16xf32, #tpu.memory_space<vmem>>, vector<16xf32>,
      tpu.vector_store %arg7[%swap3A_181, %swap3A_182], %broadcast_in_dim3A_176 {strides = array<i32>} : memref<320x16xf32, #tpu.memory_space<vmem>>, vector<16xf32>,
      %slice3A_184 = vector.extract_strided_slice %mul3A_67 {offsets = [12], sizes = [1], strides = [1]} : vector<16xf32> to vector<1xf32>
      %squeeze3A_185 = vector.extract %slice3A_184[0] : f32 from vector<1xf32>
      %broadcast_in_dim3A_186 = vector.broadcast %squeeze3A_185 : f32 to vector<16xf32>
      %mul3A_187 = arith.constant 16 : i32
      %mul3A_188 = arith.muli %scan3A_35, %mul3A_187 : i32
      %add3A_189 = arith.constant 12 : i32
      %add3A_190 = arith.addi %mul3A_188, %add3A_189 : i32
      %swap3A_191 = arith.index_cast %add3A_190 : i32 to index
      %swap3A_192 = arith.constant 0 : index
      %swap3A_193 = tpu.vector_load %arg7[%swap3A_191, %swap3A_192] {strides = array<i32>} : memref<320x16xf32, #tpu.memory_space<vmem>>, vector<16xf32>,
      tpu.vector_store %arg7[%swap3A_191, %swap3A_192], %broadcast_in_dim3A_186 {strides = array<i32>} : memref<320x16xf32, #tpu.memory_space<vmem>>, vector<16xf32>,
      %slice3A_194 = vector.extract_strided_slice %mul3A_67 {offsets = [13], sizes = [1], strides = [1]} : vector<16xf32> to vector<1xf32>
      %squeeze3A_195 = vector.extract %slice3A_194[0] : f32 from vector<1xf32>
      %broadcast_in_dim3A_196 = vector.broadcast %squeeze3A_195 : f32 to vector<16xf32>
      %mul3A_197 = arith.constant 16 : i32
      %mul3A_198 = arith.muli %scan3A_35, %mul3A_197 : i32
      %add3A_199 = arith.constant 13 : i32
      %add3A_200 = arith.addi %mul3A_198, %add3A_199 : i32
      %swap3A_201 = arith.index_cast %add3A_200 : i32 to index
      %swap3A_202 = arith.constant 0 : index
      %swap3A_203 = tpu.vector_load %arg7[%swap3A_201, %swap3A_202] {strides = array<i32>} : memref<320x16xf32, #tpu.memory_space<vmem>>, vector<16xf32>,
      tpu.vector_store %arg7[%swap3A_201, %swap3A_202], %broadcast_in_dim3A_196 {strides = array<i32>} : memref<320x16xf32, #tpu.memory_space<vmem>>, vector<16xf32>,
      %slice3A_204 = vector.extract_strided_slice %mul3A_67 {offsets = [14], sizes = [1], strides = [1]} : vector<16xf32> to vector<1xf32>
      %squeeze3A_205 = vector.extract %slice3A_204[0] : f32 from vector<1xf32>
      %broadcast_in_dim3A_206 = vector.broadcast %squeeze3A_205 : f32 to vector<16xf32>
      %mul3A_207 = arith.constant 16 : i32
      %mul3A_208 = arith.muli %scan3A_35, %mul3A_207 : i32
      %add3A_209 = arith.constant 14 : i32
      %add3A_210 = arith.addi %mul3A_208, %add3A_209 : i32
      %swap3A_211 = arith.index_cast %add3A_210 : i32 to index
      %swap3A_212 = arith.constant 0 : index
      %swap3A_213 = tpu.vector_load %arg7[%swap3A_211, %swap3A_212] {strides = array<i32>} : memref<320x16xf32, #tpu.memory_space<vmem>>, vector<16xf32>,
      tpu.vector_store %arg7[%swap3A_211, %swap3A_212], %broadcast_in_dim3A_206 {strides = array<i32>} : memref<320x16xf32, #tpu.memory_space<vmem>>, vector<16xf32>,
      %slice3A_214 = vector.extract_strided_slice %mul3A_67 {offsets = [15], sizes = [1], strides = [1]} : vector<16xf32> to vector<1xf32>
      %squeeze3A_215 = vector.extract %slice3A_214[0] : f32 from vector<1xf32>
      %broadcast_in_dim3A_216 = vector.broadcast %squeeze3A_215 : f32 to vector<16xf32>
      %mul3A_217 = arith.constant 16 : i32
      %mul3A_218 = arith.muli %scan3A_35, %mul3A_217 : i32
      %add3A_219 = arith.constant 15 : i32
      %add3A_220 = arith.addi %mul3A_218, %add3A_219 : i32
      %swap3A_221 = arith.index_cast %add3A_220 : i32 to index
      %swap3A_222 = arith.constant 0 : index
      %swap3A_223 = tpu.vector_load %arg7[%swap3A_221, %swap3A_222] {strides = array<i32>} : memref<320x16xf32, #tpu.memory_space<vmem>>, vector<16xf32>,
      tpu.vector_store %arg7[%swap3A_221, %swap3A_222], %broadcast_in_dim3A_216 {strides = array<i32>} : memref<320x16xf32, #tpu.memory_space<vmem>>, vector<16xf32>,
    }
    %scan3A_34 = arith.constant 20 : i32
    "tpu.region"() ({
      %run_scoped3A = tpu.sem_alloc : memref<!tpu.dma_semaphore, #tpu.memory_space<semaphore_mem>>
      %dma_start3A = arith.constant 0 : i32
      %dma_start3A_35 = tpu.memref_slice %arg3[%multiple_of3A, %dma_start3A] : memref<10240x16xf32, #tpu.memory_space<hbm>> -> memref<320x16xf32, #tpu.memory_space<hbm>>
      %dma_start3A_36 = arith.constant 0 : i32
      %dma_start3A_37 = tpu.memref_slice %arg3[%multiple_of3A, %dma_start3A_36] : memref<10240x16xf32, #tpu.memory_space<hbm>> -> memref<320x16xf32, #tpu.memory_space<hbm>>
      tpu.enqueue_dma source(%arg7 : memref<320x16xf32, #tpu.memory_space<vmem>>) target(%dma_start3A_37 : memref<320x16xf32, #tpu.memory_space<hbm>>) target_semaphore(%run_scoped3A : memref<!tpu.dma_semaphore, #tpu.memory_space<semaphore_mem>>)
      %dma_wait3A = arith.constant 0 : i32
      %dma_wait3A_38 = tpu.memref_slice %arg3[%multiple_of3A, %dma_wait3A] : memref<10240x16xf32, #tpu.memory_space<hbm>> -> memref<320x16xf32, #tpu.memory_space<hbm>>
      %dma_wait3A_39 = arith.constant 0 : i32
      %dma_wait3A_40 = tpu.memref_slice %arg3[%multiple_of3A, %dma_wait3A_39] : memref<10240x16xf32, #tpu.memory_space<hbm>> -> memref<320x16xf32, #tpu.memory_space<hbm>>
      tpu.wait_dma2 semaphore(%run_scoped3A : memref<!tpu.dma_semaphore, #tpu.memory_space<semaphore_mem>>) src(%arg7 : memref<320x16xf32, #tpu.memory_space<vmem>>) dst(%dma_wait3A_40 : memref<320x16xf32, #tpu.memory_space<hbm>>)
      tpu.yield
    }) : () -> ()
    return
  }
}

#map = affine_map<(d0, d1) -> (0, 0)>
#map1 = affine_map<(d0, d1) -> (0, 0, 0)>
module attributes {stable_mosaic.version = 14 : i64} {
  func.func @_sc_scatter_body(%arg0: i32, %arg1: i32, %arg2: memref<10240x16xf32, #tpu.memory_space<hbm>>, %arg3: memref<32x80x125xi32, #tpu.memory_space<hbm>>, %arg4: memref<32x80x125xi32, #tpu.memory_space<hbm>>, %arg5: memref<10240x16xf32, #tpu.memory_space<hbm>>, %arg6: memref<10240x16xf32, #tpu.memory_space<hbm>>, %arg7: memref<80x125xi32, #tpu.memory_space<vmem>>, %arg8: memref<80x125xi32, #tpu.memory_space<vmem>>, %arg9: memref<8x125x16xf32, #tpu.memory_space<vmem>>, %arg10: memref<640x16xf32, #tpu.memory_space<vmem>>, %arg11: memref<10240x16xf32, #tpu.memory_space<vmem_shared>>, %arg12: memref<10240x16xf32, #tpu.memory_space<vmem_shared>>, %arg13: memref<8x!tpu.dma_semaphore, #tpu.memory_space<semaphore_mem>>) attributes {dimension_semantics = [#tpu.dimension_semantics<core_parallel>, #tpu.dimension_semantics<subcore_parallel>], iteration_bounds = array<i64: 2, 16>, scalar_prefetch = 0 : i64, scratch_operands = 7 : i64, tpu.core_type = #tpu.core_type<sc_vector_subcore>, window_params = [{transform_indices = #map}, {transform_indices = #map1}, {transform_indices = #map1}, {transform_indices = #map}, {transform_indices = #map}]} {
    %mul3A = arith.constant 2 : i32
    %mul3A_0 = arith.muli %arg1, %mul3A : i32
    %add3A = arith.addi %mul3A_0, %arg0 : i32
    %scan3A = arith.constant 0 : i32
    %scan3A_1 = arith.constant 0 : i32
    %scan3A_2 = arith.constant 640 : i32
    %scan3A_3 = arith.addi %scan3A_1, %scan3A_2 : i32
    %scan3A_4 = arith.constant 1 : i32
    scf.for %scan3A_28 = %scan3A_1 to %scan3A_3 step %scan3A_4  : i32 {
      %broadcast_in_dim3A = arith.constant 0.000000e+00 : f32
      %broadcast_in_dim3A_29 = vector.broadcast %broadcast_in_dim3A : f32 to vector<16xf32>
      %swap3A = arith.index_cast %scan3A_28 : i32 to index
      %swap3A_30 = arith.constant 0 : index
      %swap3A_31 = tpu.vector_load %arg10[%swap3A, %swap3A_30] {strides = array<i32>} : memref<640x16xf32, #tpu.memory_space<vmem>>, vector<16xf32>,
      tpu.vector_store %arg10[%swap3A, %swap3A_30], %broadcast_in_dim3A_29 {strides = array<i32>} : memref<640x16xf32, #tpu.memory_space<vmem>>, vector<16xf32>,
    }
    %scan3A_5 = arith.constant 640 : i32
    %mul3A_6 = arith.constant 640 : i32
    %mul3A_7 = arith.muli %arg1, %mul3A_6 : i32
    %mul3A_8 = arith.constant 640 : i32
    %mul3A_9 = arith.muli %arg1, %mul3A_8 : i32
    "tpu.region"() ({
      %run_scoped3A = tpu.sem_alloc : memref<!tpu.dma_semaphore, #tpu.memory_space<semaphore_mem>>
      %dma_start3A = arith.constant 0 : i32
      %dma_start3A_28 = tpu.memref_slice %arg12[%mul3A_9, %dma_start3A] : memref<10240x16xf32, #tpu.memory_space<vmem_shared>> -> memref<640x16xf32, #tpu.memory_space<vmem_shared>>
      %dma_start3A_29 = arith.constant 0 : i32
      %dma_start3A_30 = tpu.memref_slice %arg2[%mul3A_7, %dma_start3A_29] : memref<10240x16xf32, #tpu.memory_space<hbm>> -> memref<640x16xf32, #tpu.memory_space<hbm>>
      tpu.enqueue_dma source(%dma_start3A_30 : memref<640x16xf32, #tpu.memory_space<hbm>>) target(%dma_start3A_28 : memref<640x16xf32, #tpu.memory_space<vmem_shared>>) target_semaphore(%run_scoped3A : memref<!tpu.dma_semaphore, #tpu.memory_space<semaphore_mem>>)
      %dma_wait3A = arith.constant 0 : i32
      %dma_wait3A_31 = tpu.memref_slice %arg12[%mul3A_9, %dma_wait3A] : memref<10240x16xf32, #tpu.memory_space<vmem_shared>> -> memref<640x16xf32, #tpu.memory_space<vmem_shared>>
      %dma_wait3A_32 = arith.constant 0 : i32
      %dma_wait3A_33 = tpu.memref_slice %arg2[%mul3A_7, %dma_wait3A_32] : memref<10240x16xf32, #tpu.memory_space<hbm>> -> memref<640x16xf32, #tpu.memory_space<hbm>>
      tpu.wait_dma2 semaphore(%run_scoped3A : memref<!tpu.dma_semaphore, #tpu.memory_space<semaphore_mem>>) src(%dma_wait3A_33 : memref<640x16xf32, #tpu.memory_space<hbm>>) dst(%dma_wait3A_31 : memref<640x16xf32, #tpu.memory_space<vmem_shared>>)
      tpu.yield
    }) : () -> ()
    %mul3A_10 = arith.constant 640 : i32
    %mul3A_11 = arith.muli %arg1, %mul3A_10 : i32
    "tpu.region"() ({
      %run_scoped3A = tpu.sem_alloc : memref<!tpu.dma_semaphore, #tpu.memory_space<semaphore_mem>>
      %dma_start3A = arith.constant 0 : i32
      %dma_start3A_28 = tpu.memref_slice %arg11[%mul3A_11, %dma_start3A] : memref<10240x16xf32, #tpu.memory_space<vmem_shared>> -> memref<640x16xf32, #tpu.memory_space<vmem_shared>>
      %dma_start3A_29 = arith.constant 0 : i32
      %dma_start3A_30 = tpu.memref_slice %arg11[%mul3A_11, %dma_start3A_29] : memref<10240x16xf32, #tpu.memory_space<vmem_shared>> -> memref<640x16xf32, #tpu.memory_space<vmem_shared>>
      tpu.enqueue_dma source(%arg10 : memref<640x16xf32, #tpu.memory_space<vmem>>) target(%dma_start3A_30 : memref<640x16xf32, #tpu.memory_space<vmem_shared>>) target_semaphore(%run_scoped3A : memref<!tpu.dma_semaphore, #tpu.memory_space<semaphore_mem>>)
      %dma_wait3A = arith.constant 0 : i32
      %dma_wait3A_31 = tpu.memref_slice %arg11[%mul3A_11, %dma_wait3A] : memref<10240x16xf32, #tpu.memory_space<vmem_shared>> -> memref<640x16xf32, #tpu.memory_space<vmem_shared>>
      %dma_wait3A_32 = arith.constant 0 : i32
      %dma_wait3A_33 = tpu.memref_slice %arg11[%mul3A_11, %dma_wait3A_32] : memref<10240x16xf32, #tpu.memory_space<vmem_shared>> -> memref<640x16xf32, #tpu.memory_space<vmem_shared>>
      tpu.wait_dma2 semaphore(%run_scoped3A : memref<!tpu.dma_semaphore, #tpu.memory_space<semaphore_mem>>) src(%arg10 : memref<640x16xf32, #tpu.memory_space<vmem>>) dst(%dma_wait3A_33 : memref<640x16xf32, #tpu.memory_space<vmem_shared>>)
      tpu.yield
    }) : () -> ()
    "tpu.region"() ({
      %run_scoped3A = tpu.sem_alloc : memref<!tpu.dma_semaphore, #tpu.memory_space<semaphore_mem>>
      %dma_start3A = arith.constant 0 : i32
      %dma_start3A_28 = arith.constant 0 : i32
      %dma_start3A_29 = tpu.memref_slice %arg3[%add3A, %dma_start3A, %dma_start3A_28] : memref<32x80x125xi32, #tpu.memory_space<hbm>> -> memref<1x80x125xi32, #tpu.memory_space<hbm>>
      %dma_start3A_30 = tpu.memref_squeeze %dma_start3A_29 : memref<1x80x125xi32, #tpu.memory_space<hbm>> -> memref<80x125xi32, #tpu.memory_space<hbm>>
      %dma_start3A_31 = arith.constant 0 : i32
      %dma_start3A_32 = arith.constant 0 : i32
      %dma_start3A_33 = tpu.memref_slice %arg3[%add3A, %dma_start3A_31, %dma_start3A_32] : memref<32x80x125xi32, #tpu.memory_space<hbm>> -> memref<1x80x125xi32, #tpu.memory_space<hbm>>
      %dma_start3A_34 = tpu.memref_squeeze %dma_start3A_33 : memref<1x80x125xi32, #tpu.memory_space<hbm>> -> memref<80x125xi32, #tpu.memory_space<hbm>>
      tpu.enqueue_dma source(%dma_start3A_34 : memref<80x125xi32, #tpu.memory_space<hbm>>) target(%arg7 : memref<80x125xi32, #tpu.memory_space<vmem>>) target_semaphore(%run_scoped3A : memref<!tpu.dma_semaphore, #tpu.memory_space<semaphore_mem>>)
      %dma_wait3A = arith.constant 0 : i32
      %dma_wait3A_35 = arith.constant 0 : i32
      %dma_wait3A_36 = tpu.memref_slice %arg3[%add3A, %dma_wait3A, %dma_wait3A_35] : memref<32x80x125xi32, #tpu.memory_space<hbm>> -> memref<1x80x125xi32, #tpu.memory_space<hbm>>
      %dma_wait3A_37 = tpu.memref_squeeze %dma_wait3A_36 : memref<1x80x125xi32, #tpu.memory_space<hbm>> -> memref<80x125xi32, #tpu.memory_space<hbm>>
      %dma_wait3A_38 = arith.constant 0 : i32
      %dma_wait3A_39 = arith.constant 0 : i32
      %dma_wait3A_40 = tpu.memref_slice %arg3[%add3A, %dma_wait3A_38, %dma_wait3A_39] : memref<32x80x125xi32, #tpu.memory_space<hbm>> -> memref<1x80x125xi32, #tpu.memory_space<hbm>>
      %dma_wait3A_41 = tpu.memref_squeeze %dma_wait3A_40 : memref<1x80x125xi32, #tpu.memory_space<hbm>> -> memref<80x125xi32, #tpu.memory_space<hbm>>
      tpu.wait_dma2 semaphore(%run_scoped3A : memref<!tpu.dma_semaphore, #tpu.memory_space<semaphore_mem>>) src(%dma_wait3A_41 : memref<80x125xi32, #tpu.memory_space<hbm>>) dst(%arg7 : memref<80x125xi32, #tpu.memory_space<vmem>>)
      tpu.yield
    }) : () -> ()
    "tpu.region"() ({
      %run_scoped3A = tpu.sem_alloc : memref<!tpu.dma_semaphore, #tpu.memory_space<semaphore_mem>>
      %dma_start3A = arith.constant 0 : i32
      %dma_start3A_28 = arith.constant 0 : i32
      %dma_start3A_29 = tpu.memref_slice %arg4[%add3A, %dma_start3A, %dma_start3A_28] : memref<32x80x125xi32, #tpu.memory_space<hbm>> -> memref<1x80x125xi32, #tpu.memory_space<hbm>>
      %dma_start3A_30 = tpu.memref_squeeze %dma_start3A_29 : memref<1x80x125xi32, #tpu.memory_space<hbm>> -> memref<80x125xi32, #tpu.memory_space<hbm>>
      %dma_start3A_31 = arith.constant 0 : i32
      %dma_start3A_32 = arith.constant 0 : i32
      %dma_start3A_33 = tpu.memref_slice %arg4[%add3A, %dma_start3A_31, %dma_start3A_32] : memref<32x80x125xi32, #tpu.memory_space<hbm>> -> memref<1x80x125xi32, #tpu.memory_space<hbm>>
      %dma_start3A_34 = tpu.memref_squeeze %dma_start3A_33 : memref<1x80x125xi32, #tpu.memory_space<hbm>> -> memref<80x125xi32, #tpu.memory_space<hbm>>
      tpu.enqueue_dma source(%dma_start3A_34 : memref<80x125xi32, #tpu.memory_space<hbm>>) target(%arg8 : memref<80x125xi32, #tpu.memory_space<vmem>>) target_semaphore(%run_scoped3A : memref<!tpu.dma_semaphore, #tpu.memory_space<semaphore_mem>>)
      %dma_wait3A = arith.constant 0 : i32
      %dma_wait3A_35 = arith.constant 0 : i32
      %dma_wait3A_36 = tpu.memref_slice %arg4[%add3A, %dma_wait3A, %dma_wait3A_35] : memref<32x80x125xi32, #tpu.memory_space<hbm>> -> memref<1x80x125xi32, #tpu.memory_space<hbm>>
      %dma_wait3A_37 = tpu.memref_squeeze %dma_wait3A_36 : memref<1x80x125xi32, #tpu.memory_space<hbm>> -> memref<80x125xi32, #tpu.memory_space<hbm>>
      %dma_wait3A_38 = arith.constant 0 : i32
      %dma_wait3A_39 = arith.constant 0 : i32
      %dma_wait3A_40 = tpu.memref_slice %arg4[%add3A, %dma_wait3A_38, %dma_wait3A_39] : memref<32x80x125xi32, #tpu.memory_space<hbm>> -> memref<1x80x125xi32, #tpu.memory_space<hbm>>
      %dma_wait3A_41 = tpu.memref_squeeze %dma_wait3A_40 : memref<1x80x125xi32, #tpu.memory_space<hbm>> -> memref<80x125xi32, #tpu.memory_space<hbm>>
      tpu.wait_dma2 semaphore(%run_scoped3A : memref<!tpu.dma_semaphore, #tpu.memory_space<semaphore_mem>>) src(%dma_wait3A_41 : memref<80x125xi32, #tpu.memory_space<hbm>>) dst(%arg8 : memref<80x125xi32, #tpu.memory_space<vmem>>)
      tpu.yield
    }) : () -> ()
    %barrier3A = arith.constant 0 : index
    tpu.barrier barrier_id(%barrier3A)
    %scan3A_12 = arith.constant 0 : i32
    %scan3A_13 = arith.constant 0 : i32
    %scan3A_14 = arith.constant 10 : i32
    %scan3A_15 = arith.addi %scan3A_13, %scan3A_14 : i32
    %scan3A_16 = arith.constant 1 : i32
    scf.for %scan3A_28 = %scan3A_13 to %scan3A_15 step %scan3A_16  : i32 {
      %mul3A_29 = arith.constant 8 : i32
      %mul3A_30 = arith.muli %scan3A_28, %mul3A_29 : i32
      %add3A_31 = arith.constant 0 : i32
      %add3A_32 = arith.addi %mul3A_30, %add3A_31 : i32
      %dma_start3A = arith.constant 0 : i32
      %dma_start3A_33 = arith.constant 0 : i32
      %dma_start3A_34 = arith.constant 0 : i32
      %dma_start3A_35 = arith.constant 0 : i32
      %dma_start3A_36 = tpu.memref_slice %arg9[%dma_start3A, %dma_start3A_34, %dma_start3A_35] : memref<8x125x16xf32, #tpu.memory_space<vmem>> -> memref<1x125x16xf32, #tpu.memory_space<vmem>>
      %dma_start3A_37 = tpu.memref_squeeze %dma_start3A_36 : memref<1x125x16xf32, #tpu.memory_space<vmem>> -> memref<125x16xf32, #tpu.memory_space<vmem>>
      %dma_start3A_38 = arith.constant 0 : i32
      %dma_start3A_39 = tpu.memref_slice %arg7[%add3A_32, %dma_start3A_38] : memref<80x125xi32, #tpu.memory_space<vmem>> -> memref<1x125xi32, #tpu.memory_space<vmem>>
      %dma_start3A_40 = tpu.memref_squeeze %dma_start3A_39 : memref<1x125xi32, #tpu.memory_space<vmem>> -> memref<125xi32, #tpu.memory_space<vmem>>
      %dma_start3A_41 = arith.constant 0 : i32
      %dma_start3A_42 = arith.constant 0 : i32
      %dma_start3A_43 = tpu.memref_slice %arg12[%dma_start3A_41, %dma_start3A_42] : memref<10240x16xf32, #tpu.memory_space<vmem_shared>> -> memref<10240x16xf32, #tpu.memory_space<vmem_shared>>
      %dma_start3A_44 = tpu.memref_slice %arg13[%dma_start3A_33] : memref<8x!tpu.dma_semaphore, #tpu.memory_space<semaphore_mem>> -> memref<1x!tpu.dma_semaphore, #tpu.memory_space<semaphore_mem>>
      %dma_start3A_45 = tpu.memref_squeeze %dma_start3A_44 : memref<1x!tpu.dma_semaphore, #tpu.memory_space<semaphore_mem>> -> memref<!tpu.dma_semaphore, #tpu.memory_space<semaphore_mem>>
      tpu.enqueue_indirect_dma source(%dma_start3A_43 : memref<10240x16xf32, #tpu.memory_space<vmem_shared>>) target(%dma_start3A_37 : memref<125x16xf32, #tpu.memory_space<vmem>>) offsets(%dma_start3A_40 : memref<125xi32, #tpu.memory_space<vmem>>) semaphore(%dma_start3A_45 : memref<!tpu.dma_semaphore, #tpu.memory_space<semaphore_mem>>)
      %add3A_46 = arith.constant 1 : i32
      %add3A_47 = arith.addi %mul3A_30, %add3A_46 : i32
      %dma_start3A_48 = arith.constant 1 : i32
      %dma_start3A_49 = arith.constant 1 : i32
      %dma_start3A_50 = arith.constant 0 : i32
      %dma_start3A_51 = arith.constant 0 : i32
      %dma_start3A_52 = tpu.memref_slice %arg9[%dma_start3A_48, %dma_start3A_50, %dma_start3A_51] : memref<8x125x16xf32, #tpu.memory_space<vmem>> -> memref<1x125x16xf32, #tpu.memory_space<vmem>>
      %dma_start3A_53 = tpu.memref_squeeze %dma_start3A_52 : memref<1x125x16xf32, #tpu.memory_space<vmem>> -> memref<125x16xf32, #tpu.memory_space<vmem>>
      %dma_start3A_54 = arith.constant 0 : i32
      %dma_start3A_55 = tpu.memref_slice %arg7[%add3A_47, %dma_start3A_54] : memref<80x125xi32, #tpu.memory_space<vmem>> -> memref<1x125xi32, #tpu.memory_space<vmem>>
      %dma_start3A_56 = tpu.memref_squeeze %dma_start3A_55 : memref<1x125xi32, #tpu.memory_space<vmem>> -> memref<125xi32, #tpu.memory_space<vmem>>
      %dma_start3A_57 = arith.constant 0 : i32
      %dma_start3A_58 = arith.constant 0 : i32
      %dma_start3A_59 = tpu.memref_slice %arg12[%dma_start3A_57, %dma_start3A_58] : memref<10240x16xf32, #tpu.memory_space<vmem_shared>> -> memref<10240x16xf32, #tpu.memory_space<vmem_shared>>
      %dma_start3A_60 = tpu.memref_slice %arg13[%dma_start3A_49] : memref<8x!tpu.dma_semaphore, #tpu.memory_space<semaphore_mem>> -> memref<1x!tpu.dma_semaphore, #tpu.memory_space<semaphore_mem>>
      %dma_start3A_61 = tpu.memref_squeeze %dma_start3A_60 : memref<1x!tpu.dma_semaphore, #tpu.memory_space<semaphore_mem>> -> memref<!tpu.dma_semaphore, #tpu.memory_space<semaphore_mem>>
      tpu.enqueue_indirect_dma source(%dma_start3A_59 : memref<10240x16xf32, #tpu.memory_space<vmem_shared>>) target(%dma_start3A_53 : memref<125x16xf32, #tpu.memory_space<vmem>>) offsets(%dma_start3A_56 : memref<125xi32, #tpu.memory_space<vmem>>) semaphore(%dma_start3A_61 : memref<!tpu.dma_semaphore, #tpu.memory_space<semaphore_mem>>)
      %add3A_62 = arith.constant 2 : i32
      %add3A_63 = arith.addi %mul3A_30, %add3A_62 : i32
      %dma_start3A_64 = arith.constant 2 : i32
      %dma_start3A_65 = arith.constant 2 : i32
      %dma_start3A_66 = arith.constant 0 : i32
      %dma_start3A_67 = arith.constant 0 : i32
      %dma_start3A_68 = tpu.memref_slice %arg9[%dma_start3A_64, %dma_start3A_66, %dma_start3A_67] : memref<8x125x16xf32, #tpu.memory_space<vmem>> -> memref<1x125x16xf32, #tpu.memory_space<vmem>>
      %dma_start3A_69 = tpu.memref_squeeze %dma_start3A_68 : memref<1x125x16xf32, #tpu.memory_space<vmem>> -> memref<125x16xf32, #tpu.memory_space<vmem>>
      %dma_start3A_70 = arith.constant 0 : i32
      %dma_start3A_71 = tpu.memref_slice %arg7[%add3A_63, %dma_start3A_70] : memref<80x125xi32, #tpu.memory_space<vmem>> -> memref<1x125xi32, #tpu.memory_space<vmem>>
      %dma_start3A_72 = tpu.memref_squeeze %dma_start3A_71 : memref<1x125xi32, #tpu.memory_space<vmem>> -> memref<125xi32, #tpu.memory_space<vmem>>
      %dma_start3A_73 = arith.constant 0 : i32
      %dma_start3A_74 = arith.constant 0 : i32
      %dma_start3A_75 = tpu.memref_slice %arg12[%dma_start3A_73, %dma_start3A_74] : memref<10240x16xf32, #tpu.memory_space<vmem_shared>> -> memref<10240x16xf32, #tpu.memory_space<vmem_shared>>
      %dma_start3A_76 = tpu.memref_slice %arg13[%dma_start3A_65] : memref<8x!tpu.dma_semaphore, #tpu.memory_space<semaphore_mem>> -> memref<1x!tpu.dma_semaphore, #tpu.memory_space<semaphore_mem>>
      %dma_start3A_77 = tpu.memref_squeeze %dma_start3A_76 : memref<1x!tpu.dma_semaphore, #tpu.memory_space<semaphore_mem>> -> memref<!tpu.dma_semaphore, #tpu.memory_space<semaphore_mem>>
      tpu.enqueue_indirect_dma source(%dma_start3A_75 : memref<10240x16xf32, #tpu.memory_space<vmem_shared>>) target(%dma_start3A_69 : memref<125x16xf32, #tpu.memory_space<vmem>>) offsets(%dma_start3A_72 : memref<125xi32, #tpu.memory_space<vmem>>) semaphore(%dma_start3A_77 : memref<!tpu.dma_semaphore, #tpu.memory_space<semaphore_mem>>)
      %add3A_78 = arith.constant 3 : i32
      %add3A_79 = arith.addi %mul3A_30, %add3A_78 : i32
      %dma_start3A_80 = arith.constant 3 : i32
      %dma_start3A_81 = arith.constant 3 : i32
      %dma_start3A_82 = arith.constant 0 : i32
      %dma_start3A_83 = arith.constant 0 : i32
      %dma_start3A_84 = tpu.memref_slice %arg9[%dma_start3A_80, %dma_start3A_82, %dma_start3A_83] : memref<8x125x16xf32, #tpu.memory_space<vmem>> -> memref<1x125x16xf32, #tpu.memory_space<vmem>>
      %dma_start3A_85 = tpu.memref_squeeze %dma_start3A_84 : memref<1x125x16xf32, #tpu.memory_space<vmem>> -> memref<125x16xf32, #tpu.memory_space<vmem>>
      %dma_start3A_86 = arith.constant 0 : i32
      %dma_start3A_87 = tpu.memref_slice %arg7[%add3A_79, %dma_start3A_86] : memref<80x125xi32, #tpu.memory_space<vmem>> -> memref<1x125xi32, #tpu.memory_space<vmem>>
      %dma_start3A_88 = tpu.memref_squeeze %dma_start3A_87 : memref<1x125xi32, #tpu.memory_space<vmem>> -> memref<125xi32, #tpu.memory_space<vmem>>
      %dma_start3A_89 = arith.constant 0 : i32
      %dma_start3A_90 = arith.constant 0 : i32
      %dma_start3A_91 = tpu.memref_slice %arg12[%dma_start3A_89, %dma_start3A_90] : memref<10240x16xf32, #tpu.memory_space<vmem_shared>> -> memref<10240x16xf32, #tpu.memory_space<vmem_shared>>
      %dma_start3A_92 = tpu.memref_slice %arg13[%dma_start3A_81] : memref<8x!tpu.dma_semaphore, #tpu.memory_space<semaphore_mem>> -> memref<1x!tpu.dma_semaphore, #tpu.memory_space<semaphore_mem>>
      %dma_start3A_93 = tpu.memref_squeeze %dma_start3A_92 : memref<1x!tpu.dma_semaphore, #tpu.memory_space<semaphore_mem>> -> memref<!tpu.dma_semaphore, #tpu.memory_space<semaphore_mem>>
      tpu.enqueue_indirect_dma source(%dma_start3A_91 : memref<10240x16xf32, #tpu.memory_space<vmem_shared>>) target(%dma_start3A_85 : memref<125x16xf32, #tpu.memory_space<vmem>>) offsets(%dma_start3A_88 : memref<125xi32, #tpu.memory_space<vmem>>) semaphore(%dma_start3A_93 : memref<!tpu.dma_semaphore, #tpu.memory_space<semaphore_mem>>)
      %add3A_94 = arith.constant 4 : i32
      %add3A_95 = arith.addi %mul3A_30, %add3A_94 : i32
      %dma_start3A_96 = arith.constant 4 : i32
      %dma_start3A_97 = arith.constant 4 : i32
      %dma_start3A_98 = arith.constant 0 : i32
      %dma_start3A_99 = arith.constant 0 : i32
      %dma_start3A_100 = tpu.memref_slice %arg9[%dma_start3A_96, %dma_start3A_98, %dma_start3A_99] : memref<8x125x16xf32, #tpu.memory_space<vmem>> -> memref<1x125x16xf32, #tpu.memory_space<vmem>>
      %dma_start3A_101 = tpu.memref_squeeze %dma_start3A_100 : memref<1x125x16xf32, #tpu.memory_space<vmem>> -> memref<125x16xf32, #tpu.memory_space<vmem>>
      %dma_start3A_102 = arith.constant 0 : i32
      %dma_start3A_103 = tpu.memref_slice %arg7[%add3A_95, %dma_start3A_102] : memref<80x125xi32, #tpu.memory_space<vmem>> -> memref<1x125xi32, #tpu.memory_space<vmem>>
      %dma_start3A_104 = tpu.memref_squeeze %dma_start3A_103 : memref<1x125xi32, #tpu.memory_space<vmem>> -> memref<125xi32, #tpu.memory_space<vmem>>
      %dma_start3A_105 = arith.constant 0 : i32
      %dma_start3A_106 = arith.constant 0 : i32
      %dma_start3A_107 = tpu.memref_slice %arg12[%dma_start3A_105, %dma_start3A_106] : memref<10240x16xf32, #tpu.memory_space<vmem_shared>> -> memref<10240x16xf32, #tpu.memory_space<vmem_shared>>
      %dma_start3A_108 = tpu.memref_slice %arg13[%dma_start3A_97] : memref<8x!tpu.dma_semaphore, #tpu.memory_space<semaphore_mem>> -> memref<1x!tpu.dma_semaphore, #tpu.memory_space<semaphore_mem>>
      %dma_start3A_109 = tpu.memref_squeeze %dma_start3A_108 : memref<1x!tpu.dma_semaphore, #tpu.memory_space<semaphore_mem>> -> memref<!tpu.dma_semaphore, #tpu.memory_space<semaphore_mem>>
      tpu.enqueue_indirect_dma source(%dma_start3A_107 : memref<10240x16xf32, #tpu.memory_space<vmem_shared>>) target(%dma_start3A_101 : memref<125x16xf32, #tpu.memory_space<vmem>>) offsets(%dma_start3A_104 : memref<125xi32, #tpu.memory_space<vmem>>) semaphore(%dma_start3A_109 : memref<!tpu.dma_semaphore, #tpu.memory_space<semaphore_mem>>)
      %add3A_110 = arith.constant 5 : i32
      %add3A_111 = arith.addi %mul3A_30, %add3A_110 : i32
      %dma_start3A_112 = arith.constant 5 : i32
      %dma_start3A_113 = arith.constant 5 : i32
      %dma_start3A_114 = arith.constant 0 : i32
      %dma_start3A_115 = arith.constant 0 : i32
      %dma_start3A_116 = tpu.memref_slice %arg9[%dma_start3A_112, %dma_start3A_114, %dma_start3A_115] : memref<8x125x16xf32, #tpu.memory_space<vmem>> -> memref<1x125x16xf32, #tpu.memory_space<vmem>>
      %dma_start3A_117 = tpu.memref_squeeze %dma_start3A_116 : memref<1x125x16xf32, #tpu.memory_space<vmem>> -> memref<125x16xf32, #tpu.memory_space<vmem>>
      %dma_start3A_118 = arith.constant 0 : i32
      %dma_start3A_119 = tpu.memref_slice %arg7[%add3A_111, %dma_start3A_118] : memref<80x125xi32, #tpu.memory_space<vmem>> -> memref<1x125xi32, #tpu.memory_space<vmem>>
      %dma_start3A_120 = tpu.memref_squeeze %dma_start3A_119 : memref<1x125xi32, #tpu.memory_space<vmem>> -> memref<125xi32, #tpu.memory_space<vmem>>
      %dma_start3A_121 = arith.constant 0 : i32
      %dma_start3A_122 = arith.constant 0 : i32
      %dma_start3A_123 = tpu.memref_slice %arg12[%dma_start3A_121, %dma_start3A_122] : memref<10240x16xf32, #tpu.memory_space<vmem_shared>> -> memref<10240x16xf32, #tpu.memory_space<vmem_shared>>
      %dma_start3A_124 = tpu.memref_slice %arg13[%dma_start3A_113] : memref<8x!tpu.dma_semaphore, #tpu.memory_space<semaphore_mem>> -> memref<1x!tpu.dma_semaphore, #tpu.memory_space<semaphore_mem>>
      %dma_start3A_125 = tpu.memref_squeeze %dma_start3A_124 : memref<1x!tpu.dma_semaphore, #tpu.memory_space<semaphore_mem>> -> memref<!tpu.dma_semaphore, #tpu.memory_space<semaphore_mem>>
      tpu.enqueue_indirect_dma source(%dma_start3A_123 : memref<10240x16xf32, #tpu.memory_space<vmem_shared>>) target(%dma_start3A_117 : memref<125x16xf32, #tpu.memory_space<vmem>>) offsets(%dma_start3A_120 : memref<125xi32, #tpu.memory_space<vmem>>) semaphore(%dma_start3A_125 : memref<!tpu.dma_semaphore, #tpu.memory_space<semaphore_mem>>)
      %add3A_126 = arith.constant 6 : i32
      %add3A_127 = arith.addi %mul3A_30, %add3A_126 : i32
      %dma_start3A_128 = arith.constant 6 : i32
      %dma_start3A_129 = arith.constant 6 : i32
      %dma_start3A_130 = arith.constant 0 : i32
      %dma_start3A_131 = arith.constant 0 : i32
      %dma_start3A_132 = tpu.memref_slice %arg9[%dma_start3A_128, %dma_start3A_130, %dma_start3A_131] : memref<8x125x16xf32, #tpu.memory_space<vmem>> -> memref<1x125x16xf32, #tpu.memory_space<vmem>>
      %dma_start3A_133 = tpu.memref_squeeze %dma_start3A_132 : memref<1x125x16xf32, #tpu.memory_space<vmem>> -> memref<125x16xf32, #tpu.memory_space<vmem>>
      %dma_start3A_134 = arith.constant 0 : i32
      %dma_start3A_135 = tpu.memref_slice %arg7[%add3A_127, %dma_start3A_134] : memref<80x125xi32, #tpu.memory_space<vmem>> -> memref<1x125xi32, #tpu.memory_space<vmem>>
      %dma_start3A_136 = tpu.memref_squeeze %dma_start3A_135 : memref<1x125xi32, #tpu.memory_space<vmem>> -> memref<125xi32, #tpu.memory_space<vmem>>
      %dma_start3A_137 = arith.constant 0 : i32
      %dma_start3A_138 = arith.constant 0 : i32
      %dma_start3A_139 = tpu.memref_slice %arg12[%dma_start3A_137, %dma_start3A_138] : memref<10240x16xf32, #tpu.memory_space<vmem_shared>> -> memref<10240x16xf32, #tpu.memory_space<vmem_shared>>
      %dma_start3A_140 = tpu.memref_slice %arg13[%dma_start3A_129] : memref<8x!tpu.dma_semaphore, #tpu.memory_space<semaphore_mem>> -> memref<1x!tpu.dma_semaphore, #tpu.memory_space<semaphore_mem>>
      %dma_start3A_141 = tpu.memref_squeeze %dma_start3A_140 : memref<1x!tpu.dma_semaphore, #tpu.memory_space<semaphore_mem>> -> memref<!tpu.dma_semaphore, #tpu.memory_space<semaphore_mem>>
      tpu.enqueue_indirect_dma source(%dma_start3A_139 : memref<10240x16xf32, #tpu.memory_space<vmem_shared>>) target(%dma_start3A_133 : memref<125x16xf32, #tpu.memory_space<vmem>>) offsets(%dma_start3A_136 : memref<125xi32, #tpu.memory_space<vmem>>) semaphore(%dma_start3A_141 : memref<!tpu.dma_semaphore, #tpu.memory_space<semaphore_mem>>)
      %add3A_142 = arith.constant 7 : i32
      %add3A_143 = arith.addi %mul3A_30, %add3A_142 : i32
      %dma_start3A_144 = arith.constant 7 : i32
      %dma_start3A_145 = arith.constant 7 : i32
      %dma_start3A_146 = arith.constant 0 : i32
      %dma_start3A_147 = arith.constant 0 : i32
      %dma_start3A_148 = tpu.memref_slice %arg9[%dma_start3A_144, %dma_start3A_146, %dma_start3A_147] : memref<8x125x16xf32, #tpu.memory_space<vmem>> -> memref<1x125x16xf32, #tpu.memory_space<vmem>>
      %dma_start3A_149 = tpu.memref_squeeze %dma_start3A_148 : memref<1x125x16xf32, #tpu.memory_space<vmem>> -> memref<125x16xf32, #tpu.memory_space<vmem>>
      %dma_start3A_150 = arith.constant 0 : i32
      %dma_start3A_151 = tpu.memref_slice %arg7[%add3A_143, %dma_start3A_150] : memref<80x125xi32, #tpu.memory_space<vmem>> -> memref<1x125xi32, #tpu.memory_space<vmem>>
      %dma_start3A_152 = tpu.memref_squeeze %dma_start3A_151 : memref<1x125xi32, #tpu.memory_space<vmem>> -> memref<125xi32, #tpu.memory_space<vmem>>
      %dma_start3A_153 = arith.constant 0 : i32
      %dma_start3A_154 = arith.constant 0 : i32
      %dma_start3A_155 = tpu.memref_slice %arg12[%dma_start3A_153, %dma_start3A_154] : memref<10240x16xf32, #tpu.memory_space<vmem_shared>> -> memref<10240x16xf32, #tpu.memory_space<vmem_shared>>
      %dma_start3A_156 = tpu.memref_slice %arg13[%dma_start3A_145] : memref<8x!tpu.dma_semaphore, #tpu.memory_space<semaphore_mem>> -> memref<1x!tpu.dma_semaphore, #tpu.memory_space<semaphore_mem>>
      %dma_start3A_157 = tpu.memref_squeeze %dma_start3A_156 : memref<1x!tpu.dma_semaphore, #tpu.memory_space<semaphore_mem>> -> memref<!tpu.dma_semaphore, #tpu.memory_space<semaphore_mem>>
      tpu.enqueue_indirect_dma source(%dma_start3A_155 : memref<10240x16xf32, #tpu.memory_space<vmem_shared>>) target(%dma_start3A_149 : memref<125x16xf32, #tpu.memory_space<vmem>>) offsets(%dma_start3A_152 : memref<125xi32, #tpu.memory_space<vmem>>) semaphore(%dma_start3A_157 : memref<!tpu.dma_semaphore, #tpu.memory_space<semaphore_mem>>)
      %dma_wait3A = arith.constant 0 : i32
      %dma_wait3A_158 = arith.constant 0 : i32
      %dma_wait3A_159 = arith.constant 0 : i32
      %dma_wait3A_160 = arith.constant 0 : i32
      %dma_wait3A_161 = tpu.memref_slice %arg9[%dma_wait3A, %dma_wait3A_159, %dma_wait3A_160] : memref<8x125x16xf32, #tpu.memory_space<vmem>> -> memref<1x125x16xf32, #tpu.memory_space<vmem>>
      %dma_wait3A_162 = tpu.memref_squeeze %dma_wait3A_161 : memref<1x125x16xf32, #tpu.memory_space<vmem>> -> memref<125x16xf32, #tpu.memory_space<vmem>>
      %dma_wait3A_163 = arith.constant 0 : i32
      %dma_wait3A_164 = tpu.memref_slice %arg7[%add3A_32, %dma_wait3A_163] : memref<80x125xi32, #tpu.memory_space<vmem>> -> memref<1x125xi32, #tpu.memory_space<vmem>>
      %dma_wait3A_165 = tpu.memref_squeeze %dma_wait3A_164 : memref<1x125xi32, #tpu.memory_space<vmem>> -> memref<125xi32, #tpu.memory_space<vmem>>
      %dma_wait3A_166 = arith.constant 0 : i32
      %dma_wait3A_167 = arith.constant 0 : i32
      %dma_wait3A_168 = tpu.memref_slice %arg12[%dma_wait3A_166, %dma_wait3A_167] : memref<10240x16xf32, #tpu.memory_space<vmem_shared>> -> memref<10240x16xf32, #tpu.memory_space<vmem_shared>>
      %dma_wait3A_169 = tpu.memref_slice %arg13[%dma_wait3A_158] : memref<8x!tpu.dma_semaphore, #tpu.memory_space<semaphore_mem>> -> memref<1x!tpu.dma_semaphore, #tpu.memory_space<semaphore_mem>>
      %dma_wait3A_170 = tpu.memref_squeeze %dma_wait3A_169 : memref<1x!tpu.dma_semaphore, #tpu.memory_space<semaphore_mem>> -> memref<!tpu.dma_semaphore, #tpu.memory_space<semaphore_mem>>
      tpu.wait_indirect_dma semaphore(%dma_wait3A_170 : memref<!tpu.dma_semaphore, #tpu.memory_space<semaphore_mem>>) src(%dma_wait3A_168 : memref<10240x16xf32, #tpu.memory_space<vmem_shared>>) dst(%dma_wait3A_162 : memref<125x16xf32, #tpu.memory_space<vmem>>)
      %add3A_171 = arith.constant 0 : i32
      %add3A_172 = arith.addi %mul3A_30, %add3A_171 : i32
      %run_scoped3A = arith.constant 0 : i32
      "tpu.region"() ({
        %run_scoped3A_292 = tpu.sem_alloc : memref<!tpu.dma_semaphore, #tpu.memory_space<semaphore_mem>>
        %dma_start3A_293 = arith.constant 0 : i32
        %dma_start3A_294 = arith.constant 0 : i32
        %dma_start3A_295 = tpu.memref_slice %arg9[%run_scoped3A, %dma_start3A_293, %dma_start3A_294] : memref<8x125x16xf32, #tpu.memory_space<vmem>> -> memref<1x125x16xf32, #tpu.memory_space<vmem>>
        %dma_start3A_296 = tpu.memref_squeeze %dma_start3A_295 : memref<1x125x16xf32, #tpu.memory_space<vmem>> -> memref<125x16xf32, #tpu.memory_space<vmem>>
        %dma_start3A_297 = arith.constant 0 : i32
        %dma_start3A_298 = tpu.memref_slice %arg8[%add3A_172, %dma_start3A_297] : memref<80x125xi32, #tpu.memory_space<vmem>> -> memref<1x125xi32, #tpu.memory_space<vmem>>
        %dma_start3A_299 = tpu.memref_squeeze %dma_start3A_298 : memref<1x125xi32, #tpu.memory_space<vmem>> -> memref<125xi32, #tpu.memory_space<vmem>>
        %dma_start3A_300 = arith.constant 0 : i32
        %dma_start3A_301 = arith.constant 0 : i32
        %dma_start3A_302 = tpu.memref_slice %arg11[%dma_start3A_300, %dma_start3A_301] : memref<10240x16xf32, #tpu.memory_space<vmem_shared>> -> memref<10240x16xf32, #tpu.memory_space<vmem_shared>>
        tpu.enqueue_indirect_dma source(%dma_start3A_296 : memref<125x16xf32, #tpu.memory_space<vmem>>) target(%dma_start3A_302 : memref<10240x16xf32, #tpu.memory_space<vmem_shared>>) offsets(%dma_start3A_299 : memref<125xi32, #tpu.memory_space<vmem>>) semaphore(%run_scoped3A_292 : memref<!tpu.dma_semaphore, #tpu.memory_space<semaphore_mem>>) {add = true}
        %dma_wait3A_303 = arith.constant 0 : i32
        %dma_wait3A_304 = arith.constant 0 : i32
        %dma_wait3A_305 = tpu.memref_slice %arg9[%run_scoped3A, %dma_wait3A_303, %dma_wait3A_304] : memref<8x125x16xf32, #tpu.memory_space<vmem>> -> memref<1x125x16xf32, #tpu.memory_space<vmem>>
        %dma_wait3A_306 = tpu.memref_squeeze %dma_wait3A_305 : memref<1x125x16xf32, #tpu.memory_space<vmem>> -> memref<125x16xf32, #tpu.memory_space<vmem>>
        %dma_wait3A_307 = arith.constant 0 : i32
        %dma_wait3A_308 = tpu.memref_slice %arg8[%add3A_172, %dma_wait3A_307] : memref<80x125xi32, #tpu.memory_space<vmem>> -> memref<1x125xi32, #tpu.memory_space<vmem>>
        %dma_wait3A_309 = tpu.memref_squeeze %dma_wait3A_308 : memref<1x125xi32, #tpu.memory_space<vmem>> -> memref<125xi32, #tpu.memory_space<vmem>>
        %dma_wait3A_310 = arith.constant 0 : i32
        %dma_wait3A_311 = arith.constant 0 : i32
        %dma_wait3A_312 = tpu.memref_slice %arg11[%dma_wait3A_310, %dma_wait3A_311] : memref<10240x16xf32, #tpu.memory_space<vmem_shared>> -> memref<10240x16xf32, #tpu.memory_space<vmem_shared>>
        tpu.wait_indirect_dma semaphore(%run_scoped3A_292 : memref<!tpu.dma_semaphore, #tpu.memory_space<semaphore_mem>>) src(%dma_wait3A_306 : memref<125x16xf32, #tpu.memory_space<vmem>>) dst(%dma_wait3A_312 : memref<10240x16xf32, #tpu.memory_space<vmem_shared>>)
        tpu.yield
      }) : () -> ()
      %dma_wait3A_173 = arith.constant 1 : i32
      %dma_wait3A_174 = arith.constant 1 : i32
      %dma_wait3A_175 = arith.constant 0 : i32
      %dma_wait3A_176 = arith.constant 0 : i32
      %dma_wait3A_177 = tpu.memref_slice %arg9[%dma_wait3A_173, %dma_wait3A_175, %dma_wait3A_176] : memref<8x125x16xf32, #tpu.memory_space<vmem>> -> memref<1x125x16xf32, #tpu.memory_space<vmem>>
      %dma_wait3A_178 = tpu.memref_squeeze %dma_wait3A_177 : memref<1x125x16xf32, #tpu.memory_space<vmem>> -> memref<125x16xf32, #tpu.memory_space<vmem>>
      %dma_wait3A_179 = arith.constant 0 : i32
      %dma_wait3A_180 = tpu.memref_slice %arg7[%add3A_47, %dma_wait3A_179] : memref<80x125xi32, #tpu.memory_space<vmem>> -> memref<1x125xi32, #tpu.memory_space<vmem>>
      %dma_wait3A_181 = tpu.memref_squeeze %dma_wait3A_180 : memref<1x125xi32, #tpu.memory_space<vmem>> -> memref<125xi32, #tpu.memory_space<vmem>>
      %dma_wait3A_182 = arith.constant 0 : i32
      %dma_wait3A_183 = arith.constant 0 : i32
      %dma_wait3A_184 = tpu.memref_slice %arg12[%dma_wait3A_182, %dma_wait3A_183] : memref<10240x16xf32, #tpu.memory_space<vmem_shared>> -> memref<10240x16xf32, #tpu.memory_space<vmem_shared>>
      %dma_wait3A_185 = tpu.memref_slice %arg13[%dma_wait3A_174] : memref<8x!tpu.dma_semaphore, #tpu.memory_space<semaphore_mem>> -> memref<1x!tpu.dma_semaphore, #tpu.memory_space<semaphore_mem>>
      %dma_wait3A_186 = tpu.memref_squeeze %dma_wait3A_185 : memref<1x!tpu.dma_semaphore, #tpu.memory_space<semaphore_mem>> -> memref<!tpu.dma_semaphore, #tpu.memory_space<semaphore_mem>>
      tpu.wait_indirect_dma semaphore(%dma_wait3A_186 : memref<!tpu.dma_semaphore, #tpu.memory_space<semaphore_mem>>) src(%dma_wait3A_184 : memref<10240x16xf32, #tpu.memory_space<vmem_shared>>) dst(%dma_wait3A_178 : memref<125x16xf32, #tpu.memory_space<vmem>>)
      %add3A_187 = arith.constant 1 : i32
      %add3A_188 = arith.addi %mul3A_30, %add3A_187 : i32
      %run_scoped3A_189 = arith.constant 1 : i32
      "tpu.region"() ({
        %run_scoped3A_292 = tpu.sem_alloc : memref<!tpu.dma_semaphore, #tpu.memory_space<semaphore_mem>>
        %dma_start3A_293 = arith.constant 0 : i32
        %dma_start3A_294 = arith.constant 0 : i32
        %dma_start3A_295 = tpu.memref_slice %arg9[%run_scoped3A_189, %dma_start3A_293, %dma_start3A_294] : memref<8x125x16xf32, #tpu.memory_space<vmem>> -> memref<1x125x16xf32, #tpu.memory_space<vmem>>
        %dma_start3A_296 = tpu.memref_squeeze %dma_start3A_295 : memref<1x125x16xf32, #tpu.memory_space<vmem>> -> memref<125x16xf32, #tpu.memory_space<vmem>>
        %dma_start3A_297 = arith.constant 0 : i32
        %dma_start3A_298 = tpu.memref_slice %arg8[%add3A_188, %dma_start3A_297] : memref<80x125xi32, #tpu.memory_space<vmem>> -> memref<1x125xi32, #tpu.memory_space<vmem>>
        %dma_start3A_299 = tpu.memref_squeeze %dma_start3A_298 : memref<1x125xi32, #tpu.memory_space<vmem>> -> memref<125xi32, #tpu.memory_space<vmem>>
        %dma_start3A_300 = arith.constant 0 : i32
        %dma_start3A_301 = arith.constant 0 : i32
        %dma_start3A_302 = tpu.memref_slice %arg11[%dma_start3A_300, %dma_start3A_301] : memref<10240x16xf32, #tpu.memory_space<vmem_shared>> -> memref<10240x16xf32, #tpu.memory_space<vmem_shared>>
        tpu.enqueue_indirect_dma source(%dma_start3A_296 : memref<125x16xf32, #tpu.memory_space<vmem>>) target(%dma_start3A_302 : memref<10240x16xf32, #tpu.memory_space<vmem_shared>>) offsets(%dma_start3A_299 : memref<125xi32, #tpu.memory_space<vmem>>) semaphore(%run_scoped3A_292 : memref<!tpu.dma_semaphore, #tpu.memory_space<semaphore_mem>>) {add = true}
        %dma_wait3A_303 = arith.constant 0 : i32
        %dma_wait3A_304 = arith.constant 0 : i32
        %dma_wait3A_305 = tpu.memref_slice %arg9[%run_scoped3A_189, %dma_wait3A_303, %dma_wait3A_304] : memref<8x125x16xf32, #tpu.memory_space<vmem>> -> memref<1x125x16xf32, #tpu.memory_space<vmem>>
        %dma_wait3A_306 = tpu.memref_squeeze %dma_wait3A_305 : memref<1x125x16xf32, #tpu.memory_space<vmem>> -> memref<125x16xf32, #tpu.memory_space<vmem>>
        %dma_wait3A_307 = arith.constant 0 : i32
        %dma_wait3A_308 = tpu.memref_slice %arg8[%add3A_188, %dma_wait3A_307] : memref<80x125xi32, #tpu.memory_space<vmem>> -> memref<1x125xi32, #tpu.memory_space<vmem>>
        %dma_wait3A_309 = tpu.memref_squeeze %dma_wait3A_308 : memref<1x125xi32, #tpu.memory_space<vmem>> -> memref<125xi32, #tpu.memory_space<vmem>>
        %dma_wait3A_310 = arith.constant 0 : i32
        %dma_wait3A_311 = arith.constant 0 : i32
        %dma_wait3A_312 = tpu.memref_slice %arg11[%dma_wait3A_310, %dma_wait3A_311] : memref<10240x16xf32, #tpu.memory_space<vmem_shared>> -> memref<10240x16xf32, #tpu.memory_space<vmem_shared>>
        tpu.wait_indirect_dma semaphore(%run_scoped3A_292 : memref<!tpu.dma_semaphore, #tpu.memory_space<semaphore_mem>>) src(%dma_wait3A_306 : memref<125x16xf32, #tpu.memory_space<vmem>>) dst(%dma_wait3A_312 : memref<10240x16xf32, #tpu.memory_space<vmem_shared>>)
        tpu.yield
      }) : () -> ()
      %dma_wait3A_190 = arith.constant 2 : i32
      %dma_wait3A_191 = arith.constant 2 : i32
      %dma_wait3A_192 = arith.constant 0 : i32
      %dma_wait3A_193 = arith.constant 0 : i32
      %dma_wait3A_194 = tpu.memref_slice %arg9[%dma_wait3A_190, %dma_wait3A_192, %dma_wait3A_193] : memref<8x125x16xf32, #tpu.memory_space<vmem>> -> memref<1x125x16xf32, #tpu.memory_space<vmem>>
      %dma_wait3A_195 = tpu.memref_squeeze %dma_wait3A_194 : memref<1x125x16xf32, #tpu.memory_space<vmem>> -> memref<125x16xf32, #tpu.memory_space<vmem>>
      %dma_wait3A_196 = arith.constant 0 : i32
      %dma_wait3A_197 = tpu.memref_slice %arg7[%add3A_63, %dma_wait3A_196] : memref<80x125xi32, #tpu.memory_space<vmem>> -> memref<1x125xi32, #tpu.memory_space<vmem>>
      %dma_wait3A_198 = tpu.memref_squeeze %dma_wait3A_197 : memref<1x125xi32, #tpu.memory_space<vmem>> -> memref<125xi32, #tpu.memory_space<vmem>>
      %dma_wait3A_199 = arith.constant 0 : i32
      %dma_wait3A_200 = arith.constant 0 : i32
      %dma_wait3A_201 = tpu.memref_slice %arg12[%dma_wait3A_199, %dma_wait3A_200] : memref<10240x16xf32, #tpu.memory_space<vmem_shared>> -> memref<10240x16xf32, #tpu.memory_space<vmem_shared>>
      %dma_wait3A_202 = tpu.memref_slice %arg13[%dma_wait3A_191] : memref<8x!tpu.dma_semaphore, #tpu.memory_space<semaphore_mem>> -> memref<1x!tpu.dma_semaphore, #tpu.memory_space<semaphore_mem>>
      %dma_wait3A_203 = tpu.memref_squeeze %dma_wait3A_202 : memref<1x!tpu.dma_semaphore, #tpu.memory_space<semaphore_mem>> -> memref<!tpu.dma_semaphore, #tpu.memory_space<semaphore_mem>>
      tpu.wait_indirect_dma semaphore(%dma_wait3A_203 : memref<!tpu.dma_semaphore, #tpu.memory_space<semaphore_mem>>) src(%dma_wait3A_201 : memref<10240x16xf32, #tpu.memory_space<vmem_shared>>) dst(%dma_wait3A_195 : memref<125x16xf32, #tpu.memory_space<vmem>>)
      %add3A_204 = arith.constant 2 : i32
      %add3A_205 = arith.addi %mul3A_30, %add3A_204 : i32
      %run_scoped3A_206 = arith.constant 2 : i32
      "tpu.region"() ({
        %run_scoped3A_292 = tpu.sem_alloc : memref<!tpu.dma_semaphore, #tpu.memory_space<semaphore_mem>>
        %dma_start3A_293 = arith.constant 0 : i32
        %dma_start3A_294 = arith.constant 0 : i32
        %dma_start3A_295 = tpu.memref_slice %arg9[%run_scoped3A_206, %dma_start3A_293, %dma_start3A_294] : memref<8x125x16xf32, #tpu.memory_space<vmem>> -> memref<1x125x16xf32, #tpu.memory_space<vmem>>
        %dma_start3A_296 = tpu.memref_squeeze %dma_start3A_295 : memref<1x125x16xf32, #tpu.memory_space<vmem>> -> memref<125x16xf32, #tpu.memory_space<vmem>>
        %dma_start3A_297 = arith.constant 0 : i32
        %dma_start3A_298 = tpu.memref_slice %arg8[%add3A_205, %dma_start3A_297] : memref<80x125xi32, #tpu.memory_space<vmem>> -> memref<1x125xi32, #tpu.memory_space<vmem>>
        %dma_start3A_299 = tpu.memref_squeeze %dma_start3A_298 : memref<1x125xi32, #tpu.memory_space<vmem>> -> memref<125xi32, #tpu.memory_space<vmem>>
        %dma_start3A_300 = arith.constant 0 : i32
        %dma_start3A_301 = arith.constant 0 : i32
        %dma_start3A_302 = tpu.memref_slice %arg11[%dma_start3A_300, %dma_start3A_301] : memref<10240x16xf32, #tpu.memory_space<vmem_shared>> -> memref<10240x16xf32, #tpu.memory_space<vmem_shared>>
        tpu.enqueue_indirect_dma source(%dma_start3A_296 : memref<125x16xf32, #tpu.memory_space<vmem>>) target(%dma_start3A_302 : memref<10240x16xf32, #tpu.memory_space<vmem_shared>>) offsets(%dma_start3A_299 : memref<125xi32, #tpu.memory_space<vmem>>) semaphore(%run_scoped3A_292 : memref<!tpu.dma_semaphore, #tpu.memory_space<semaphore_mem>>) {add = true}
        %dma_wait3A_303 = arith.constant 0 : i32
        %dma_wait3A_304 = arith.constant 0 : i32
        %dma_wait3A_305 = tpu.memref_slice %arg9[%run_scoped3A_206, %dma_wait3A_303, %dma_wait3A_304] : memref<8x125x16xf32, #tpu.memory_space<vmem>> -> memref<1x125x16xf32, #tpu.memory_space<vmem>>
        %dma_wait3A_306 = tpu.memref_squeeze %dma_wait3A_305 : memref<1x125x16xf32, #tpu.memory_space<vmem>> -> memref<125x16xf32, #tpu.memory_space<vmem>>
        %dma_wait3A_307 = arith.constant 0 : i32
        %dma_wait3A_308 = tpu.memref_slice %arg8[%add3A_205, %dma_wait3A_307] : memref<80x125xi32, #tpu.memory_space<vmem>> -> memref<1x125xi32, #tpu.memory_space<vmem>>
        %dma_wait3A_309 = tpu.memref_squeeze %dma_wait3A_308 : memref<1x125xi32, #tpu.memory_space<vmem>> -> memref<125xi32, #tpu.memory_space<vmem>>
        %dma_wait3A_310 = arith.constant 0 : i32
        %dma_wait3A_311 = arith.constant 0 : i32
        %dma_wait3A_312 = tpu.memref_slice %arg11[%dma_wait3A_310, %dma_wait3A_311] : memref<10240x16xf32, #tpu.memory_space<vmem_shared>> -> memref<10240x16xf32, #tpu.memory_space<vmem_shared>>
        tpu.wait_indirect_dma semaphore(%run_scoped3A_292 : memref<!tpu.dma_semaphore, #tpu.memory_space<semaphore_mem>>) src(%dma_wait3A_306 : memref<125x16xf32, #tpu.memory_space<vmem>>) dst(%dma_wait3A_312 : memref<10240x16xf32, #tpu.memory_space<vmem_shared>>)
        tpu.yield
      }) : () -> ()
      %dma_wait3A_207 = arith.constant 3 : i32
      %dma_wait3A_208 = arith.constant 3 : i32
      %dma_wait3A_209 = arith.constant 0 : i32
      %dma_wait3A_210 = arith.constant 0 : i32
      %dma_wait3A_211 = tpu.memref_slice %arg9[%dma_wait3A_207, %dma_wait3A_209, %dma_wait3A_210] : memref<8x125x16xf32, #tpu.memory_space<vmem>> -> memref<1x125x16xf32, #tpu.memory_space<vmem>>
      %dma_wait3A_212 = tpu.memref_squeeze %dma_wait3A_211 : memref<1x125x16xf32, #tpu.memory_space<vmem>> -> memref<125x16xf32, #tpu.memory_space<vmem>>
      %dma_wait3A_213 = arith.constant 0 : i32
      %dma_wait3A_214 = tpu.memref_slice %arg7[%add3A_79, %dma_wait3A_213] : memref<80x125xi32, #tpu.memory_space<vmem>> -> memref<1x125xi32, #tpu.memory_space<vmem>>
      %dma_wait3A_215 = tpu.memref_squeeze %dma_wait3A_214 : memref<1x125xi32, #tpu.memory_space<vmem>> -> memref<125xi32, #tpu.memory_space<vmem>>
      %dma_wait3A_216 = arith.constant 0 : i32
      %dma_wait3A_217 = arith.constant 0 : i32
      %dma_wait3A_218 = tpu.memref_slice %arg12[%dma_wait3A_216, %dma_wait3A_217] : memref<10240x16xf32, #tpu.memory_space<vmem_shared>> -> memref<10240x16xf32, #tpu.memory_space<vmem_shared>>
      %dma_wait3A_219 = tpu.memref_slice %arg13[%dma_wait3A_208] : memref<8x!tpu.dma_semaphore, #tpu.memory_space<semaphore_mem>> -> memref<1x!tpu.dma_semaphore, #tpu.memory_space<semaphore_mem>>
      %dma_wait3A_220 = tpu.memref_squeeze %dma_wait3A_219 : memref<1x!tpu.dma_semaphore, #tpu.memory_space<semaphore_mem>> -> memref<!tpu.dma_semaphore, #tpu.memory_space<semaphore_mem>>
      tpu.wait_indirect_dma semaphore(%dma_wait3A_220 : memref<!tpu.dma_semaphore, #tpu.memory_space<semaphore_mem>>) src(%dma_wait3A_218 : memref<10240x16xf32, #tpu.memory_space<vmem_shared>>) dst(%dma_wait3A_212 : memref<125x16xf32, #tpu.memory_space<vmem>>)
      %add3A_221 = arith.constant 3 : i32
      %add3A_222 = arith.addi %mul3A_30, %add3A_221 : i32
      %run_scoped3A_223 = arith.constant 3 : i32
      "tpu.region"() ({
        %run_scoped3A_292 = tpu.sem_alloc : memref<!tpu.dma_semaphore, #tpu.memory_space<semaphore_mem>>
        %dma_start3A_293 = arith.constant 0 : i32
        %dma_start3A_294 = arith.constant 0 : i32
        %dma_start3A_295 = tpu.memref_slice %arg9[%run_scoped3A_223, %dma_start3A_293, %dma_start3A_294] : memref<8x125x16xf32, #tpu.memory_space<vmem>> -> memref<1x125x16xf32, #tpu.memory_space<vmem>>
        %dma_start3A_296 = tpu.memref_squeeze %dma_start3A_295 : memref<1x125x16xf32, #tpu.memory_space<vmem>> -> memref<125x16xf32, #tpu.memory_space<vmem>>
        %dma_start3A_297 = arith.constant 0 : i32
        %dma_start3A_298 = tpu.memref_slice %arg8[%add3A_222, %dma_start3A_297] : memref<80x125xi32, #tpu.memory_space<vmem>> -> memref<1x125xi32, #tpu.memory_space<vmem>>
        %dma_start3A_299 = tpu.memref_squeeze %dma_start3A_298 : memref<1x125xi32, #tpu.memory_space<vmem>> -> memref<125xi32, #tpu.memory_space<vmem>>
        %dma_start3A_300 = arith.constant 0 : i32
        %dma_start3A_301 = arith.constant 0 : i32
        %dma_start3A_302 = tpu.memref_slice %arg11[%dma_start3A_300, %dma_start3A_301] : memref<10240x16xf32, #tpu.memory_space<vmem_shared>> -> memref<10240x16xf32, #tpu.memory_space<vmem_shared>>
        tpu.enqueue_indirect_dma source(%dma_start3A_296 : memref<125x16xf32, #tpu.memory_space<vmem>>) target(%dma_start3A_302 : memref<10240x16xf32, #tpu.memory_space<vmem_shared>>) offsets(%dma_start3A_299 : memref<125xi32, #tpu.memory_space<vmem>>) semaphore(%run_scoped3A_292 : memref<!tpu.dma_semaphore, #tpu.memory_space<semaphore_mem>>) {add = true}
        %dma_wait3A_303 = arith.constant 0 : i32
        %dma_wait3A_304 = arith.constant 0 : i32
        %dma_wait3A_305 = tpu.memref_slice %arg9[%run_scoped3A_223, %dma_wait3A_303, %dma_wait3A_304] : memref<8x125x16xf32, #tpu.memory_space<vmem>> -> memref<1x125x16xf32, #tpu.memory_space<vmem>>
        %dma_wait3A_306 = tpu.memref_squeeze %dma_wait3A_305 : memref<1x125x16xf32, #tpu.memory_space<vmem>> -> memref<125x16xf32, #tpu.memory_space<vmem>>
        %dma_wait3A_307 = arith.constant 0 : i32
        %dma_wait3A_308 = tpu.memref_slice %arg8[%add3A_222, %dma_wait3A_307] : memref<80x125xi32, #tpu.memory_space<vmem>> -> memref<1x125xi32, #tpu.memory_space<vmem>>
        %dma_wait3A_309 = tpu.memref_squeeze %dma_wait3A_308 : memref<1x125xi32, #tpu.memory_space<vmem>> -> memref<125xi32, #tpu.memory_space<vmem>>
        %dma_wait3A_310 = arith.constant 0 : i32
        %dma_wait3A_311 = arith.constant 0 : i32
        %dma_wait3A_312 = tpu.memref_slice %arg11[%dma_wait3A_310, %dma_wait3A_311] : memref<10240x16xf32, #tpu.memory_space<vmem_shared>> -> memref<10240x16xf32, #tpu.memory_space<vmem_shared>>
        tpu.wait_indirect_dma semaphore(%run_scoped3A_292 : memref<!tpu.dma_semaphore, #tpu.memory_space<semaphore_mem>>) src(%dma_wait3A_306 : memref<125x16xf32, #tpu.memory_space<vmem>>) dst(%dma_wait3A_312 : memref<10240x16xf32, #tpu.memory_space<vmem_shared>>)
        tpu.yield
      }) : () -> ()
      %dma_wait3A_224 = arith.constant 4 : i32
      %dma_wait3A_225 = arith.constant 4 : i32
      %dma_wait3A_226 = arith.constant 0 : i32
      %dma_wait3A_227 = arith.constant 0 : i32
      %dma_wait3A_228 = tpu.memref_slice %arg9[%dma_wait3A_224, %dma_wait3A_226, %dma_wait3A_227] : memref<8x125x16xf32, #tpu.memory_space<vmem>> -> memref<1x125x16xf32, #tpu.memory_space<vmem>>
      %dma_wait3A_229 = tpu.memref_squeeze %dma_wait3A_228 : memref<1x125x16xf32, #tpu.memory_space<vmem>> -> memref<125x16xf32, #tpu.memory_space<vmem>>
      %dma_wait3A_230 = arith.constant 0 : i32
      %dma_wait3A_231 = tpu.memref_slice %arg7[%add3A_95, %dma_wait3A_230] : memref<80x125xi32, #tpu.memory_space<vmem>> -> memref<1x125xi32, #tpu.memory_space<vmem>>
      %dma_wait3A_232 = tpu.memref_squeeze %dma_wait3A_231 : memref<1x125xi32, #tpu.memory_space<vmem>> -> memref<125xi32, #tpu.memory_space<vmem>>
      %dma_wait3A_233 = arith.constant 0 : i32
      %dma_wait3A_234 = arith.constant 0 : i32
      %dma_wait3A_235 = tpu.memref_slice %arg12[%dma_wait3A_233, %dma_wait3A_234] : memref<10240x16xf32, #tpu.memory_space<vmem_shared>> -> memref<10240x16xf32, #tpu.memory_space<vmem_shared>>
      %dma_wait3A_236 = tpu.memref_slice %arg13[%dma_wait3A_225] : memref<8x!tpu.dma_semaphore, #tpu.memory_space<semaphore_mem>> -> memref<1x!tpu.dma_semaphore, #tpu.memory_space<semaphore_mem>>
      %dma_wait3A_237 = tpu.memref_squeeze %dma_wait3A_236 : memref<1x!tpu.dma_semaphore, #tpu.memory_space<semaphore_mem>> -> memref<!tpu.dma_semaphore, #tpu.memory_space<semaphore_mem>>
      tpu.wait_indirect_dma semaphore(%dma_wait3A_237 : memref<!tpu.dma_semaphore, #tpu.memory_space<semaphore_mem>>) src(%dma_wait3A_235 : memref<10240x16xf32, #tpu.memory_space<vmem_shared>>) dst(%dma_wait3A_229 : memref<125x16xf32, #tpu.memory_space<vmem>>)
      %add3A_238 = arith.constant 4 : i32
      %add3A_239 = arith.addi %mul3A_30, %add3A_238 : i32
      %run_scoped3A_240 = arith.constant 4 : i32
      "tpu.region"() ({
        %run_scoped3A_292 = tpu.sem_alloc : memref<!tpu.dma_semaphore, #tpu.memory_space<semaphore_mem>>
        %dma_start3A_293 = arith.constant 0 : i32
        %dma_start3A_294 = arith.constant 0 : i32
        %dma_start3A_295 = tpu.memref_slice %arg9[%run_scoped3A_240, %dma_start3A_293, %dma_start3A_294] : memref<8x125x16xf32, #tpu.memory_space<vmem>> -> memref<1x125x16xf32, #tpu.memory_space<vmem>>
        %dma_start3A_296 = tpu.memref_squeeze %dma_start3A_295 : memref<1x125x16xf32, #tpu.memory_space<vmem>> -> memref<125x16xf32, #tpu.memory_space<vmem>>
        %dma_start3A_297 = arith.constant 0 : i32
        %dma_start3A_298 = tpu.memref_slice %arg8[%add3A_239, %dma_start3A_297] : memref<80x125xi32, #tpu.memory_space<vmem>> -> memref<1x125xi32, #tpu.memory_space<vmem>>
        %dma_start3A_299 = tpu.memref_squeeze %dma_start3A_298 : memref<1x125xi32, #tpu.memory_space<vmem>> -> memref<125xi32, #tpu.memory_space<vmem>>
        %dma_start3A_300 = arith.constant 0 : i32
        %dma_start3A_301 = arith.constant 0 : i32
        %dma_start3A_302 = tpu.memref_slice %arg11[%dma_start3A_300, %dma_start3A_301] : memref<10240x16xf32, #tpu.memory_space<vmem_shared>> -> memref<10240x16xf32, #tpu.memory_space<vmem_shared>>
        tpu.enqueue_indirect_dma source(%dma_start3A_296 : memref<125x16xf32, #tpu.memory_space<vmem>>) target(%dma_start3A_302 : memref<10240x16xf32, #tpu.memory_space<vmem_shared>>) offsets(%dma_start3A_299 : memref<125xi32, #tpu.memory_space<vmem>>) semaphore(%run_scoped3A_292 : memref<!tpu.dma_semaphore, #tpu.memory_space<semaphore_mem>>) {add = true}
        %dma_wait3A_303 = arith.constant 0 : i32
        %dma_wait3A_304 = arith.constant 0 : i32
        %dma_wait3A_305 = tpu.memref_slice %arg9[%run_scoped3A_240, %dma_wait3A_303, %dma_wait3A_304] : memref<8x125x16xf32, #tpu.memory_space<vmem>> -> memref<1x125x16xf32, #tpu.memory_space<vmem>>
        %dma_wait3A_306 = tpu.memref_squeeze %dma_wait3A_305 : memref<1x125x16xf32, #tpu.memory_space<vmem>> -> memref<125x16xf32, #tpu.memory_space<vmem>>
        %dma_wait3A_307 = arith.constant 0 : i32
        %dma_wait3A_308 = tpu.memref_slice %arg8[%add3A_239, %dma_wait3A_307] : memref<80x125xi32, #tpu.memory_space<vmem>> -> memref<1x125xi32, #tpu.memory_space<vmem>>
        %dma_wait3A_309 = tpu.memref_squeeze %dma_wait3A_308 : memref<1x125xi32, #tpu.memory_space<vmem>> -> memref<125xi32, #tpu.memory_space<vmem>>
        %dma_wait3A_310 = arith.constant 0 : i32
        %dma_wait3A_311 = arith.constant 0 : i32
        %dma_wait3A_312 = tpu.memref_slice %arg11[%dma_wait3A_310, %dma_wait3A_311] : memref<10240x16xf32, #tpu.memory_space<vmem_shared>> -> memref<10240x16xf32, #tpu.memory_space<vmem_shared>>
        tpu.wait_indirect_dma semaphore(%run_scoped3A_292 : memref<!tpu.dma_semaphore, #tpu.memory_space<semaphore_mem>>) src(%dma_wait3A_306 : memref<125x16xf32, #tpu.memory_space<vmem>>) dst(%dma_wait3A_312 : memref<10240x16xf32, #tpu.memory_space<vmem_shared>>)
        tpu.yield
      }) : () -> ()
      %dma_wait3A_241 = arith.constant 5 : i32
      %dma_wait3A_242 = arith.constant 5 : i32
      %dma_wait3A_243 = arith.constant 0 : i32
      %dma_wait3A_244 = arith.constant 0 : i32
      %dma_wait3A_245 = tpu.memref_slice %arg9[%dma_wait3A_241, %dma_wait3A_243, %dma_wait3A_244] : memref<8x125x16xf32, #tpu.memory_space<vmem>> -> memref<1x125x16xf32, #tpu.memory_space<vmem>>
      %dma_wait3A_246 = tpu.memref_squeeze %dma_wait3A_245 : memref<1x125x16xf32, #tpu.memory_space<vmem>> -> memref<125x16xf32, #tpu.memory_space<vmem>>
      %dma_wait3A_247 = arith.constant 0 : i32
      %dma_wait3A_248 = tpu.memref_slice %arg7[%add3A_111, %dma_wait3A_247] : memref<80x125xi32, #tpu.memory_space<vmem>> -> memref<1x125xi32, #tpu.memory_space<vmem>>
      %dma_wait3A_249 = tpu.memref_squeeze %dma_wait3A_248 : memref<1x125xi32, #tpu.memory_space<vmem>> -> memref<125xi32, #tpu.memory_space<vmem>>
      %dma_wait3A_250 = arith.constant 0 : i32
      %dma_wait3A_251 = arith.constant 0 : i32
      %dma_wait3A_252 = tpu.memref_slice %arg12[%dma_wait3A_250, %dma_wait3A_251] : memref<10240x16xf32, #tpu.memory_space<vmem_shared>> -> memref<10240x16xf32, #tpu.memory_space<vmem_shared>>
      %dma_wait3A_253 = tpu.memref_slice %arg13[%dma_wait3A_242] : memref<8x!tpu.dma_semaphore, #tpu.memory_space<semaphore_mem>> -> memref<1x!tpu.dma_semaphore, #tpu.memory_space<semaphore_mem>>
      %dma_wait3A_254 = tpu.memref_squeeze %dma_wait3A_253 : memref<1x!tpu.dma_semaphore, #tpu.memory_space<semaphore_mem>> -> memref<!tpu.dma_semaphore, #tpu.memory_space<semaphore_mem>>
      tpu.wait_indirect_dma semaphore(%dma_wait3A_254 : memref<!tpu.dma_semaphore, #tpu.memory_space<semaphore_mem>>) src(%dma_wait3A_252 : memref<10240x16xf32, #tpu.memory_space<vmem_shared>>) dst(%dma_wait3A_246 : memref<125x16xf32, #tpu.memory_space<vmem>>)
      %add3A_255 = arith.constant 5 : i32
      %add3A_256 = arith.addi %mul3A_30, %add3A_255 : i32
      %run_scoped3A_257 = arith.constant 5 : i32
      "tpu.region"() ({
        %run_scoped3A_292 = tpu.sem_alloc : memref<!tpu.dma_semaphore, #tpu.memory_space<semaphore_mem>>
        %dma_start3A_293 = arith.constant 0 : i32
        %dma_start3A_294 = arith.constant 0 : i32
        %dma_start3A_295 = tpu.memref_slice %arg9[%run_scoped3A_257, %dma_start3A_293, %dma_start3A_294] : memref<8x125x16xf32, #tpu.memory_space<vmem>> -> memref<1x125x16xf32, #tpu.memory_space<vmem>>
        %dma_start3A_296 = tpu.memref_squeeze %dma_start3A_295 : memref<1x125x16xf32, #tpu.memory_space<vmem>> -> memref<125x16xf32, #tpu.memory_space<vmem>>
        %dma_start3A_297 = arith.constant 0 : i32
        %dma_start3A_298 = tpu.memref_slice %arg8[%add3A_256, %dma_start3A_297] : memref<80x125xi32, #tpu.memory_space<vmem>> -> memref<1x125xi32, #tpu.memory_space<vmem>>
        %dma_start3A_299 = tpu.memref_squeeze %dma_start3A_298 : memref<1x125xi32, #tpu.memory_space<vmem>> -> memref<125xi32, #tpu.memory_space<vmem>>
        %dma_start3A_300 = arith.constant 0 : i32
        %dma_start3A_301 = arith.constant 0 : i32
        %dma_start3A_302 = tpu.memref_slice %arg11[%dma_start3A_300, %dma_start3A_301] : memref<10240x16xf32, #tpu.memory_space<vmem_shared>> -> memref<10240x16xf32, #tpu.memory_space<vmem_shared>>
        tpu.enqueue_indirect_dma source(%dma_start3A_296 : memref<125x16xf32, #tpu.memory_space<vmem>>) target(%dma_start3A_302 : memref<10240x16xf32, #tpu.memory_space<vmem_shared>>) offsets(%dma_start3A_299 : memref<125xi32, #tpu.memory_space<vmem>>) semaphore(%run_scoped3A_292 : memref<!tpu.dma_semaphore, #tpu.memory_space<semaphore_mem>>) {add = true}
        %dma_wait3A_303 = arith.constant 0 : i32
        %dma_wait3A_304 = arith.constant 0 : i32
        %dma_wait3A_305 = tpu.memref_slice %arg9[%run_scoped3A_257, %dma_wait3A_303, %dma_wait3A_304] : memref<8x125x16xf32, #tpu.memory_space<vmem>> -> memref<1x125x16xf32, #tpu.memory_space<vmem>>
        %dma_wait3A_306 = tpu.memref_squeeze %dma_wait3A_305 : memref<1x125x16xf32, #tpu.memory_space<vmem>> -> memref<125x16xf32, #tpu.memory_space<vmem>>
        %dma_wait3A_307 = arith.constant 0 : i32
        %dma_wait3A_308 = tpu.memref_slice %arg8[%add3A_256, %dma_wait3A_307] : memref<80x125xi32, #tpu.memory_space<vmem>> -> memref<1x125xi32, #tpu.memory_space<vmem>>
        %dma_wait3A_309 = tpu.memref_squeeze %dma_wait3A_308 : memref<1x125xi32, #tpu.memory_space<vmem>> -> memref<125xi32, #tpu.memory_space<vmem>>
        %dma_wait3A_310 = arith.constant 0 : i32
        %dma_wait3A_311 = arith.constant 0 : i32
        %dma_wait3A_312 = tpu.memref_slice %arg11[%dma_wait3A_310, %dma_wait3A_311] : memref<10240x16xf32, #tpu.memory_space<vmem_shared>> -> memref<10240x16xf32, #tpu.memory_space<vmem_shared>>
        tpu.wait_indirect_dma semaphore(%run_scoped3A_292 : memref<!tpu.dma_semaphore, #tpu.memory_space<semaphore_mem>>) src(%dma_wait3A_306 : memref<125x16xf32, #tpu.memory_space<vmem>>) dst(%dma_wait3A_312 : memref<10240x16xf32, #tpu.memory_space<vmem_shared>>)
        tpu.yield
      }) : () -> ()
      %dma_wait3A_258 = arith.constant 6 : i32
      %dma_wait3A_259 = arith.constant 6 : i32
      %dma_wait3A_260 = arith.constant 0 : i32
      %dma_wait3A_261 = arith.constant 0 : i32
      %dma_wait3A_262 = tpu.memref_slice %arg9[%dma_wait3A_258, %dma_wait3A_260, %dma_wait3A_261] : memref<8x125x16xf32, #tpu.memory_space<vmem>> -> memref<1x125x16xf32, #tpu.memory_space<vmem>>
      %dma_wait3A_263 = tpu.memref_squeeze %dma_wait3A_262 : memref<1x125x16xf32, #tpu.memory_space<vmem>> -> memref<125x16xf32, #tpu.memory_space<vmem>>
      %dma_wait3A_264 = arith.constant 0 : i32
      %dma_wait3A_265 = tpu.memref_slice %arg7[%add3A_127, %dma_wait3A_264] : memref<80x125xi32, #tpu.memory_space<vmem>> -> memref<1x125xi32, #tpu.memory_space<vmem>>
      %dma_wait3A_266 = tpu.memref_squeeze %dma_wait3A_265 : memref<1x125xi32, #tpu.memory_space<vmem>> -> memref<125xi32, #tpu.memory_space<vmem>>
      %dma_wait3A_267 = arith.constant 0 : i32
      %dma_wait3A_268 = arith.constant 0 : i32
      %dma_wait3A_269 = tpu.memref_slice %arg12[%dma_wait3A_267, %dma_wait3A_268] : memref<10240x16xf32, #tpu.memory_space<vmem_shared>> -> memref<10240x16xf32, #tpu.memory_space<vmem_shared>>
      %dma_wait3A_270 = tpu.memref_slice %arg13[%dma_wait3A_259] : memref<8x!tpu.dma_semaphore, #tpu.memory_space<semaphore_mem>> -> memref<1x!tpu.dma_semaphore, #tpu.memory_space<semaphore_mem>>
      %dma_wait3A_271 = tpu.memref_squeeze %dma_wait3A_270 : memref<1x!tpu.dma_semaphore, #tpu.memory_space<semaphore_mem>> -> memref<!tpu.dma_semaphore, #tpu.memory_space<semaphore_mem>>
      tpu.wait_indirect_dma semaphore(%dma_wait3A_271 : memref<!tpu.dma_semaphore, #tpu.memory_space<semaphore_mem>>) src(%dma_wait3A_269 : memref<10240x16xf32, #tpu.memory_space<vmem_shared>>) dst(%dma_wait3A_263 : memref<125x16xf32, #tpu.memory_space<vmem>>)
      %add3A_272 = arith.constant 6 : i32
      %add3A_273 = arith.addi %mul3A_30, %add3A_272 : i32
      %run_scoped3A_274 = arith.constant 6 : i32
      "tpu.region"() ({
        %run_scoped3A_292 = tpu.sem_alloc : memref<!tpu.dma_semaphore, #tpu.memory_space<semaphore_mem>>
        %dma_start3A_293 = arith.constant 0 : i32
        %dma_start3A_294 = arith.constant 0 : i32
        %dma_start3A_295 = tpu.memref_slice %arg9[%run_scoped3A_274, %dma_start3A_293, %dma_start3A_294] : memref<8x125x16xf32, #tpu.memory_space<vmem>> -> memref<1x125x16xf32, #tpu.memory_space<vmem>>
        %dma_start3A_296 = tpu.memref_squeeze %dma_start3A_295 : memref<1x125x16xf32, #tpu.memory_space<vmem>> -> memref<125x16xf32, #tpu.memory_space<vmem>>
        %dma_start3A_297 = arith.constant 0 : i32
        %dma_start3A_298 = tpu.memref_slice %arg8[%add3A_273, %dma_start3A_297] : memref<80x125xi32, #tpu.memory_space<vmem>> -> memref<1x125xi32, #tpu.memory_space<vmem>>
        %dma_start3A_299 = tpu.memref_squeeze %dma_start3A_298 : memref<1x125xi32, #tpu.memory_space<vmem>> -> memref<125xi32, #tpu.memory_space<vmem>>
        %dma_start3A_300 = arith.constant 0 : i32
        %dma_start3A_301 = arith.constant 0 : i32
        %dma_start3A_302 = tpu.memref_slice %arg11[%dma_start3A_300, %dma_start3A_301] : memref<10240x16xf32, #tpu.memory_space<vmem_shared>> -> memref<10240x16xf32, #tpu.memory_space<vmem_shared>>
        tpu.enqueue_indirect_dma source(%dma_start3A_296 : memref<125x16xf32, #tpu.memory_space<vmem>>) target(%dma_start3A_302 : memref<10240x16xf32, #tpu.memory_space<vmem_shared>>) offsets(%dma_start3A_299 : memref<125xi32, #tpu.memory_space<vmem>>) semaphore(%run_scoped3A_292 : memref<!tpu.dma_semaphore, #tpu.memory_space<semaphore_mem>>) {add = true}
        %dma_wait3A_303 = arith.constant 0 : i32
        %dma_wait3A_304 = arith.constant 0 : i32
        %dma_wait3A_305 = tpu.memref_slice %arg9[%run_scoped3A_274, %dma_wait3A_303, %dma_wait3A_304] : memref<8x125x16xf32, #tpu.memory_space<vmem>> -> memref<1x125x16xf32, #tpu.memory_space<vmem>>
        %dma_wait3A_306 = tpu.memref_squeeze %dma_wait3A_305 : memref<1x125x16xf32, #tpu.memory_space<vmem>> -> memref<125x16xf32, #tpu.memory_space<vmem>>
        %dma_wait3A_307 = arith.constant 0 : i32
        %dma_wait3A_308 = tpu.memref_slice %arg8[%add3A_273, %dma_wait3A_307] : memref<80x125xi32, #tpu.memory_space<vmem>> -> memref<1x125xi32, #tpu.memory_space<vmem>>
        %dma_wait3A_309 = tpu.memref_squeeze %dma_wait3A_308 : memref<1x125xi32, #tpu.memory_space<vmem>> -> memref<125xi32, #tpu.memory_space<vmem>>
        %dma_wait3A_310 = arith.constant 0 : i32
        %dma_wait3A_311 = arith.constant 0 : i32
        %dma_wait3A_312 = tpu.memref_slice %arg11[%dma_wait3A_310, %dma_wait3A_311] : memref<10240x16xf32, #tpu.memory_space<vmem_shared>> -> memref<10240x16xf32, #tpu.memory_space<vmem_shared>>
        tpu.wait_indirect_dma semaphore(%run_scoped3A_292 : memref<!tpu.dma_semaphore, #tpu.memory_space<semaphore_mem>>) src(%dma_wait3A_306 : memref<125x16xf32, #tpu.memory_space<vmem>>) dst(%dma_wait3A_312 : memref<10240x16xf32, #tpu.memory_space<vmem_shared>>)
        tpu.yield
      }) : () -> ()
      %dma_wait3A_275 = arith.constant 7 : i32
      %dma_wait3A_276 = arith.constant 7 : i32
      %dma_wait3A_277 = arith.constant 0 : i32
      %dma_wait3A_278 = arith.constant 0 : i32
      %dma_wait3A_279 = tpu.memref_slice %arg9[%dma_wait3A_275, %dma_wait3A_277, %dma_wait3A_278] : memref<8x125x16xf32, #tpu.memory_space<vmem>> -> memref<1x125x16xf32, #tpu.memory_space<vmem>>
      %dma_wait3A_280 = tpu.memref_squeeze %dma_wait3A_279 : memref<1x125x16xf32, #tpu.memory_space<vmem>> -> memref<125x16xf32, #tpu.memory_space<vmem>>
      %dma_wait3A_281 = arith.constant 0 : i32
      %dma_wait3A_282 = tpu.memref_slice %arg7[%add3A_143, %dma_wait3A_281] : memref<80x125xi32, #tpu.memory_space<vmem>> -> memref<1x125xi32, #tpu.memory_space<vmem>>
      %dma_wait3A_283 = tpu.memref_squeeze %dma_wait3A_282 : memref<1x125xi32, #tpu.memory_space<vmem>> -> memref<125xi32, #tpu.memory_space<vmem>>
      %dma_wait3A_284 = arith.constant 0 : i32
      %dma_wait3A_285 = arith.constant 0 : i32
      %dma_wait3A_286 = tpu.memref_slice %arg12[%dma_wait3A_284, %dma_wait3A_285] : memref<10240x16xf32, #tpu.memory_space<vmem_shared>> -> memref<10240x16xf32, #tpu.memory_space<vmem_shared>>
      %dma_wait3A_287 = tpu.memref_slice %arg13[%dma_wait3A_276] : memref<8x!tpu.dma_semaphore, #tpu.memory_space<semaphore_mem>> -> memref<1x!tpu.dma_semaphore, #tpu.memory_space<semaphore_mem>>
      %dma_wait3A_288 = tpu.memref_squeeze %dma_wait3A_287 : memref<1x!tpu.dma_semaphore, #tpu.memory_space<semaphore_mem>> -> memref<!tpu.dma_semaphore, #tpu.memory_space<semaphore_mem>>
      tpu.wait_indirect_dma semaphore(%dma_wait3A_288 : memref<!tpu.dma_semaphore, #tpu.memory_space<semaphore_mem>>) src(%dma_wait3A_286 : memref<10240x16xf32, #tpu.memory_space<vmem_shared>>) dst(%dma_wait3A_280 : memref<125x16xf32, #tpu.memory_space<vmem>>)
      %add3A_289 = arith.constant 7 : i32
      %add3A_290 = arith.addi %mul3A_30, %add3A_289 : i32
      %run_scoped3A_291 = arith.constant 7 : i32
      "tpu.region"() ({
        %run_scoped3A_292 = tpu.sem_alloc : memref<!tpu.dma_semaphore, #tpu.memory_space<semaphore_mem>>
        %dma_start3A_293 = arith.constant 0 : i32
        %dma_start3A_294 = arith.constant 0 : i32
        %dma_start3A_295 = tpu.memref_slice %arg9[%run_scoped3A_291, %dma_start3A_293, %dma_start3A_294] : memref<8x125x16xf32, #tpu.memory_space<vmem>> -> memref<1x125x16xf32, #tpu.memory_space<vmem>>
        %dma_start3A_296 = tpu.memref_squeeze %dma_start3A_295 : memref<1x125x16xf32, #tpu.memory_space<vmem>> -> memref<125x16xf32, #tpu.memory_space<vmem>>
        %dma_start3A_297 = arith.constant 0 : i32
        %dma_start3A_298 = tpu.memref_slice %arg8[%add3A_290, %dma_start3A_297] : memref<80x125xi32, #tpu.memory_space<vmem>> -> memref<1x125xi32, #tpu.memory_space<vmem>>
        %dma_start3A_299 = tpu.memref_squeeze %dma_start3A_298 : memref<1x125xi32, #tpu.memory_space<vmem>> -> memref<125xi32, #tpu.memory_space<vmem>>
        %dma_start3A_300 = arith.constant 0 : i32
        %dma_start3A_301 = arith.constant 0 : i32
        %dma_start3A_302 = tpu.memref_slice %arg11[%dma_start3A_300, %dma_start3A_301] : memref<10240x16xf32, #tpu.memory_space<vmem_shared>> -> memref<10240x16xf32, #tpu.memory_space<vmem_shared>>
        tpu.enqueue_indirect_dma source(%dma_start3A_296 : memref<125x16xf32, #tpu.memory_space<vmem>>) target(%dma_start3A_302 : memref<10240x16xf32, #tpu.memory_space<vmem_shared>>) offsets(%dma_start3A_299 : memref<125xi32, #tpu.memory_space<vmem>>) semaphore(%run_scoped3A_292 : memref<!tpu.dma_semaphore, #tpu.memory_space<semaphore_mem>>) {add = true}
        %dma_wait3A_303 = arith.constant 0 : i32
        %dma_wait3A_304 = arith.constant 0 : i32
        %dma_wait3A_305 = tpu.memref_slice %arg9[%run_scoped3A_291, %dma_wait3A_303, %dma_wait3A_304] : memref<8x125x16xf32, #tpu.memory_space<vmem>> -> memref<1x125x16xf32, #tpu.memory_space<vmem>>
        %dma_wait3A_306 = tpu.memref_squeeze %dma_wait3A_305 : memref<1x125x16xf32, #tpu.memory_space<vmem>> -> memref<125x16xf32, #tpu.memory_space<vmem>>
        %dma_wait3A_307 = arith.constant 0 : i32
        %dma_wait3A_308 = tpu.memref_slice %arg8[%add3A_290, %dma_wait3A_307] : memref<80x125xi32, #tpu.memory_space<vmem>> -> memref<1x125xi32, #tpu.memory_space<vmem>>
        %dma_wait3A_309 = tpu.memref_squeeze %dma_wait3A_308 : memref<1x125xi32, #tpu.memory_space<vmem>> -> memref<125xi32, #tpu.memory_space<vmem>>
        %dma_wait3A_310 = arith.constant 0 : i32
        %dma_wait3A_311 = arith.constant 0 : i32
        %dma_wait3A_312 = tpu.memref_slice %arg11[%dma_wait3A_310, %dma_wait3A_311] : memref<10240x16xf32, #tpu.memory_space<vmem_shared>> -> memref<10240x16xf32, #tpu.memory_space<vmem_shared>>
        tpu.wait_indirect_dma semaphore(%run_scoped3A_292 : memref<!tpu.dma_semaphore, #tpu.memory_space<semaphore_mem>>) src(%dma_wait3A_306 : memref<125x16xf32, #tpu.memory_space<vmem>>) dst(%dma_wait3A_312 : memref<10240x16xf32, #tpu.memory_space<vmem_shared>>)
        tpu.yield
      }) : () -> ()
    }
    %scan3A_17 = arith.constant 10 : i32
    %barrier3A_18 = arith.constant 0 : index
    tpu.barrier barrier_id(%barrier3A_18)
    %mul3A_19 = arith.constant 640 : i32
    %mul3A_20 = arith.muli %arg1, %mul3A_19 : i32
    "tpu.region"() ({
      %run_scoped3A = tpu.sem_alloc : memref<!tpu.dma_semaphore, #tpu.memory_space<semaphore_mem>>
      %dma_start3A = arith.constant 0 : i32
      %dma_start3A_28 = tpu.memref_slice %arg11[%mul3A_20, %dma_start3A] : memref<10240x16xf32, #tpu.memory_space<vmem_shared>> -> memref<640x16xf32, #tpu.memory_space<vmem_shared>>
      %dma_start3A_29 = arith.constant 0 : i32
      %dma_start3A_30 = tpu.memref_slice %arg11[%mul3A_20, %dma_start3A_29] : memref<10240x16xf32, #tpu.memory_space<vmem_shared>> -> memref<640x16xf32, #tpu.memory_space<vmem_shared>>
      tpu.enqueue_dma source(%dma_start3A_30 : memref<640x16xf32, #tpu.memory_space<vmem_shared>>) target(%arg10 : memref<640x16xf32, #tpu.memory_space<vmem>>) target_semaphore(%run_scoped3A : memref<!tpu.dma_semaphore, #tpu.memory_space<semaphore_mem>>)
      %dma_wait3A = arith.constant 0 : i32
      %dma_wait3A_31 = tpu.memref_slice %arg11[%mul3A_20, %dma_wait3A] : memref<10240x16xf32, #tpu.memory_space<vmem_shared>> -> memref<640x16xf32, #tpu.memory_space<vmem_shared>>
      %dma_wait3A_32 = arith.constant 0 : i32
      %dma_wait3A_33 = tpu.memref_slice %arg11[%mul3A_20, %dma_wait3A_32] : memref<10240x16xf32, #tpu.memory_space<vmem_shared>> -> memref<640x16xf32, #tpu.memory_space<vmem_shared>>
      tpu.wait_dma2 semaphore(%run_scoped3A : memref<!tpu.dma_semaphore, #tpu.memory_space<semaphore_mem>>) src(%dma_wait3A_33 : memref<640x16xf32, #tpu.memory_space<vmem_shared>>) dst(%arg10 : memref<640x16xf32, #tpu.memory_space<vmem>>)
      tpu.yield
    }) : () -> ()
    %eq3A = arith.constant 0 : i32
    %eq3A_21 = arith.cmpi eq, %arg0, %eq3A : i32
    %convert_element_type3A = arith.extui %eq3A_21 : i1 to i32
    %cond3A = arith.constant 0 : i32
    %cond3A_22 = arith.cmpi ne, %convert_element_type3A, %cond3A : i32
    scf.if %cond3A_22 {
      %mul3A_28 = arith.constant 640 : i32
      %mul3A_29 = arith.muli %arg1, %mul3A_28 : i32
      "tpu.region"() ({
        %run_scoped3A = tpu.sem_alloc : memref<!tpu.dma_semaphore, #tpu.memory_space<semaphore_mem>>
        %dma_start3A = arith.constant 0 : i32
        %dma_start3A_30 = tpu.memref_slice %arg5[%mul3A_29, %dma_start3A] : memref<10240x16xf32, #tpu.memory_space<hbm>> -> memref<640x16xf32, #tpu.memory_space<hbm>>
        %dma_start3A_31 = arith.constant 0 : i32
        %dma_start3A_32 = tpu.memref_slice %arg5[%mul3A_29, %dma_start3A_31] : memref<10240x16xf32, #tpu.memory_space<hbm>> -> memref<640x16xf32, #tpu.memory_space<hbm>>
        tpu.enqueue_dma source(%arg10 : memref<640x16xf32, #tpu.memory_space<vmem>>) target(%dma_start3A_32 : memref<640x16xf32, #tpu.memory_space<hbm>>) target_semaphore(%run_scoped3A : memref<!tpu.dma_semaphore, #tpu.memory_space<semaphore_mem>>)
        %dma_wait3A = arith.constant 0 : i32
        %dma_wait3A_33 = tpu.memref_slice %arg5[%mul3A_29, %dma_wait3A] : memref<10240x16xf32, #tpu.memory_space<hbm>> -> memref<640x16xf32, #tpu.memory_space<hbm>>
        %dma_wait3A_34 = arith.constant 0 : i32
        %dma_wait3A_35 = tpu.memref_slice %arg5[%mul3A_29, %dma_wait3A_34] : memref<10240x16xf32, #tpu.memory_space<hbm>> -> memref<640x16xf32, #tpu.memory_space<hbm>>
        tpu.wait_dma2 semaphore(%run_scoped3A : memref<!tpu.dma_semaphore, #tpu.memory_space<semaphore_mem>>) src(%arg10 : memref<640x16xf32, #tpu.memory_space<vmem>>) dst(%dma_wait3A_35 : memref<640x16xf32, #tpu.memory_space<hbm>>)
        tpu.yield
      }) : () -> ()
    } else {
    }
    %eq3A_23 = arith.constant 1 : i32
    %eq3A_24 = arith.cmpi eq, %arg0, %eq3A_23 : i32
    %convert_element_type3A_25 = arith.extui %eq3A_24 : i1 to i32
    %cond3A_26 = arith.constant 0 : i32
    %cond3A_27 = arith.cmpi ne, %convert_element_type3A_25, %cond3A_26 : i32
    scf.if %cond3A_27 {
      %mul3A_28 = arith.constant 640 : i32
      %mul3A_29 = arith.muli %arg1, %mul3A_28 : i32
      "tpu.region"() ({
        %run_scoped3A = tpu.sem_alloc : memref<!tpu.dma_semaphore, #tpu.memory_space<semaphore_mem>>
        %dma_start3A = arith.constant 0 : i32
        %dma_start3A_30 = tpu.memref_slice %arg6[%mul3A_29, %dma_start3A] : memref<10240x16xf32, #tpu.memory_space<hbm>> -> memref<640x16xf32, #tpu.memory_space<hbm>>
        %dma_start3A_31 = arith.constant 0 : i32
        %dma_start3A_32 = tpu.memref_slice %arg6[%mul3A_29, %dma_start3A_31] : memref<10240x16xf32, #tpu.memory_space<hbm>> -> memref<640x16xf32, #tpu.memory_space<hbm>>
        tpu.enqueue_dma source(%arg10 : memref<640x16xf32, #tpu.memory_space<vmem>>) target(%dma_start3A_32 : memref<640x16xf32, #tpu.memory_space<hbm>>) target_semaphore(%run_scoped3A : memref<!tpu.dma_semaphore, #tpu.memory_space<semaphore_mem>>)
        %dma_wait3A = arith.constant 0 : i32
        %dma_wait3A_33 = tpu.memref_slice %arg6[%mul3A_29, %dma_wait3A] : memref<10240x16xf32, #tpu.memory_space<hbm>> -> memref<640x16xf32, #tpu.memory_space<hbm>>
        %dma_wait3A_34 = arith.constant 0 : i32
        %dma_wait3A_35 = tpu.memref_slice %arg6[%mul3A_29, %dma_wait3A_34] : memref<10240x16xf32, #tpu.memory_space<hbm>> -> memref<640x16xf32, #tpu.memory_space<hbm>>
        tpu.wait_dma2 semaphore(%run_scoped3A : memref<!tpu.dma_semaphore, #tpu.memory_space<semaphore_mem>>) src(%arg10 : memref<640x16xf32, #tpu.memory_space<vmem>>) dst(%dma_wait3A_35 : memref<640x16xf32, #tpu.memory_space<hbm>>)
        tpu.yield
      }) : () -> ()
    } else {
    }
    return
  }
}

module attributes {stable_mosaic.version = 14 : i64} {
  func.func @_tc1_body(%arg0: i32, %arg1: memref<160x128xf32, #tpu.memory_space<vmem>>, %arg2: memref<160x128xf32, #tpu.memory_space<vmem>>, %arg3: memref<160x128xf32, #tpu.memory_space<vmem>>) attributes {dimension_semantics = [#tpu.dimension_semantics<arbitrary>], iteration_bounds = array<i64: 8>, scalar_prefetch = 0 : i64, scratch_operands = 0 : i64, tpu.core_type = #tpu.core_type<tc>, window_params = [{transform_indices = @transform_0, window_bounds = array<i64: 160, 128>}, {transform_indices = @transform_1, window_bounds = array<i64: 160, 128>}, {transform_indices = @transform_2, window_bounds = array<i64: 160, 128>}]} {
    %get3A = arith.constant 0 : index
    %get3A_0 = arith.constant 0 : index
    %get3A_1 = vector.load %arg1[%get3A, %get3A_0] : memref<160x128xf32, #tpu.memory_space<vmem>>, vector<160x128xf32>
    %get3A_2 = arith.constant 0 : index
    %get3A_3 = arith.constant 0 : index
    %get3A_4 = vector.load %arg2[%get3A_2, %get3A_3] : memref<160x128xf32, #tpu.memory_space<vmem>>, vector<160x128xf32>
    %mul3A = arith.mulf %get3A_1, %get3A_4 : vector<160x128xf32>
    %swap3A = arith.constant 0 : index
    %swap3A_5 = arith.constant 0 : index
    %swap3A_6 = vector.load %arg3[%swap3A, %swap3A_5] : memref<160x128xf32, #tpu.memory_space<vmem>>, vector<160x128xf32>
    tpu.vector_store %arg3[%swap3A, %swap3A_5], %mul3A {strides = array<i32>} : memref<160x128xf32, #tpu.memory_space<vmem>>, vector<160x128xf32>,
    return
  }
  func.func @transform_0(%arg0: i32) -> (i32, i32) {
    %c0_i32 = arith.constant 0 : i32
    %c0_i32_0 = arith.constant 0 : i32
    return %arg0, %c0_i32 : i32, i32
  }
  func.func @transform_1(%arg0: i32) -> (i32, i32) {
    %c0_i32 = arith.constant 0 : i32
    %c0_i32_0 = arith.constant 0 : i32
    return %arg0, %c0_i32 : i32, i32
  }
  func.func @transform_2(%arg0: i32) -> (i32, i32) {
    %c0_i32 = arith.constant 0 : i32
    %c0_i32_0 = arith.constant 0 : i32
    return %arg0, %c0_i32 : i32, i32
  }
}

module attributes {stable_mosaic.version = 14 : i64} {
  func.func @_tc0_body(%arg0: i32, %arg1: memref<160x8x128xf32, #tpu.memory_space<vmem>>, %arg2: memref<8x128x128xf32, #tpu.memory_space<vmem>>, %arg3: memref<160x128xf32, #tpu.memory_space<vmem>>) attributes {dimension_semantics = [#tpu.dimension_semantics<arbitrary>], iteration_bounds = array<i64: 8>, scalar_prefetch = 0 : i64, scratch_operands = 0 : i64, tpu.core_type = #tpu.core_type<tc>, window_params = [{transform_indices = @transform_0, window_bounds = array<i64: 160, 8, 128>}, {pipeline_mode = #tpu.pipeline_mode<synchronous>, transform_indices = @transform_1, window_bounds = array<i64: 8, 128, 128>}, {transform_indices = @transform_2, window_bounds = array<i64: 160, 128>}]} {
    %broadcast_in_dim3A = arith.constant 0.000000e+00 : f32
    %broadcast_in_dim3A_0 = vector.broadcast %broadcast_in_dim3A : f32 to vector<160x128xf32>
    %get3A = arith.constant 0 : index
    %get3A_1 = arith.constant 0 : index
    %get3A_2 = arith.constant 0 : index
    %get3A_3 = vector.load %arg1[%get3A, %get3A_1, %get3A_2] : memref<160x8x128xf32, #tpu.memory_space<vmem>>, vector<160x1x128xf32>
    %get3A_4 = vector.shape_cast %get3A_3 : vector<160x1x128xf32> to vector<160x128xf32>
    %get3A_5 = arith.constant 0 : index
    %get3A_6 = arith.constant 0 : index
    %get3A_7 = arith.constant 0 : index
    %get3A_8 = vector.load %arg2[%get3A_5, %get3A_6, %get3A_7] : memref<8x128x128xf32, #tpu.memory_space<vmem>>, vector<1x128x128xf32>
    %get3A_9 = vector.shape_cast %get3A_8 : vector<1x128x128xf32> to vector<128x128xf32>
    %dot_general3A = arith.constant dense<0.000000e+00> : vector<160x128xf32>
    %dot_general3A_10 = tpu.matmul %get3A_4, %get3A_9, %dot_general3A {dimension_numbers = #tpu.dot_dimension_numbers<[1], [0], [0], [1], [0, 0, 1, 1], [], []>, transpose_lhs_hint = false} : vector<160x128xf32>, vector<128x128xf32>, vector<160x128xf32> -> vector<160x128xf32>
    %add3A = arith.addf %broadcast_in_dim3A_0, %dot_general3A_10 : vector<160x128xf32>
    %get3A_11 = arith.constant 0 : index
    %get3A_12 = arith.constant 1 : index
    %get3A_13 = arith.constant 0 : index
    %get3A_14 = vector.load %arg1[%get3A_11, %get3A_12, %get3A_13] : memref<160x8x128xf32, #tpu.memory_space<vmem>>, vector<160x1x128xf32>
    %get3A_15 = vector.shape_cast %get3A_14 : vector<160x1x128xf32> to vector<160x128xf32>
    %get3A_16 = arith.constant 1 : index
    %get3A_17 = arith.constant 0 : index
    %get3A_18 = arith.constant 0 : index
    %get3A_19 = vector.load %arg2[%get3A_16, %get3A_17, %get3A_18] : memref<8x128x128xf32, #tpu.memory_space<vmem>>, vector<1x128x128xf32>
    %get3A_20 = vector.shape_cast %get3A_19 : vector<1x128x128xf32> to vector<128x128xf32>
    %dot_general3A_21 = arith.constant dense<0.000000e+00> : vector<160x128xf32>
    %dot_general3A_22 = tpu.matmul %get3A_15, %get3A_20, %dot_general3A_21 {dimension_numbers = #tpu.dot_dimension_numbers<[1], [0], [0], [1], [0, 0, 1, 1], [], []>, transpose_lhs_hint = false} : vector<160x128xf32>, vector<128x128xf32>, vector<160x128xf32> -> vector<160x128xf32>
    %add3A_23 = arith.addf %add3A, %dot_general3A_22 : vector<160x128xf32>
    %get3A_24 = arith.constant 0 : index
    %get3A_25 = arith.constant 2 : index
    %get3A_26 = arith.constant 0 : index
    %get3A_27 = vector.load %arg1[%get3A_24, %get3A_25, %get3A_26] : memref<160x8x128xf32, #tpu.memory_space<vmem>>, vector<160x1x128xf32>
    %get3A_28 = vector.shape_cast %get3A_27 : vector<160x1x128xf32> to vector<160x128xf32>
    %get3A_29 = arith.constant 2 : index
    %get3A_30 = arith.constant 0 : index
    %get3A_31 = arith.constant 0 : index
    %get3A_32 = vector.load %arg2[%get3A_29, %get3A_30, %get3A_31] : memref<8x128x128xf32, #tpu.memory_space<vmem>>, vector<1x128x128xf32>
    %get3A_33 = vector.shape_cast %get3A_32 : vector<1x128x128xf32> to vector<128x128xf32>
    %dot_general3A_34 = arith.constant dense<0.000000e+00> : vector<160x128xf32>
    %dot_general3A_35 = tpu.matmul %get3A_28, %get3A_33, %dot_general3A_34 {dimension_numbers = #tpu.dot_dimension_numbers<[1], [0], [0], [1], [0, 0, 1, 1], [], []>, transpose_lhs_hint = false} : vector<160x128xf32>, vector<128x128xf32>, vector<160x128xf32> -> vector<160x128xf32>
    %add3A_36 = arith.addf %add3A_23, %dot_general3A_35 : vector<160x128xf32>
    %get3A_37 = arith.constant 0 : index
    %get3A_38 = arith.constant 3 : index
    %get3A_39 = arith.constant 0 : index
    %get3A_40 = vector.load %arg1[%get3A_37, %get3A_38, %get3A_39] : memref<160x8x128xf32, #tpu.memory_space<vmem>>, vector<160x1x128xf32>
    %get3A_41 = vector.shape_cast %get3A_40 : vector<160x1x128xf32> to vector<160x128xf32>
    %get3A_42 = arith.constant 3 : index
    %get3A_43 = arith.constant 0 : index
    %get3A_44 = arith.constant 0 : index
    %get3A_45 = vector.load %arg2[%get3A_42, %get3A_43, %get3A_44] : memref<8x128x128xf32, #tpu.memory_space<vmem>>, vector<1x128x128xf32>
    %get3A_46 = vector.shape_cast %get3A_45 : vector<1x128x128xf32> to vector<128x128xf32>
    %dot_general3A_47 = arith.constant dense<0.000000e+00> : vector<160x128xf32>
    %dot_general3A_48 = tpu.matmul %get3A_41, %get3A_46, %dot_general3A_47 {dimension_numbers = #tpu.dot_dimension_numbers<[1], [0], [0], [1], [0, 0, 1, 1], [], []>, transpose_lhs_hint = false} : vector<160x128xf32>, vector<128x128xf32>, vector<160x128xf32> -> vector<160x128xf32>
    %add3A_49 = arith.addf %add3A_36, %dot_general3A_48 : vector<160x128xf32>
    %get3A_50 = arith.constant 0 : index
    %get3A_51 = arith.constant 4 : index
    %get3A_52 = arith.constant 0 : index
    %get3A_53 = vector.load %arg1[%get3A_50, %get3A_51, %get3A_52] : memref<160x8x128xf32, #tpu.memory_space<vmem>>, vector<160x1x128xf32>
    %get3A_54 = vector.shape_cast %get3A_53 : vector<160x1x128xf32> to vector<160x128xf32>
    %get3A_55 = arith.constant 4 : index
    %get3A_56 = arith.constant 0 : index
    %get3A_57 = arith.constant 0 : index
    %get3A_58 = vector.load %arg2[%get3A_55, %get3A_56, %get3A_57] : memref<8x128x128xf32, #tpu.memory_space<vmem>>, vector<1x128x128xf32>
    %get3A_59 = vector.shape_cast %get3A_58 : vector<1x128x128xf32> to vector<128x128xf32>
    %dot_general3A_60 = arith.constant dense<0.000000e+00> : vector<160x128xf32>
    %dot_general3A_61 = tpu.matmul %get3A_54, %get3A_59, %dot_general3A_60 {dimension_numbers = #tpu.dot_dimension_numbers<[1], [0], [0], [1], [0, 0, 1, 1], [], []>, transpose_lhs_hint = false} : vector<160x128xf32>, vector<128x128xf32>, vector<160x128xf32> -> vector<160x128xf32>
    %add3A_62 = arith.addf %add3A_49, %dot_general3A_61 : vector<160x128xf32>
    %get3A_63 = arith.constant 0 : index
    %get3A_64 = arith.constant 5 : index
    %get3A_65 = arith.constant 0 : index
    %get3A_66 = vector.load %arg1[%get3A_63, %get3A_64, %get3A_65] : memref<160x8x128xf32, #tpu.memory_space<vmem>>, vector<160x1x128xf32>
    %get3A_67 = vector.shape_cast %get3A_66 : vector<160x1x128xf32> to vector<160x128xf32>
    %get3A_68 = arith.constant 5 : index
    %get3A_69 = arith.constant 0 : index
    %get3A_70 = arith.constant 0 : index
    %get3A_71 = vector.load %arg2[%get3A_68, %get3A_69, %get3A_70] : memref<8x128x128xf32, #tpu.memory_space<vmem>>, vector<1x128x128xf32>
    %get3A_72 = vector.shape_cast %get3A_71 : vector<1x128x128xf32> to vector<128x128xf32>
    %dot_general3A_73 = arith.constant dense<0.000000e+00> : vector<160x128xf32>
    %dot_general3A_74 = tpu.matmul %get3A_67, %get3A_72, %dot_general3A_73 {dimension_numbers = #tpu.dot_dimension_numbers<[1], [0], [0], [1], [0, 0, 1, 1], [], []>, transpose_lhs_hint = false} : vector<160x128xf32>, vector<128x128xf32>, vector<160x128xf32> -> vector<160x128xf32>
    %add3A_75 = arith.addf %add3A_62, %dot_general3A_74 : vector<160x128xf32>
    %get3A_76 = arith.constant 0 : index
    %get3A_77 = arith.constant 6 : index
    %get3A_78 = arith.constant 0 : index
    %get3A_79 = vector.load %arg1[%get3A_76, %get3A_77, %get3A_78] : memref<160x8x128xf32, #tpu.memory_space<vmem>>, vector<160x1x128xf32>
    %get3A_80 = vector.shape_cast %get3A_79 : vector<160x1x128xf32> to vector<160x128xf32>
    %get3A_81 = arith.constant 6 : index
    %get3A_82 = arith.constant 0 : index
    %get3A_83 = arith.constant 0 : index
    %get3A_84 = vector.load %arg2[%get3A_81, %get3A_82, %get3A_83] : memref<8x128x128xf32, #tpu.memory_space<vmem>>, vector<1x128x128xf32>
    %get3A_85 = vector.shape_cast %get3A_84 : vector<1x128x128xf32> to vector<128x128xf32>
    %dot_general3A_86 = arith.constant dense<0.000000e+00> : vector<160x128xf32>
    %dot_general3A_87 = tpu.matmul %get3A_80, %get3A_85, %dot_general3A_86 {dimension_numbers = #tpu.dot_dimension_numbers<[1], [0], [0], [1], [0, 0, 1, 1], [], []>, transpose_lhs_hint = false} : vector<160x128xf32>, vector<128x128xf32>, vector<160x128xf32> -> vector<160x128xf32>
    %add3A_88 = arith.addf %add3A_75, %dot_general3A_87 : vector<160x128xf32>
    %get3A_89 = arith.constant 0 : index
    %get3A_90 = arith.constant 7 : index
    %get3A_91 = arith.constant 0 : index
    %get3A_92 = vector.load %arg1[%get3A_89, %get3A_90, %get3A_91] : memref<160x8x128xf32, #tpu.memory_space<vmem>>, vector<160x1x128xf32>
    %get3A_93 = vector.shape_cast %get3A_92 : vector<160x1x128xf32> to vector<160x128xf32>
    %get3A_94 = arith.constant 7 : index
    %get3A_95 = arith.constant 0 : index
    %get3A_96 = arith.constant 0 : index
    %get3A_97 = vector.load %arg2[%get3A_94, %get3A_95, %get3A_96] : memref<8x128x128xf32, #tpu.memory_space<vmem>>, vector<1x128x128xf32>
    %get3A_98 = vector.shape_cast %get3A_97 : vector<1x128x128xf32> to vector<128x128xf32>
    %dot_general3A_99 = arith.constant dense<0.000000e+00> : vector<160x128xf32>
    %dot_general3A_100 = tpu.matmul %get3A_93, %get3A_98, %dot_general3A_99 {dimension_numbers = #tpu.dot_dimension_numbers<[1], [0], [0], [1], [0, 0, 1, 1], [], []>, transpose_lhs_hint = false} : vector<160x128xf32>, vector<128x128xf32>, vector<160x128xf32> -> vector<160x128xf32>
    %add3A_101 = arith.addf %add3A_88, %dot_general3A_100 : vector<160x128xf32>
    %swap3A = arith.constant 0 : index
    %swap3A_102 = arith.constant 0 : index
    %swap3A_103 = vector.load %arg3[%swap3A, %swap3A_102] : memref<160x128xf32, #tpu.memory_space<vmem>>, vector<160x128xf32>
    tpu.vector_store %arg3[%swap3A, %swap3A_102], %add3A_101 {strides = array<i32>} : memref<160x128xf32, #tpu.memory_space<vmem>>, vector<160x128xf32>,
    return
  }
  func.func @transform_0(%arg0: i32) -> (i32, i32, i32) {
    %c0_i32 = arith.constant 0 : i32
    %c0_i32_0 = arith.constant 0 : i32
    %c0_i32_1 = arith.constant 0 : i32
    return %arg0, %c0_i32, %c0_i32_0 : i32, i32, i32
  }
  func.func @transform_1(%arg0: i32) -> (i32, i32, i32) {
    %c0_i32 = arith.constant 0 : i32
    %c0_i32_0 = arith.constant 0 : i32
    %c0_i32_1 = arith.constant 0 : i32
    %c0_i32_2 = arith.constant 0 : i32
    return %c0_i32, %c0_i32_0, %c0_i32_1 : i32, i32, i32
  }
  func.func @transform_2(%arg0: i32) -> (i32, i32) {
    %c0_i32 = arith.constant 0 : i32
    %c0_i32_0 = arith.constant 0 : i32
    return %arg0, %c0_i32 : i32, i32
  }
}

module attributes {stable_mosaic.version = 14 : i64} {
  func.func @_tc2_body(%arg0: i32, %arg1: memref<160x128xf32, #tpu.memory_space<vmem>>, %arg2: memref<160x128xf32, #tpu.memory_space<vmem>>, %arg3: memref<160x128xf32, #tpu.memory_space<vmem>>, %arg4: memref<160x128xf32, #tpu.memory_space<vmem>>, %arg5: memref<1x128xf32, #tpu.memory_space<vmem>>, %arg6: memref<160x128xf32, #tpu.memory_space<vmem>>) attributes {dimension_semantics = [#tpu.dimension_semantics<arbitrary>], iteration_bounds = array<i64: 8>, scalar_prefetch = 0 : i64, scratch_operands = 0 : i64, tpu.core_type = #tpu.core_type<tc>, window_params = [{transform_indices = @transform_0, window_bounds = array<i64: 160, 128>}, {transform_indices = @transform_1, window_bounds = array<i64: 160, 128>}, {transform_indices = @transform_2, window_bounds = array<i64: 160, 128>}, {transform_indices = @transform_3, window_bounds = array<i64: 160, 128>}, {pipeline_mode = #tpu.pipeline_mode<synchronous>, transform_indices = @transform_4, window_bounds = array<i64: 1, 128>}, {transform_indices = @transform_5, window_bounds = array<i64: 160, 128>}]} {
    %get3A = arith.constant 0 : index
    %get3A_0 = arith.constant 0 : index
    %get3A_1 = vector.load %arg1[%get3A, %get3A_0] : memref<160x128xf32, #tpu.memory_space<vmem>>, vector<160x128xf32>
    %get3A_2 = arith.constant 0 : index
    %get3A_3 = arith.constant 0 : index
    %get3A_4 = vector.load %arg2[%get3A_2, %get3A_3] : memref<160x128xf32, #tpu.memory_space<vmem>>, vector<160x128xf32>
    %add3A = arith.addf %get3A_1, %get3A_4 : vector<160x128xf32>
    %get3A_5 = arith.constant 0 : index
    %get3A_6 = arith.constant 0 : index
    %get3A_7 = vector.load %arg3[%get3A_5, %get3A_6] : memref<160x128xf32, #tpu.memory_space<vmem>>, vector<160x128xf32>
    %add3A_8 = arith.addf %add3A, %get3A_7 : vector<160x128xf32>
    %get3A_9 = arith.constant 0 : index
    %get3A_10 = arith.constant 0 : index
    %get3A_11 = vector.load %arg4[%get3A_9, %get3A_10] : memref<160x128xf32, #tpu.memory_space<vmem>>, vector<160x128xf32>
    %mul3A = arith.mulf %get3A_11, %add3A_8 : vector<160x128xf32>
    %get3A_12 = arith.constant 0 : index
    %get3A_13 = arith.constant 0 : index
    %get3A_14 = vector.load %arg5[%get3A_12, %get3A_13] : memref<1x128xf32, #tpu.memory_space<vmem>>, vector<1x128xf32>
    %add3A_15 = vector.broadcast %get3A_14 : vector<1x128xf32> to vector<160x128xf32>
    %add3A_16 = arith.addf %mul3A, %add3A_15 : vector<160x128xf32>
    %max3A = arith.constant 0.000000e+00 : f32
    %max3A_17 = vector.broadcast %max3A : f32 to vector<160x128xf32>
    %max3A_18 = arith.maximumf %add3A_16, %max3A_17 : vector<160x128xf32>
    %get3A_19 = arith.constant 0 : index
    %get3A_20 = arith.constant 0 : index
    %get3A_21 = vector.load %arg4[%get3A_19, %get3A_20] : memref<160x128xf32, #tpu.memory_space<vmem>>, vector<160x128xf32>
    %mul3A_22 = arith.mulf %get3A_21, %max3A_18 : vector<160x128xf32>
    %swap3A = arith.constant 0 : index
    %swap3A_23 = arith.constant 0 : index
    %swap3A_24 = vector.load %arg6[%swap3A, %swap3A_23] : memref<160x128xf32, #tpu.memory_space<vmem>>, vector<160x128xf32>
    tpu.vector_store %arg6[%swap3A, %swap3A_23], %mul3A_22 {strides = array<i32>} : memref<160x128xf32, #tpu.memory_space<vmem>>, vector<160x128xf32>,
    return
  }
  func.func @transform_0(%arg0: i32) -> (i32, i32) {
    %c0_i32 = arith.constant 0 : i32
    %c0_i32_0 = arith.constant 0 : i32
    return %arg0, %c0_i32 : i32, i32
  }
  func.func @transform_1(%arg0: i32) -> (i32, i32) {
    %c0_i32 = arith.constant 0 : i32
    %c0_i32_0 = arith.constant 0 : i32
    return %arg0, %c0_i32 : i32, i32
  }
  func.func @transform_2(%arg0: i32) -> (i32, i32) {
    %c0_i32 = arith.constant 0 : i32
    %c0_i32_0 = arith.constant 0 : i32
    return %arg0, %c0_i32 : i32, i32
  }
  func.func @transform_3(%arg0: i32) -> (i32, i32) {
    %c0_i32 = arith.constant 0 : i32
    %c0_i32_0 = arith.constant 0 : i32
    return %arg0, %c0_i32 : i32, i32
  }
  func.func @transform_4(%arg0: i32) -> (i32, i32) {
    %c0_i32 = arith.constant 0 : i32
    %c0_i32_0 = arith.constant 0 : i32
    %c0_i32_1 = arith.constant 0 : i32
    return %c0_i32, %c0_i32_0 : i32, i32
  }
  func.func @transform_5(%arg0: i32) -> (i32, i32) {
    %c0_i32 = arith.constant 0 : i32
    %c0_i32_0 = arith.constant 0 : i32
    return %arg0, %c0_i32 : i32, i32
  }
}

module attributes {stable_mosaic.version = 14 : i64} {
  func.func @_tc2b_body(%arg0: i32, %arg1: memref<160x128xf32, #tpu.memory_space<vmem>>, %arg2: memref<160x128xf32, #tpu.memory_space<vmem>>, %arg3: memref<160x128xf32, #tpu.memory_space<vmem>>, %arg4: memref<160x128xf32, #tpu.memory_space<vmem>>, %arg5: memref<160x128xf32, #tpu.memory_space<vmem>>) attributes {dimension_semantics = [#tpu.dimension_semantics<arbitrary>], iteration_bounds = array<i64: 8>, scalar_prefetch = 0 : i64, scratch_operands = 0 : i64, tpu.core_type = #tpu.core_type<tc>, window_params = [{transform_indices = @transform_0, window_bounds = array<i64: 160, 128>}, {transform_indices = @transform_1, window_bounds = array<i64: 160, 128>}, {transform_indices = @transform_2, window_bounds = array<i64: 160, 128>}, {transform_indices = @transform_3, window_bounds = array<i64: 160, 128>}, {transform_indices = @transform_4, window_bounds = array<i64: 160, 128>}]} {
    %get3A = arith.constant 0 : index
    %get3A_0 = arith.constant 0 : index
    %get3A_1 = vector.load %arg4[%get3A, %get3A_0] : memref<160x128xf32, #tpu.memory_space<vmem>>, vector<160x128xf32>
    %get3A_2 = arith.constant 0 : index
    %get3A_3 = arith.constant 0 : index
    %get3A_4 = vector.load %arg1[%get3A_2, %get3A_3] : memref<160x128xf32, #tpu.memory_space<vmem>>, vector<160x128xf32>
    %get3A_5 = arith.constant 0 : index
    %get3A_6 = arith.constant 0 : index
    %get3A_7 = vector.load %arg2[%get3A_5, %get3A_6] : memref<160x128xf32, #tpu.memory_space<vmem>>, vector<160x128xf32>
    %add3A = arith.addf %get3A_4, %get3A_7 : vector<160x128xf32>
    %get3A_8 = arith.constant 0 : index
    %get3A_9 = arith.constant 0 : index
    %get3A_10 = vector.load %arg3[%get3A_8, %get3A_9] : memref<160x128xf32, #tpu.memory_space<vmem>>, vector<160x128xf32>
    %add3A_11 = arith.addf %add3A, %get3A_10 : vector<160x128xf32>
    %mul3A = arith.mulf %get3A_1, %add3A_11 : vector<160x128xf32>
    %swap3A = arith.constant 0 : index
    %swap3A_12 = arith.constant 0 : index
    %swap3A_13 = vector.load %arg5[%swap3A, %swap3A_12] : memref<160x128xf32, #tpu.memory_space<vmem>>, vector<160x128xf32>
    tpu.vector_store %arg5[%swap3A, %swap3A_12], %mul3A {strides = array<i32>} : memref<160x128xf32, #tpu.memory_space<vmem>>, vector<160x128xf32>,
    return
  }
  func.func @transform_0(%arg0: i32) -> (i32, i32) {
    %c0_i32 = arith.constant 0 : i32
    %c0_i32_0 = arith.constant 0 : i32
    return %arg0, %c0_i32 : i32, i32
  }
  func.func @transform_1(%arg0: i32) -> (i32, i32) {
    %c0_i32 = arith.constant 0 : i32
    %c0_i32_0 = arith.constant 0 : i32
    return %arg0, %c0_i32 : i32, i32
  }
  func.func @transform_2(%arg0: i32) -> (i32, i32) {
    %c0_i32 = arith.constant 0 : i32
    %c0_i32_0 = arith.constant 0 : i32
    return %arg0, %c0_i32 : i32, i32
  }
  func.func @transform_3(%arg0: i32) -> (i32, i32) {
    %c0_i32 = arith.constant 0 : i32
    %c0_i32_0 = arith.constant 0 : i32
    return %arg0, %c0_i32 : i32, i32
  }
  func.func @transform_4(%arg0: i32) -> (i32, i32) {
    %c0_i32 = arith.constant 0 : i32
    %c0_i32_0 = arith.constant 0 : i32
    return %arg0, %c0_i32 : i32, i32
  }
}

module attributes {stable_mosaic.version = 14 : i64} {
  func.func @_tc3_body(%arg0: i32, %arg1: memref<1280x16xf32, #tpu.memory_space<vmem>>, %arg2: memref<16x40xf32, #tpu.memory_space<vmem>>, %arg3: memref<1x40xf32, #tpu.memory_space<vmem>>, %arg4: memref<1280x40xf32, #tpu.memory_space<vmem>>) attributes {dimension_semantics = [#tpu.dimension_semantics<arbitrary>], iteration_bounds = array<i64: 8>, scalar_prefetch = 0 : i64, scratch_operands = 0 : i64, tpu.core_type = #tpu.core_type<tc>, window_params = [{transform_indices = @transform_0, window_bounds = array<i64: 1280, 16>}, {pipeline_mode = #tpu.pipeline_mode<synchronous>, transform_indices = @transform_1, window_bounds = array<i64: 16, 40>}, {pipeline_mode = #tpu.pipeline_mode<synchronous>, transform_indices = @transform_2, window_bounds = array<i64: 1, 40>}, {transform_indices = @transform_3, window_bounds = array<i64: 1280, 40>}]} {
    %get3A = arith.constant 0 : index
    %get3A_0 = arith.constant 0 : index
    %get3A_1 = vector.load %arg1[%get3A, %get3A_0] : memref<1280x16xf32, #tpu.memory_space<vmem>>, vector<1280x16xf32>
    %get3A_2 = arith.constant 0 : index
    %get3A_3 = arith.constant 0 : index
    %get3A_4 = vector.load %arg2[%get3A_2, %get3A_3] : memref<16x40xf32, #tpu.memory_space<vmem>>, vector<16x40xf32>
    %dot_general3A = arith.constant dense<0.000000e+00> : vector<1280x40xf32>
    %dot_general3A_5 = tpu.matmul %get3A_1, %get3A_4, %dot_general3A {dimension_numbers = #tpu.dot_dimension_numbers<[1], [0], [0], [1], [0, 0, 1, 1], [], []>, transpose_lhs_hint = false} : vector<1280x16xf32>, vector<16x40xf32>, vector<1280x40xf32> -> vector<1280x40xf32>
    %get3A_6 = arith.constant 0 : index
    %get3A_7 = arith.constant 0 : index
    %get3A_8 = vector.load %arg3[%get3A_6, %get3A_7] : memref<1x40xf32, #tpu.memory_space<vmem>>, vector<1x40xf32>
    %add3A = vector.broadcast %get3A_8 : vector<1x40xf32> to vector<1280x40xf32>
    %add3A_9 = arith.addf %dot_general3A_5, %add3A : vector<1280x40xf32>
    %reduce_max3A = arith.constant dense<0xFF800000> : vector<1280xf32>
    %reduce_max3A_10 = vector.multi_reduction <maximumf>, %add3A_9, %reduce_max3A [1] : vector<1280x40xf32> to vector<1280xf32>
    %broadcast_in_dim3A = vector.shape_cast %reduce_max3A_10 : vector<1280xf32> to vector<1280x1xf32>
    %sub3A = vector.broadcast %broadcast_in_dim3A : vector<1280x1xf32> to vector<1280x40xf32>
    %sub3A_11 = arith.subf %add3A_9, %sub3A : vector<1280x40xf32>
    %exp3A = math.exp %sub3A_11 : vector<1280x40xf32>
    %reduce_sum3A = arith.constant dense<0.000000e+00> : vector<1280xf32>
    %reduce_sum3A_12 = vector.multi_reduction <add>, %exp3A, %reduce_sum3A [1] : vector<1280x40xf32> to vector<1280xf32>
    %broadcast_in_dim3A_13 = vector.shape_cast %reduce_sum3A_12 : vector<1280xf32> to vector<1280x1xf32>
    %log3A = math.log %broadcast_in_dim3A_13 : vector<1280x1xf32>
    %sub3A_14 = vector.broadcast %broadcast_in_dim3A : vector<1280x1xf32> to vector<1280x40xf32>
    %sub3A_15 = arith.subf %add3A_9, %sub3A_14 : vector<1280x40xf32>
    %sub3A_16 = vector.broadcast %log3A : vector<1280x1xf32> to vector<1280x40xf32>
    %sub3A_17 = arith.subf %sub3A_15, %sub3A_16 : vector<1280x40xf32>
    %swap3A = arith.constant 0 : index
    %swap3A_18 = arith.constant 0 : index
    %swap3A_19 = vector.load %arg4[%swap3A, %swap3A_18] : memref<1280x40xf32, #tpu.memory_space<vmem>>, vector<1280x40xf32>
    tpu.vector_store %arg4[%swap3A, %swap3A_18], %sub3A_17 {strides = array<i32>} : memref<1280x40xf32, #tpu.memory_space<vmem>>, vector<1280x40xf32>,
    return
  }
  func.func @transform_0(%arg0: i32) -> (i32, i32) {
    %c0_i32 = arith.constant 0 : i32
    %c0_i32_0 = arith.constant 0 : i32
    return %arg0, %c0_i32 : i32, i32
  }
  func.func @transform_1(%arg0: i32) -> (i32, i32) {
    %c0_i32 = arith.constant 0 : i32
    %c0_i32_0 = arith.constant 0 : i32
    %c0_i32_1 = arith.constant 0 : i32
    return %c0_i32, %c0_i32_0 : i32, i32
  }
  func.func @transform_2(%arg0: i32) -> (i32, i32) {
    %c0_i32 = arith.constant 0 : i32
    %c0_i32_0 = arith.constant 0 : i32
    %c0_i32_1 = arith.constant 0 : i32
    return %c0_i32, %c0_i32_0 : i32, i32
  }
  func.func @transform_3(%arg0: i32) -> (i32, i32) {
    %c0_i32 = arith.constant 0 : i32
    %c0_i32_0 = arith.constant 0 : i32
    return %arg0, %c0_i32 : i32, i32
  }
}

</mosaic_0001>

<sc_bundles>
// kernel: kernel.10.cloned.1.call-start
scs
__scs_entry_jumppad:
0x0: {  	(pc) =	sbr.rel $0x88, $3  }
0x1: {  	(tag) =	ssettag $0x0;
	lr =	simm.s32 $0x1  }
0x2: {  	[smem:$0x3F9B] =	sst lr;
	_ =	strace $0xD0000000  }
0x3: {  	_ = 	snop  }
0x4: {  	_ = 	snop  }
0x5: {  	_ = 	snop  }
0x6: {  	_ = 	snop  }
0x7: {  	_ = 	snop  }
__scs_overlays_trampoline_lowered:
0x8: {  	[smem:$0x3FAA] =	sst s0  }
0x9: {  	[smem:$0x3FAB] =	sst s1  }
0xa: {  	[smem:$0x3FAC] =	sst s2  }
0xb: {  	[smem:$0x3FAD] =	sst s3  }
0xc: {  	[smem:$0x3FAE] =	sst s4  }
0xd: {  	[smem:$0x3FAF] =	sst s5  }
0xe: {  	[smem:$0x3FB0] =	sst s6  }
0xf: {  	[smem:$0x3FB1] =	sst s7  }
0x10: {  	[smem:$0x3FB2] =	sst s8  }
0x11: {  	[smem:$0x3FB3] =	sst s9;
	s0 =	simm.s32 @!p0 $0x0  }
0x12: {  	s1 =	sld [smem:$0x3F99];
	s0 =	simm.s32 @p0 $0x1  }
0x13: {  	[smem:$0x3FB4] =	sst s0;
	s0 =	simm.s32 @!p1 $0x0  }
0x14: {  	s2 =	sld [smem:$0x3F98];
	s0 =	simm.s32 @p1 $0x1  }
0x15: {  	[smem:$0x3FB5] =	sst s0;
	s0 =	simm.s32 @!p2 $0x0  }
0x16: {  	s3 =	sld [smem:$0x3FDB];
	s0 =	simm.s32 @p2 $0x1  }
0x17: {  	s4 =	simm.s32 $0x1BF5;
	[smem:$0x3FB7] =	sst s0  }
0x18: {  	s0 =	sld [smem:$0x3F9A];
	_ =	swait.ge [sflag:s4], $0x0  }
0x19: {  	s7 =	sld [smem:$0x3F9B]  }
0x1a: {  	s8 =	sadd.s32 $0xFFFFE003, lr  }
0x1b: {  	s9 =	sadd.s32 $0xFFFFFEF7, lr;
	s5 =	simm.s32 $0xFFFFFFFF;
	p2 =	slt.u32 s8, $0xFFFFF086  }
0x1c: {  	p1 =	slt.u32 s9, $0xF7A;
	s5 =	simm.s32 @!p2 $0x0  }
0x1d: {  	s5 =	simm.s32 @p1 $0x1;
	p0 =	seq.s32 s7, s2  }
0x1e: {  	s7 =	smul.u32 @!p0 $0xF7A, s2;
	p2 =	seq.s32 @!p0 s5, $0x0  }
0x1f: {  	s9 =	smul.u32 $0xF7A, s1;
	s8 =	simm.s32 @!p0 $0x1BF5;
	p2 =	por !p2, p0  }
0x20: {  	[sflag:s8] =	ssyncset.s32 @!p0 $0xFFFFF086;
	s6 =	sadd.s32 @!p0 s3, s7;
	s7 =	simm.s32 @!p0 $0x108  }
0x21: {  	s3 =	sadd.s32 s3, s9;
	s6 =	sadd.s32 @!p0 $0x88, s6;
	s7 =	simm.s32 @p2 $0x1082  }
0x22: {  	[simem:s7], [sflag:s8] =	dma.local @!p0 [hbm:s6], $0xF7A  }
0x23: {  	s9 =	sor.u32 $0xD0000000, s2;
	s6 =	simm.s32 $0x108;
	_ =	swait.ge @!p0 [sflag:s8], $0x0  }
0x24: {  	s3 =	sadd.s32 $0x88, s3;
	s6 =	simm.s32 @!p1 $0x1082;
	[sflag:s4] =	ssyncset.s32 $0xFFFFF086  }
0x25: {  	[simem:s6], [sflag:s4] =	dma.local [hbm:s3], $0xF7A  }
0x26: {  	[smem:$0x3F9B] =	sst s1;
	(tag) =	ssettag s2;
	_ =	strace s9  }
0x27: {  	s1 =	sld [smem:$0x3FAB]  }
0x28: {  	s2 =	sld [smem:$0x3FAC]  }
0x29: {  	s4 =	sld [smem:$0x3FAE]  }
0x2a: {  	p0 =	seq.s32 s5, $0x0;
	s5 =	sld [smem:$0x3FAF]  }
0x2b: {  	s6 =	sld [smem:$0x3FB0]  }
0x2c: {  	s7 =	sld [smem:$0x3FB1]  }
0x2d: {  	s3 =	simm.s32 $0x108;
	s8 =	sld [smem:$0x3FB2]  }
0x2e: {  	s3 =	simm.s32 @!p0 $0x1082;
	s9 =	sld [smem:$0x3FB3]  }
0x2f: {  	lr =	sadd.s32 s0, s3;
	s0 =	sld [smem:$0x3FAA]  }
0x30: {  	s3 =	sld [smem:$0x3FAD]  }
0x31: {  	[smem:$0x3FB6] =	sst s10  }
0x32: {  	s10 =	sld [smem:$0x3FB4];
	_ =	sdelay $0x3  }
0x33: {  	p0 =	seq.s32 s10, $0x1;
	s10 =	sld [smem:$0x3FB6];
	_ =	sdelay $0x3  }
0x34: {  	[smem:$0x3FB6] =	sst s10  }
0x35: {  	s10 =	sld [smem:$0x3FB5];
	_ =	sdelay $0x3  }
0x36: {  	p1 =	seq.s32 s10, $0x1;
	s10 =	sld [smem:$0x3FB6];
	_ =	sdelay $0x3  }
0x37: {  	[smem:$0x3FB6] =	sst s10  }
0x38: {  	s10 =	sld [smem:$0x3FB7]  }
0x39: {  	_ = 	snop;
	(pc) =	sbr.ind lr, $3  }
0x3a: {  	_ = 	snop  }
0x3b: {  	_ = 	snop  }
0x3c: {  	p2 =	seq.s32 s10, $0x1;
	s10 =	sld [smem:$0x3FB6]  }
0x3d: {  	_ =	shalt  }
0x3e: {  	_ =	shalt  }
0x3f: {  	_ =	shalt  }
0x40: {  	_ =	shalt  }
0x41: {  	_ =	shalt  }
0x42: {  	_ =	shalt  }
0x43: {  	_ =	shalt  }
0x44: {  	_ =	shalt  }
0x45: {  	_ =	shalt  }
0x46: {  	_ =	shalt  }
0x47: {  	_ =	shalt  }
0x48: {  	_ =	shalt  }
0x49: {  	_ =	shalt  }
0x4a: {  	_ =	shalt  }
0x4b: {  	_ =	shalt  }
0x4c: {  	_ =	shalt  }
0x4d: {  	_ =	shalt  }
0x4e: {  	_ =	shalt  }
0x4f: {  	_ =	shalt  }
0x50: {  	_ =	shalt  }
0x51: {  	_ =	shalt  }
0x52: {  	_ =	shalt  }
0x53: {  	_ =	shalt  }
0x54: {  	_ =	shalt  }
0x55: {  	_ =	shalt  }
0x56: {  	_ =	shalt  }
0x57: {  	_ =	shalt  }
0x58: {  	_ =	shalt  }
0x59: {  	_ =	shalt  }
0x5a: {  	_ =	shalt  }
0x5b: {  	_ =	shalt  }
0x5c: {  	_ =	shalt  }
0x5d: {  	_ =	shalt  }
0x5e: {  	_ =	shalt  }
0x5f: {  	_ =	shalt  }
0x60: {  	_ =	shalt  }
0x61: {  	_ =	shalt  }
0x62: {  	_ =	shalt  }
0x63: {  	_ =	shalt  }
0x64: {  	_ =	shalt  }
0x65: {  	_ =	shalt  }
0x66: {  	_ =	shalt  }
0x67: {  	_ =	shalt  }
0x68: {  	_ =	shalt  }
0x69: {  	_ =	shalt  }
0x6a: {  	_ =	shalt  }
0x6b: {  	_ =	shalt  }
0x6c: {  	_ =	shalt  }
0x6d: {  	_ =	shalt  }
0x6e: {  	_ =	shalt  }
0x6f: {  	_ =	shalt  }
0x70: {  	_ =	shalt  }
0x71: {  	_ =	shalt  }
0x72: {  	_ =	shalt  }
0x73: {  	_ =	shalt  }
0x74: {  	_ =	shalt  }
0x75: {  	_ =	shalt  }
0x76: {  	_ =	shalt  }
0x77: {  	_ =	shalt  }
0x78: {  	_ =	shalt  }
0x79: {  	_ =	shalt  }
0x7a: {  	_ =	shalt  }
0x7b: {  	_ =	shalt  }
0x7c: {  	_ =	shalt  }
0x7d: {  	_ =	shalt  }
0x7e: {  	_ =	shalt  }
0x7f: {  	_ =	shalt  }
0x80: {  	_ =	shalt  }
0x81: {  	_ =	shalt  }
0x82: {  	_ =	shalt  }
0x83: {  	_ =	shalt  }
0x84: {  	_ =	shalt  }
0x85: {  	_ =	shalt  }
0x86: {  	_ =	shalt  }
0x87: {  	_ =	shalt  }
.Lfunc_end0:
.L_simem_size_0:
called_computation_lowered:
.L_overlay_start_0:
0x88: {  	s2 =	sld [smem:$0x3FD9]  }
0x89: {  	s3 =	sld [smem:$0x3FFE];
	_ =	sdelay $0x1  }
0x8a: {  	s1 =	srdreg.scid  }
0x8b: {  	s0 =	sand.u32 $0x1, s1  }
0x8c: {  	s17 =	sshll.u32 s0, $0xA;
	s2 =	sadd.s32 s3, s2  }
0x8d: {  	s2 =	sadd.s32 s2, s17  }
0x8e: {  	[smem:$0x3FC2] =	sst s2  }
0x8f: {  	_ = 	snop  }
0x90: {  	s2 =	sld [smem:$0x3FD0];
	(tm) =	ssettm $0x1  }
0x91: {  	s18 =	sld [smem:$0x3FFB];
	_ =	sdelay $0x3  }
0x92: {  	_ =	strace s18  }
0x93: {  	s3 =	sld [smem:$0x3FFC];
	_ =	sdelay $0x3  }
0x94: {  	_ =	strace s3  }
0x95: {  	s3 =	sld [smem:$0x3FFD];
	_ =	sdelay $0x3  }
0x96: {  	_ =	strace s3  }
0x97: {  	_ =	strace $0x8FFFFFFF  }
0x98: {  	s19 =	sld [smem:$0x3FDB];
	_ =	sdelay $0x1  }
0x99: {  	s4 =	simm.s32 $_scs_section_size  }
0x9a: {  	s5 =	simm.s32 $_size__tile_overlayer_lowered;
	s6 =	simm.s32 $_tile_overlayer_lowered  }
0x9b: {  	s22 =	simm.s32 $0x1BFF;
	s21 =	sshll.u32 s6, $0x1;
	s3 =	sadd.s32 s4, s19  }
0x9c: {  	s7 =	simm.s32 $0x0;
	s20 =	sshll.u32 s5, $0x1;
	s5 =	sadd.s32 s21, s3  }
0x9d: {  	[timem:s7], [sflag:s22] =	dma.local [hbm:s5], s20  }
0x9e: {  	_ =	swait.ge [sflag:s22], s20  }
0x9f: {  	s4 =	ssub.s32 $0x0, s20;
	[sflag:s22] =	ssyncset.done $0x0  }
0xa0: {  	[sflag:s22] =	ssyncadd.s32 s4;
	_ =	sdelay $0x1  }
0xa1: {  	s23 =	simm.s32 $0x1B8B  }
0xa2: {  	_ =	swait.ge [sflag:s23], $0x1  }
0xa3: {  	[sflag:s23] =	ssyncset.done $0x0  }
0xa4: {  	s25 =	simm.s32 $0x1B8E;
	s24 =	sld [smem:$0x3FFE];
	[sflag:s23] =	ssyncadd.s32 $0xFFFFFFFF  }
0xa5: {  	s26 =	simm.s32 $execute0_lowered;
	[smem:$0x3FD2] =	sst s25  }
0xa6: {  	s5 =	sshll.u32 s26, $0x1;
	_ =	strace $0x80000046;
	[dreg:$0x1] =	wrdreg $0xFFFFFFFF  }
0xa7: {  	s28 =	simm.s32 $_size_execute0_lowered;
	s3 =	sadd.s32 s3, s5;
	[dreg:$0x0] =	wrdreg $0x0  }
0xa8: {  	s5 =	sshll.u32 s28, $0x1;
	[dreg:$0x2] =	wrdreg s3  }
0xa9: {  	[dreg:$0x3] =	wrdreg s5  }
0xaa: {  	[dreg:$0x4] =	wrdreg $0xC0  }
0xab: {  	_ =	task [dreg:s7], $0x5FFFF  }
0xac: {  	[dreg:$0x1] =	wrdreg $0xFFFFFFFF  }
0xad: {  	[dreg:$0x0] =	wrdreg $0x60  }
0xae: {  	[dreg:$0x2] =	wrdreg s2  }
0xaf: {  	[dreg:$0x3] =	wrdreg s24  }
0xb0: {  	[dreg:$0x4] =	wrdreg $0x67000  }
0xb1: {  	[dreg:$0x5] =	wrdreg $0x9  }
0xb2: {  	_ =	task.clear_ibuf [dreg:s7], $0x6FFFF;
	_ =	strace $0x90000046  }
0xb3: {  	s29 =	simm.s32 $0x9;
	_ =	strace $0x80000048  }
0xb4: {  	_ =	swait.ge [sflag:s29], $0x1  }
0xb5: {  	[sflag:s29] =	ssyncadd.s32 $0xFFFFFFFF  }
0xb6: {  	_ =	strace $0x90000048  }
0xb7: {  	_ =	sfence  }
0xb8: {  	s30 =	sld [smem:$0x0];
	_ =	sdelay $0x2  }
0xb9: {  	s31 =	sshll.u32 s1, $0xD;
	s1 =	sshrl.u32 s1, $0x2  }
0xba: {  	s3 =	sand.u32 $0x4000, s31;
	s1 =	sadd.s32 s1, s30  }
0xbb: {  	s0 =	sor.u32 s3, s0;
	s1 =	sshll.u32 s1, $0x11  }
0xbc: {  	s0 =	sor.u32 s1, s0  }
0xbd: {  	s0 =	sadd.s32 $0x8F2B, s0  }
0xbe: {  	[sflag:s0] =	ssyncadd.remote.s32 $0x1  }
0xbf: {  	_ =	sfence.sel $0xFFFF  }
0xc0: {  	[dreg:$0x0] =	wrdreg $0xFFFFFFFF;
	(pc) =	sbr.abs _section_cstart, $3  }
0xc1: {  	[dreg:$0x1] =	wrdreg $0xFFFFFFFF  }
0xc2: {  	_ =	task.clear_ibuf [dreg:s7], $0x2FFFF;
	_ =	strace $0x9FFFFFFF  }
0xc3: {  	(tm) =	ssettm $0x7FFFFFFF  }
tec
execute0_lowered:
.L_overlay_start_1:
0x0: {  	(tag) =	ssettag $0x1  }
0x1: {  	s5 =	rddreg [dreg:$0x0]  }
0x2: {  	s4 =	rddreg [dreg:$0x1]  }
0x3: {  	s0 =	srdreg.scid;
	s2 =	rddreg [dreg:$0x2]  }
0x4: {  	s1 =	rddreg [dreg:$0x3];
	s6 =	sand.u32 $0x1, s0  }
0x5: {  	s3 =	simm.s32 $0x0;
	s0 =	stileid.u32;
	s7 =	smul.u32 $0x1400, s6  }
0x6: {  	s13 =	simm.s32 $0x7D;
	s14 =	simm.s32 $0x5000;
	s8 =	smul.u32 $0x140, s0  }
0x7: {  	s15 =	simm.s32 $0x5300;
	s16 =	simm.s32 $0x0;
	s29 =	smul.u32 $0xA00, s0  }
0x8: {  	[smem:$0x7FF] =	sst s3;
	s10 =	smul.u32 $0x5000, s0;
	s30 =	ssub.s32 $0x2, s6  }
0x9: {  	_ =	strace $0x80000047;
	s6 =	sshrl.u32 s30, $0x1;
	s7 =	sadd.s32 s8, s7  }
0xa: {  	s11 =	sshrl.u32 s29, $0x2;
	s10 =	sshrl.u32 s10, $0x3;
	s12 =	ssub.s32 s30, s6  }
0xb: {  	s9 =	sshll.u32 s7, $0x1;
	s31 =	sadd.s32 s5, s10;
	s5 =	sadd.s32 s5, s29  }
0xc: {  	s7 =	sadd.s32 s7, s2;
	s10 =	simm.s32 $0x5080;
	s9 =	sadd.s32 s9, s4  }
0xd: {  	s4 =	sadd.s32 s11, s2;
	s6 =	sadd.s32 $0x500, s31;
	s11 =	simm.s32 $0x1  }
0xe: {  	v0 =	vimm.f32 $0.0e+00;
	v1 =	vimm.f32 $1.000000000e+00;
	s8 =	sadd.s32 $0x2E00, s9;
	s9 =	smax.u32 s12, $0x1;
	s12 =	simm.s32 $0x2800  }
.LBB2_1:
0xf: {  	[tilespmem:$0x5080] =	vst v0  }
0x10: {  	[tilespmem:$0x5090] =	vst v0  }
0x11: {  	[tilespmem:$0x50A0] =	vst v0  }
0x12: {  	[tilespmem:$0x50B0] =	vst v0  }
0x13: {  	[tilespmem:$0x50C0] =	vst v0  }
0x14: {  	[tilespmem:$0x50D0] =	vst v0  }
0x15: {  	[tilespmem:$0x50E0] =	vst v0  }
0x16: {  	[tilespmem:$0x50F0] =	vst v0  }
0x17: {  	[tilespmem:$0x5100] =	vst v0  }
0x18: {  	[tilespmem:$0x5110] =	vst v0  }
0x19: {  	[tilespmem:$0x5120] =	vst v0  }
0x1a: {  	[tilespmem:$0x5130] =	vst v0  }
0x1b: {  	[tilespmem:$0x5140] =	vst v0  }
0x1c: {  	[tilespmem:$0x5150] =	vst v0  }
0x1d: {  	[tilespmem:$0x5160] =	vst v0  }
0x1e: {  	[tilespmem:$0x5170] =	vst v0  }
0x1f: {  	[tilespmem:$0x5180] =	vst v0  }
0x20: {  	[tilespmem:$0x5190] =	vst v0  }
0x21: {  	[tilespmem:$0x51A0] =	vst v0  }
0x22: {  	[tilespmem:$0x51B0] =	vst v0  }
0x23: {  	[tilespmem:$0x51C0] =	vst v0  }
0x24: {  	[tilespmem:$0x51D0] =	vst v0  }
0x25: {  	[tilespmem:$0x51E0] =	vst v0  }
0x26: {  	[tilespmem:$0x51F0] =	vst v0  }
0x27: {  	[tilespmem:$0x5200] =	vst v0  }
0x28: {  	[tilespmem:$0x5210] =	vst v0  }
0x29: {  	[tilespmem:$0x5220] =	vst v0  }
0x2a: {  	[tilespmem:$0x5230] =	vst v0  }
0x2b: {  	[tilespmem:$0x5240] =	vst v0  }
0x2c: {  	[tilespmem:$0x5250] =	vst v0  }
0x2d: {  	[tilespmem:$0x5260] =	vst v0  }
0x2e: {  	[tilespmem:$0x5270] =	vst v0  }
0x2f: {  	[tilespmem:$0x5280] =	vst v0  }
0x30: {  	[tilespmem:$0x5290] =	vst v0  }
0x31: {  	[tilespmem:$0x52A0] =	vst v0  }
0x32: {  	[tilespmem:$0x52B0] =	vst v0  }
0x33: {  	[tilespmem:$0x52C0] =	vst v0  }
0x34: {  	[tilespmem:$0x52D0] =	vst v0  }
0x35: {  	[tilespmem:$0x52E0] =	vst v0  }
0x36: {  	[tilespmem:$0x52F0] =	vst v0  }
0x37: {  	[spmem:s4] =	stream.linear.scatter [tilespmem:s10], [sflag:$0x1], $0x280, $0x38;
	[tilespmem:$0x6980] =	vst v63  }
0x38: {  	_ =	swait.ge [sflag:s11], $0x280  }
0x39: {  	[sflag:s11] =	ssyncset.done $0x0  }
0x3a: {  	[sflag:s11] =	ssyncadd.s32 $0xFFFFFD80  }
0x3b: {  	[tilespmem:$0x5000] =	vst v1  }
0x3c: {  	[tilespmem:$0x5010] =	vst v1  }
0x3d: {  	[tilespmem:$0x5020] =	vst v1  }
0x3e: {  	[tilespmem:$0x5030] =	vst v1  }
0x3f: {  	[tilespmem:$0x5040] =	vst v1  }
0x40: {  	[tilespmem:$0x5050] =	vst v1  }
0x41: {  	[tilespmem:$0x5060] =	vst v1  }
0x42: {  	[tilespmem:$0x5070] =	vst v1  }
0x43: {  	[tilespmem:s3], [sflag:$0x1] =	stream.linear.gather [hbm4b:s5+s3], $0x2800, $0x38;
	[tilespmem:$0x6980] =	vst v63  }
0x44: {  	_ =	swait.ge [sflag:s11], $0x2800  }
0x45: {  	[sflag:s11] =	ssyncset.done $0x0  }
0x46: {  	[sflag:s11] =	ssyncadd.s32 $0xFFFFD800  }
0x47: {  	[tilespmem:s12], [sflag:$0x1] =	stream.linear.gather [hbm4b:s6+s3], $0x2800, $0x38;
	[tilespmem:$0x6980] =	vst v63  }
0x48: {  	_ =	swait.ge [sflag:s11], $0x2800  }
0x49: {  	[sflag:s11] =	ssyncset.done $0x0  }
0x4a: {  	[sflag:s11] =	ssyncadd.s32 $0xFFFFD800  }
0x4b: {  	s17 =	simm.s32 $0x0;
	[bflag:$0x0] =	sbarrier.arrive $0xFFFF  }
0x4c: {  	[spmem:s2] =	stream.indirect.scatter.add.f32 [tilespmem:s14], [sflag:$0x1], $0x1, s17, s13, $0xb8;
	[tilespmem:$0x6980] =	vst v63  }
0x4d: {  	_ =	swait.ge [sflag:s11], $0x7D  }
0x4e: {  	s17 =	simm.s32 $0x200;
	[sflag:s11] =	ssyncset.done $0x0  }
.LBB2_2:
0x4f: {  	s18 =	sshra.s32 s17, $0x2;
	[sflag:s11] =	ssyncadd.s32 $0xFFFFFF83;
	p0 =	sne.s32 s17, $0x13E00  }
0x50: {  	[spmem:s2] =	stream.indirect.scatter.add.f32 [tilespmem:s14], [sflag:$0x1], $0x1, s18, s13, $0xb8;
	[tilespmem:$0x6980] =	vst v63  }
.Ltmp0:
0x51: {  	_ = 	snop;
	(pc) =	sbr.rel @p0 .LBB2_2-.Ltmp0, $4  }
0x52: {  	_ = 	snop  }
0x53: {  	s17 =	sadd.s32 $0x200, s17  }
0x54: {  	_ =	swait.ge [sflag:s11], $0x7D  }
0x55: {  	[sflag:s11] =	ssyncset.done $0x0  }
0x56: {  	[sflag:s11] =	ssyncadd.s32 $0xFFFFFF83  }
0x57: {  	[bflag:$0x0] =	sbarrier.arrive $0xFFFF  }
0x58: {  	[tilespmem:s10], [sflag:$0x1] =	stream.linear.gather [spmem:s7], $0x140, $0x38;
	[tilespmem:$0x6980] =	vst v63  }
0x59: {  	_ =	swait.ge [sflag:s11], $0x140  }
0x5a: {  	[sflag:s11] =	ssyncset.done $0x0  }
0x5b: {  	s17 =	simm.s32 $0x0;
	[sflag:s11] =	ssyncadd.s32 $0xFFFFFEC0  }
0x5c: {  	v2 =	vld [tilespmem:s17+$0x5080];
	_ =	sdelay $0x4  }
0x5d: {  	v2 =	vadd.f32 $1.000000000e+00, v2;
	_ =	sdelay $0x1  }
0x5e: {  	v3 =	vshrl.u32 v2, $0x1;
	v2 =	vmul.f32 $5.000000000e-01, v2  }
0x5f: {  	v3 =	vsub.s32 $0x5F3759DF, v3  }
0x60: {  	v4 =	vmul.f32 v3, v2;
	_ =	sdelay $0x1  }
0x61: {  	v4 =	vmul.f32 v3, v4;
	_ =	sdelay $0x1  }
0x62: {  	v4 =	vsub.f32 $1.500000000e+00, v4;
	_ =	sdelay $0x1  }
0x63: {  	v3 =	vmul.f32 v3, v4;
	_ =	sdelay $0x1  }
0x64: {  	v4 =	vmul.f32 v3, v2;
	_ =	sdelay $0x1  }
0x65: {  	v4 =	vmul.f32 v4, v3;
	_ =	sdelay $0x1  }
0x66: {  	v4 =	vsub.f32 $1.500000000e+00, v4;
	_ =	sdelay $0x1  }
0x67: {  	v3 =	vmul.f32 v4, v3;
	_ =	sdelay $0x1  }
0x68: {  	v2 =	vmul.f32 v3, v2;
	_ =	sdelay $0x1  }
0x69: {  	v2 =	vmul.f32 v2, v3;
	_ =	sdelay $0x1  }
0x6a: {  	v2 =	vsub.f32 $1.500000000e+00, v2;
	_ =	sdelay $0x1  }
0x6b: {  	v2 =	vmul.f32 v2, v3;
	_ =	sdelay $0x1  }
0x6c: {  	v3 =	vbroadcast v2, $0x0  }
0x6d: {  	s17 =	simm.s32 $0x5380;
	v55 =	vbroadcast v2, $0x1  }
0x6e: {  	v5 =	vbroadcast v2, $0x2;
	[tilespmem:s17+$0xFFFFFF80] =	vst v3  }
0x6f: {  	v56 =	vbroadcast v2, $0x4;
	[tilespmem:s17+$0xFFFFFF90] =	vst v55  }
0x70: {  	v57 =	vbroadcast v2, $0x5;
	[tilespmem:s17+$0xFFFFFFA0] =	vst v5  }
0x71: {  	v58 =	vbroadcast v2, $0x7;
	[tilespmem:s17+$0xFFFFFFC0] =	vst v56  }
0x72: {  	v59 =	vbroadcast v2, $0x8;
	[tilespmem:s17+$0xFFFFFFD0] =	vst v57  }
0x73: {  	v60 =	vbroadcast v2, $0xA;
	[tilespmem:s17+$0xFFFFFFF0] =	vst v58  }
0x74: {  	v3 =	vbroadcast v2, $0x3;
	[tilespmem:s17+$0x0] =	vst v59  }
0x75: {  	v61 =	vbroadcast v2, $0xB;
	[tilespmem:s17+$0x20] =	vst v60  }
0x76: {  	[tilespmem:s17+$0xFFFFFFB0] =	vst v3;
	v3 =	vbroadcast v2, $0x6  }
0x77: {  	v62 =	vbroadcast v2, $0xD;
	[tilespmem:s17+$0x30] =	vst v61  }
0x78: {  	[tilespmem:s17+$0xFFFFFFE0] =	vst v3;
	v3 =	vbroadcast v2, $0x9  }
0x79: {  	v63 =	vbroadcast v2, $0xE;
	[tilespmem:s17+$0x50] =	vst v62  }
0x7a: {  	[tilespmem:s17+$0x10] =	vst v3;
	v3 =	vbroadcast v2, $0xC  }
0x7b: {  	[tilespmem:s17+$0x60] =	vst v63;
	v2 =	vbroadcast v2, $0xF  }
0x7c: {  	[tilespmem:s17+$0x40] =	vst v3  }
0x7d: {  	s19 =	simm.s32 $0x10;
	s18 =	simm.s32 $0x80;
	[tilespmem:s17+$0x70] =	vst v2  }
.LBB2_4:
0x7e: {  	p0 =	sne.s32 s18, $0x4C0;
	v2 =	vld [tilespmem:s19+$0x5080];
	_ =	sdelay $0x4  }
0x7f: {  	v2 =	vadd.f32 $1.000000000e+00, v2;
	_ =	sdelay $0x1  }
0x80: {  	v3 =	vshrl.u32 v2, $0x1;
	v2 =	vmul.f32 $5.000000000e-01, v2  }
0x81: {  	v3 =	vsub.s32 $0x5F3759DF, v3  }
0x82: {  	v4 =	vmul.f32 v3, v2;
	_ =	sdelay $0x1  }
0x83: {  	v4 =	vmul.f32 v3, v4;
	_ =	sdelay $0x1  }
0x84: {  	v4 =	vsub.f32 $1.500000000e+00, v4;
	_ =	sdelay $0x1  }
0x85: {  	v3 =	vmul.f32 v3, v4;
	_ =	sdelay $0x1  }
0x86: {  	v4 =	vmul.f32 v3, v2;
	_ =	sdelay $0x1  }
0x87: {  	v4 =	vmul.f32 v4, v3;
	_ =	sdelay $0x1  }
0x88: {  	v4 =	vsub.f32 $1.500000000e+00, v4;
	_ =	sdelay $0x1  }
0x89: {  	v3 =	vmul.f32 v4, v3;
	_ =	sdelay $0x1  }
0x8a: {  	v2 =	vmul.f32 v3, v2;
	_ =	sdelay $0x1  }
0x8b: {  	v2 =	vmul.f32 v2, v3;
	_ =	sdelay $0x1  }
0x8c: {  	v2 =	vsub.f32 $1.500000000e+00, v2;
	_ =	sdelay $0x1  }
0x8d: {  	v2 =	vmul.f32 v2, v3;
	_ =	sdelay $0x1  }
0x8e: {  	v3 =	vbroadcast v2, $0x0;
	v4 =	vbroadcast v2, $0x1  }
0x8f: {  	s17 =	sadd.s32 $0x100, s17;
	v5 =	vbroadcast v2, $0x2;
	v6 =	vbroadcast v2, $0x3  }
0x90: {  	v7 =	vbroadcast v2, $0x5;
	[tilespmem:s17+$0xFFFFFF80] =	vst v3;
	v3 =	vbroadcast v2, $0x4  }
0x91: {  	v8 =	vbroadcast v2, $0x7;
	[tilespmem:s17+$0xFFFFFF90] =	vst v4;
	v4 =	vbroadcast v2, $0x6  }
0x92: {  	v9 =	vbroadcast v2, $0x9;
	[tilespmem:s17+$0xFFFFFFA0] =	vst v5;
	v5 =	vbroadcast v2, $0x8  }
0x93: {  	v10 =	vbroadcast v2, $0xB;
	[tilespmem:s17+$0xFFFFFFB0] =	vst v6;
	v6 =	vbroadcast v2, $0xA  }
0x94: {  	v11 =	vbroadcast v2, $0xD;
	[tilespmem:s17+$0xFFFFFFC0] =	vst v3;
	v3 =	vbroadcast v2, $0xC  }
0x95: {  	[tilespmem:s17+$0xFFFFFFD0] =	vst v7;
	v7 =	vbroadcast v2, $0xE;
	v2 =	vbroadcast v2, $0xF  }
0x96: {  	[tilespmem:s17+$0xFFFFFFE0] =	vst v4  }
0x97: {  	[tilespmem:s17+$0xFFFFFFF0] =	vst v8  }
0x98: {  	[tilespmem:s17+$0x0] =	vst v5  }
0x99: {  	[tilespmem:s17+$0x10] =	vst v9  }
0x9a: {  	[tilespmem:s17+$0x20] =	vst v6  }
.Ltmp1:
0x9b: {  	[tilespmem:s17+$0x30] =	vst v10;
	(pc) =	sbr.rel @p0 .LBB2_4-.Ltmp1, $4  }
0x9c: {  	[tilespmem:s17+$0x40] =	vst v3  }
0x9d: {  	[tilespmem:s17+$0x50] =	vst v11  }
0x9e: {  	[tilespmem:s17+$0x60] =	vst v7  }
0x9f: {  	s19 =	sshra.s32 s18, $0x2;
	s18 =	sadd.s32 $0x40, s18;
	[tilespmem:s17+$0x70] =	vst v2  }
0xa0: {  	v2 =	vld [tilespmem:s19+$0x5080];
	_ =	sdelay $0x4  }
0xa1: {  	v2 =	vadd.f32 $1.000000000e+00, v2;
	_ =	sdelay $0x1  }
0xa2: {  	v3 =	vshrl.u32 v2, $0x1;
	v2 =	vmul.f32 $5.000000000e-01, v2  }
0xa3: {  	v3 =	vsub.s32 $0x5F3759DF, v3  }
0xa4: {  	v4 =	vmul.f32 v3, v2;
	_ =	sdelay $0x1  }
0xa5: {  	v4 =	vmul.f32 v3, v4;
	_ =	sdelay $0x1  }
0xa6: {  	v4 =	vsub.f32 $1.500000000e+00, v4;
	_ =	sdelay $0x1  }
0xa7: {  	v3 =	vmul.f32 v3, v4;
	_ =	sdelay $0x1  }
0xa8: {  	v4 =	vmul.f32 v3, v2;
	_ =	sdelay $0x1  }
0xa9: {  	v4 =	vmul.f32 v4, v3;
	_ =	sdelay $0x1  }
0xaa: {  	v4 =	vsub.f32 $1.500000000e+00, v4;
	_ =	sdelay $0x1  }
0xab: {  	v3 =	vmul.f32 v4, v3;
	_ =	sdelay $0x1  }
0xac: {  	v2 =	vmul.f32 v3, v2;
	_ =	sdelay $0x1  }
0xad: {  	v2 =	vmul.f32 v2, v3;
	_ =	sdelay $0x1  }
0xae: {  	v2 =	vsub.f32 $1.500000000e+00, v2;
	_ =	sdelay $0x1  }
0xaf: {  	v2 =	vmul.f32 v2, v3;
	_ =	sdelay $0x1  }
0xb0: {  	v3 =	vbroadcast v2, $0x0  }
0xb1: {  	s17 =	sadd.s32 $0x100, s17;
	v55 =	vbroadcast v2, $0x1  }
0xb2: {  	v5 =	vbroadcast v2, $0x2;
	[tilespmem:s17+$0xFFFFFF80] =	vst v3  }
0xb3: {  	v56 =	vbroadcast v2, $0x4;
	[tilespmem:s17+$0xFFFFFF90] =	vst v55  }
0xb4: {  	v57 =	vbroadcast v2, $0x5;
	[tilespmem:s17+$0xFFFFFFA0] =	vst v5  }
0xb5: {  	v58 =	vbroadcast v2, $0x7;
	[tilespmem:s17+$0xFFFFFFC0] =	vst v56  }
0xb6: {  	v59 =	vbroadcast v2, $0x8;
	[tilespmem:s17+$0xFFFFFFD0] =	vst v57  }
0xb7: {  	v60 =	vbroadcast v2, $0xA;
	[tilespmem:s17+$0xFFFFFFF0] =	vst v58  }
0xb8: {  	v3 =	vbroadcast v2, $0x3;
	[tilespmem:s17+$0x0] =	vst v59  }
0xb9: {  	v61 =	vbroadcast v2, $0xB;
	[tilespmem:s17+$0x20] =	vst v60  }
0xba: {  	[tilespmem:s17+$0xFFFFFFB0] =	vst v3;
	v3 =	vbroadcast v2, $0x6  }
0xbb: {  	v62 =	vbroadcast v2, $0xD;
	[tilespmem:s17+$0x30] =	vst v61  }
0xbc: {  	[tilespmem:s17+$0xFFFFFFE0] =	vst v3;
	v3 =	vbroadcast v2, $0x9  }
0xbd: {  	v63 =	vbroadcast v2, $0xE;
	[tilespmem:s17+$0x50] =	vst v62  }
0xbe: {  	[tilespmem:s17+$0x10] =	vst v3;
	v3 =	vbroadcast v2, $0xC  }
0xbf: {  	s16 =	sadd.s32 $0x1, s16;
	[tilespmem:s17+$0x60] =	vst v63;
	v2 =	vbroadcast v2, $0xF  }
0xc0: {  	p0 =	sne.s32 s16, s9;
	[tilespmem:s17+$0x40] =	vst v3  }
.Ltmp2:
0xc1: {  	[tilespmem:s17+$0x70] =	vst v2;
	(pc) =	sbr.rel @p0 .LBB2_1-.Ltmp2, $4  }
0xc2: {  	[hbm4b:s8+s3] =	stream.linear.scatter [tilespmem:s15], [sflag:$0x1], $0x1400, $0x38;
	[tilespmem:$0x6980] =	vst v63  }
0xc3: {  	_ =	swait.ge [sflag:s11], $0x1400  }
0xc4: {  	[sflag:s11] =	ssyncset.done $0x0  }
0xc5: {  	[sflag:s11] =	ssyncadd.s32 $0xFFFFEC00  }
0xc6: {  	_ =	sfence.sel $0x180000  }
0xc7: {  	[bflag:$0x0] =	sbarrier.arrive $0xFFFF  }
0xc8: {  	p0 =	sne.s32 s0, $0x0;
	_ =	strace $0x90000047  }
0xc9: {  	s0 =	sadd.s32 @!p0 $0x100000, s1;
	[bflag:$0x2] =	sbarrier.arrive $0xFFFF  }
0xca: {  	[sflag:s0] =	ssyncadd.tile.s32 @!p0 $0x1;
	_ =	shalt  }
.Lfunc_end2:
_tile_overlayer_lowered:
.L_overlay_start_2:
0xcb: {  	(tag) =	ssettag $0x2  }
0xcc: {  	s0 =	rddreg [dreg:$0x0];
	s2 =	stileid.u32  }
0xcd: {  	s1 =	rddreg [dreg:$0x1];
	p0 =	sne.s32 s2, $0x0  }
0xce: {  	s3 =	rddreg [dreg:$0x2];
	[bflag:$0x3] =	sbarrier.arrive $0xFFFF;
	s2 =	simm.s32 @!p0 $0x1C01  }
0xcf: {  	[timem:s3], [sflag:s2] =	dma.local @!p0 [hbm:s0], s1  }
0xd0: {  	s0 =	simm.s32 @!p0 $0x1  }
0xd1: {  	_ =	swait.ge @!p0 [sflag:s0], s1  }
0xd2: {  	s1 =	ssub.s32 @!p0 $0x0, s1;
	[sflag:s0] =	ssyncset.done @!p0 $0x0  }
0xd3: {  	[sflag:s0] =	ssyncadd.s32 @!p0 s1  }
0xd4: {  	[bflag:$0x3] =	sbarrier.arrive $0xFFFF  }
0xd5: {  	_ =	shalt  }

// kernel: kernel.13.cloned.1.call-start
scs
__scs_entry_jumppad:
0x0: {  	(pc) =	sbr.rel $0x88, $3  }
0x1: {  	(tag) =	ssettag $0x0;
	lr =	simm.s32 $0x1  }
0x2: {  	[smem:$0x3F9B] =	sst lr;
	_ =	strace $0xD0000000  }
0x3: {  	_ = 	snop  }
0x4: {  	_ = 	snop  }
0x5: {  	_ = 	snop  }
0x6: {  	_ = 	snop  }
0x7: {  	_ = 	snop  }
__scs_overlays_trampoline_lowered:
0x8: {  	[smem:$0x3FAA] =	sst s0  }
0x9: {  	[smem:$0x3FAB] =	sst s1  }
0xa: {  	[smem:$0x3FAC] =	sst s2  }
0xb: {  	[smem:$0x3FAD] =	sst s3  }
0xc: {  	[smem:$0x3FAE] =	sst s4  }
0xd: {  	[smem:$0x3FAF] =	sst s5  }
0xe: {  	[smem:$0x3FB0] =	sst s6  }
0xf: {  	[smem:$0x3FB1] =	sst s7  }
0x10: {  	[smem:$0x3FB2] =	sst s8  }
0x11: {  	[smem:$0x3FB3] =	sst s9;
	s0 =	simm.s32 @!p0 $0x0  }
0x12: {  	s1 =	sld [smem:$0x3F99];
	s0 =	simm.s32 @p0 $0x1  }
0x13: {  	[smem:$0x3FB4] =	sst s0;
	s0 =	simm.s32 @!p1 $0x0  }
0x14: {  	s2 =	sld [smem:$0x3F98];
	s0 =	simm.s32 @p1 $0x1  }
0x15: {  	[smem:$0x3FB5] =	sst s0;
	s0 =	simm.s32 @!p2 $0x0  }
0x16: {  	s3 =	sld [smem:$0x3FDB];
	s0 =	simm.s32 @p2 $0x1  }
0x17: {  	s4 =	simm.s32 $0x1BF5;
	[smem:$0x3FB7] =	sst s0  }
0x18: {  	s0 =	sld [smem:$0x3F9A];
	_ =	swait.ge [sflag:s4], $0x0  }
0x19: {  	s7 =	sld [smem:$0x3F9B]  }
0x1a: {  	s8 =	sadd.s32 $0xFFFFE003, lr  }
0x1b: {  	s9 =	sadd.s32 $0xFFFFFEF7, lr;
	s5 =	simm.s32 $0xFFFFFFFF;
	p2 =	slt.u32 s8, $0xFFFFF086  }
0x1c: {  	p1 =	slt.u32 s9, $0xF7A;
	s5 =	simm.s32 @!p2 $0x0  }
0x1d: {  	s5 =	simm.s32 @p1 $0x1;
	p0 =	seq.s32 s7, s2  }
0x1e: {  	s7 =	smul.u32 @!p0 $0xF7A, s2;
	p2 =	seq.s32 @!p0 s5, $0x0  }
0x1f: {  	s9 =	smul.u32 $0xF7A, s1;
	s8 =	simm.s32 @!p0 $0x1BF5;
	p2 =	por !p2, p0  }
0x20: {  	[sflag:s8] =	ssyncset.s32 @!p0 $0xFFFFF086;
	s6 =	sadd.s32 @!p0 s3, s7;
	s7 =	simm.s32 @!p0 $0x108  }
0x21: {  	s3 =	sadd.s32 s3, s9;
	s6 =	sadd.s32 @!p0 $0x88, s6;
	s7 =	simm.s32 @p2 $0x1082  }
0x22: {  	[simem:s7], [sflag:s8] =	dma.local @!p0 [hbm:s6], $0xF7A  }
0x23: {  	s9 =	sor.u32 $0xD0000000, s2;
	s6 =	simm.s32 $0x108;
	_ =	swait.ge @!p0 [sflag:s8], $0x0  }
0x24: {  	s3 =	sadd.s32 $0x88, s3;
	s6 =	simm.s32 @!p1 $0x1082;
	[sflag:s4] =	ssyncset.s32 $0xFFFFF086  }
0x25: {  	[simem:s6], [sflag:s4] =	dma.local [hbm:s3], $0xF7A  }
0x26: {  	[smem:$0x3F9B] =	sst s1;
	(tag) =	ssettag s2;
	_ =	strace s9  }
0x27: {  	s1 =	sld [smem:$0x3FAB]  }
0x28: {  	s2 =	sld [smem:$0x3FAC]  }
0x29: {  	s4 =	sld [smem:$0x3FAE]  }
0x2a: {  	p0 =	seq.s32 s5, $0x0;
	s5 =	sld [smem:$0x3FAF]  }
0x2b: {  	s6 =	sld [smem:$0x3FB0]  }
0x2c: {  	s7 =	sld [smem:$0x3FB1]  }
0x2d: {  	s3 =	simm.s32 $0x108;
	s8 =	sld [smem:$0x3FB2]  }
0x2e: {  	s3 =	simm.s32 @!p0 $0x1082;
	s9 =	sld [smem:$0x3FB3]  }
0x2f: {  	lr =	sadd.s32 s0, s3;
	s0 =	sld [smem:$0x3FAA]  }
0x30: {  	s3 =	sld [smem:$0x3FAD]  }
0x31: {  	[smem:$0x3FB6] =	sst s10  }
0x32: {  	s10 =	sld [smem:$0x3FB4];
	_ =	sdelay $0x3  }
0x33: {  	p0 =	seq.s32 s10, $0x1;
	s10 =	sld [smem:$0x3FB6];
	_ =	sdelay $0x3  }
0x34: {  	[smem:$0x3FB6] =	sst s10  }
0x35: {  	s10 =	sld [smem:$0x3FB5];
	_ =	sdelay $0x3  }
0x36: {  	p1 =	seq.s32 s10, $0x1;
	s10 =	sld [smem:$0x3FB6];
	_ =	sdelay $0x3  }
0x37: {  	[smem:$0x3FB6] =	sst s10  }
0x38: {  	s10 =	sld [smem:$0x3FB7]  }
0x39: {  	_ = 	snop;
	(pc) =	sbr.ind lr, $3  }
0x3a: {  	_ = 	snop  }
0x3b: {  	_ = 	snop  }
0x3c: {  	p2 =	seq.s32 s10, $0x1;
	s10 =	sld [smem:$0x3FB6]  }
0x3d: {  	_ =	shalt  }
0x3e: {  	_ =	shalt  }
0x3f: {  	_ =	shalt  }
0x40: {  	_ =	shalt  }
0x41: {  	_ =	shalt  }
0x42: {  	_ =	shalt  }
0x43: {  	_ =	shalt  }
0x44: {  	_ =	shalt  }
0x45: {  	_ =	shalt  }
0x46: {  	_ =	shalt  }
0x47: {  	_ =	shalt  }
0x48: {  	_ =	shalt  }
0x49: {  	_ =	shalt  }
0x4a: {  	_ =	shalt  }
0x4b: {  	_ =	shalt  }
0x4c: {  	_ =	shalt  }
0x4d: {  	_ =	shalt  }
0x4e: {  	_ =	shalt  }
0x4f: {  	_ =	shalt  }
0x50: {  	_ =	shalt  }
0x51: {  	_ =	shalt  }
0x52: {  	_ =	shalt  }
0x53: {  	_ =	shalt  }
0x54: {  	_ =	shalt  }
0x55: {  	_ =	shalt  }
0x56: {  	_ =	shalt  }
0x57: {  	_ =	shalt  }
0x58: {  	_ =	shalt  }
0x59: {  	_ =	shalt  }
0x5a: {  	_ =	shalt  }
0x5b: {  	_ =	shalt  }
0x5c: {  	_ =	shalt  }
0x5d: {  	_ =	shalt  }
0x5e: {  	_ =	shalt  }
0x5f: {  	_ =	shalt  }
0x60: {  	_ =	shalt  }
0x61: {  	_ =	shalt  }
0x62: {  	_ =	shalt  }
0x63: {  	_ =	shalt  }
0x64: {  	_ =	shalt  }
0x65: {  	_ =	shalt  }
0x66: {  	_ =	shalt  }
0x67: {  	_ =	shalt  }
0x68: {  	_ =	shalt  }
0x69: {  	_ =	shalt  }
0x6a: {  	_ =	shalt  }
0x6b: {  	_ =	shalt  }
0x6c: {  	_ =	shalt  }
0x6d: {  	_ =	shalt  }
0x6e: {  	_ =	shalt  }
0x6f: {  	_ =	shalt  }
0x70: {  	_ =	shalt  }
0x71: {  	_ =	shalt  }
0x72: {  	_ =	shalt  }
0x73: {  	_ =	shalt  }
0x74: {  	_ =	shalt  }
0x75: {  	_ =	shalt  }
0x76: {  	_ =	shalt  }
0x77: {  	_ =	shalt  }
0x78: {  	_ =	shalt  }
0x79: {  	_ =	shalt  }
0x7a: {  	_ =	shalt  }
0x7b: {  	_ =	shalt  }
0x7c: {  	_ =	shalt  }
0x7d: {  	_ =	shalt  }
0x7e: {  	_ =	shalt  }
0x7f: {  	_ =	shalt  }
0x80: {  	_ =	shalt  }
0x81: {  	_ =	shalt  }
0x82: {  	_ =	shalt  }
0x83: {  	_ =	shalt  }
0x84: {  	_ =	shalt  }
0x85: {  	_ =	shalt  }
0x86: {  	_ =	shalt  }
0x87: {  	_ =	shalt  }
.Lfunc_end0:
.L_simem_size_0:
called_computation.1_lowered:
.L_overlay_start_0:
0x88: {  	s2 =	sld [smem:$0x3FD9]  }
0x89: {  	s3 =	sld [smem:$0x3FFE];
	_ =	sdelay $0x1  }
0x8a: {  	s1 =	srdreg.scid  }
0x8b: {  	s0 =	sand.u32 $0x1, s1  }
0x8c: {  	s17 =	sshll.u32 s0, $0xA;
	s2 =	sadd.s32 s3, s2  }
0x8d: {  	s2 =	sadd.s32 s2, s17  }
0x8e: {  	[smem:$0x3FC2] =	sst s2  }
0x8f: {  	_ = 	snop  }
0x90: {  	s2 =	sld [smem:$0x3FD0];
	(tm) =	ssettm $0x1  }
0x91: {  	s18 =	sld [smem:$0x3FFB];
	_ =	sdelay $0x3  }
0x92: {  	_ =	strace s18  }
0x93: {  	s3 =	sld [smem:$0x3FFC];
	_ =	sdelay $0x3  }
0x94: {  	_ =	strace s3  }
0x95: {  	s3 =	sld [smem:$0x3FFD];
	_ =	sdelay $0x3  }
0x96: {  	_ =	strace s3  }
0x97: {  	_ =	strace $0x8FFFFFFF  }
0x98: {  	s19 =	sld [smem:$0x3FDB];
	_ =	sdelay $0x1  }
0x99: {  	s4 =	simm.s32 $_scs_section_size  }
0x9a: {  	s5 =	simm.s32 $_size__tile_overlayer_lowered;
	s6 =	simm.s32 $_tile_overlayer_lowered  }
0x9b: {  	s22 =	simm.s32 $0x1BFF;
	s21 =	sshll.u32 s6, $0x1;
	s3 =	sadd.s32 s4, s19  }
0x9c: {  	s7 =	simm.s32 $0x0;
	s20 =	sshll.u32 s5, $0x1;
	s5 =	sadd.s32 s21, s3  }
0x9d: {  	[timem:s7], [sflag:s22] =	dma.local [hbm:s5], s20  }
0x9e: {  	_ =	swait.ge [sflag:s22], s20  }
0x9f: {  	s4 =	ssub.s32 $0x0, s20;
	[sflag:s22] =	ssyncset.done $0x0  }
0xa0: {  	[sflag:s22] =	ssyncadd.s32 s4;
	_ =	sdelay $0x1  }
0xa1: {  	s23 =	simm.s32 $0x1B8B  }
0xa2: {  	_ =	swait.ge [sflag:s23], $0x1  }
0xa3: {  	[sflag:s23] =	ssyncset.done $0x0  }
0xa4: {  	s25 =	simm.s32 $0x1B8E;
	s24 =	sld [smem:$0x3FFE];
	[sflag:s23] =	ssyncadd.s32 $0xFFFFFFFF  }
0xa5: {  	s26 =	simm.s32 $execute0_lowered;
	[smem:$0x3FD2] =	sst s25  }
0xa6: {  	s5 =	sshll.u32 s26, $0x1;
	_ =	strace $0x80000049;
	[dreg:$0x1] =	wrdreg $0xFFFFFFFF  }
0xa7: {  	s28 =	simm.s32 $_size_execute0_lowered;
	s3 =	sadd.s32 s3, s5;
	[dreg:$0x0] =	wrdreg $0x0  }
0xa8: {  	s5 =	sshll.u32 s28, $0x1;
	[dreg:$0x2] =	wrdreg s3  }
0xa9: {  	[dreg:$0x3] =	wrdreg s5  }
0xaa: {  	[dreg:$0x4] =	wrdreg $0xC0  }
0xab: {  	_ =	task [dreg:s7], $0x5FFFF  }
0xac: {  	[dreg:$0x1] =	wrdreg $0xFFFFFFFF  }
0xad: {  	[dreg:$0x0] =	wrdreg $0x60  }
0xae: {  	[dreg:$0x2] =	wrdreg s24  }
0xaf: {  	[dreg:$0x3] =	wrdreg s2  }
0xb0: {  	[dreg:$0x4] =	wrdreg $0xDE800  }
0xb1: {  	[dreg:$0x5] =	wrdreg $0xB6800  }
0xb2: {  	[dreg:$0x6] =	wrdreg $0x9  }
0xb3: {  	_ =	task.clear_ibuf [dreg:s7], $0x7FFFF;
	_ =	strace $0x90000049  }
0xb4: {  	s29 =	simm.s32 $0x9;
	_ =	strace $0x8000004B  }
0xb5: {  	_ =	swait.ge [sflag:s29], $0x1  }
0xb6: {  	[sflag:s29] =	ssyncadd.s32 $0xFFFFFFFF  }
0xb7: {  	_ =	strace $0x9000004B  }
0xb8: {  	_ =	sfence  }
0xb9: {  	s30 =	sld [smem:$0x0];
	_ =	sdelay $0x2  }
0xba: {  	s31 =	sshll.u32 s1, $0xD;
	s1 =	sshrl.u32 s1, $0x2  }
0xbb: {  	s3 =	sand.u32 $0x4000, s31;
	s1 =	sadd.s32 s1, s30  }
0xbc: {  	s0 =	sor.u32 s3, s0;
	s1 =	sshll.u32 s1, $0x11  }
0xbd: {  	s0 =	sor.u32 s1, s0  }
0xbe: {  	s0 =	sadd.s32 $0x8F2B, s0  }
0xbf: {  	[sflag:s0] =	ssyncadd.remote.s32 $0x1  }
0xc0: {  	_ =	sfence.sel $0xFFFF  }
0xc1: {  	[dreg:$0x0] =	wrdreg $0xFFFFFFFF;
	(pc) =	sbr.abs _section_cstart, $3  }
0xc2: {  	[dreg:$0x1] =	wrdreg $0xFFFFFFFF  }
0xc3: {  	_ =	task.clear_ibuf [dreg:s7], $0x2FFFF;
	_ =	strace $0x9FFFFFFF  }
0xc4: {  	(tm) =	ssettm $0x7FFFFFFF  }
0xc5: {  	_ =	shalt  }
tec
execute0_lowered:
.L_overlay_start_1:
0x0: {  	(tag) =	ssettag $0x1  }
0x1: {  	s0 =	rddreg [dreg:$0x0]  }
0x2: {  	s1 =	rddreg [dreg:$0x1]  }
0x3: {  	s2 =	rddreg [dreg:$0x2]  }
0x4: {  	s3 =	rddreg [dreg:$0x3];
	s7 =	simm.s32 $0x0  }
0x5: {  	s9 =	stileid.u32;
	s4 =	srdreg.scid;
	s13 =	simm.s32 $0x9  }
0x6: {  	s14 =	simm.s32 $0x8E80;
	s16 =	simm.s32 $0x7D;
	s17 =	simm.s32 $0x5000  }
0x7: {  	s18 =	simm.s32 $0x57D0;
	s19 =	simm.s32 $0x5FA0;
	s20 =	simm.s32 $0x6770  }
0x8: {  	s21 =	simm.s32 $0x6F40;
	s22 =	simm.s32 $0x7710;
	s28 =	simm.s32 $0x3  }
0x9: {  	s29 =	simm.s32 $0x4;
	s30 =	simm.s32 $0x5;
	s31 =	simm.s32 $0x6  }
0xa: {  	s5 =	smul.u32 $0x2800, s9;
	s4 =	sand.u32 $0x1, s4;
	s6 =	sshll.u32 s9, $0x1  }
0xb: {  	[smem:$0x7FF] =	sst s7;
	s25 =	sshll.u32 s9, $0x6;
	s6 =	sor.u32 s4, s6  }
0xc: {  	s8 =	ssub.s32 $0x2, s4;
	_ =	strace $0x8000004A;
	s7 =	sor.u32 $0x1C09, s25  }
0xd: {  	p0 =	seq.s32 s4, $0x1;
	s4 =	simm.s32 $0x16E00;
	s25 =	simm.s32 $0x1  }
0xe: {  	s23 =	sshrl.u32 s5, $0x3;
	s6 =	smul.u32 $0x500, s6;
	s24 =	sshrl.u32 s8, $0x1  }
0xf: {  	s12 =	sadd.s32 s5, s2;
	[dreg:$0x6] =	wrdreg s7;
	s7 =	sadd.s32 s5, s3  }
0x10: {  	s4 =	simm.s32 @!p0 $0x11E00;
	s11 =	sadd.s32 s23, s0;
	s8 =	ssub.s32 s8, s24  }
0x11: {  	s12 =	sshrl.u32 s12, $0x3;
	s23 =	simm.s32 $0x7EE0;
	s24 =	simm.s32 $0x86B0  }
0x12: {  	s0 =	sadd.s32 s6, s0;
	s26 =	sadd.s32 $0x2E00, s11;
	s9 =	sadd.s32 s1, s6  }
0x13: {  	s10 =	smax.u32 s8, $0x1;
	s11 =	sadd.s32 s4, s11;
	s1 =	simm.s32 $0x8  }
0x14: {  	s4 =	simm.s32 $0x0;
	[dreg:$0x5] =	wrdreg s26;
	s0 =	sadd.s32 $0x7E00, s0  }
0x15: {  	v0 =	vimm.f32 $0.0e+00;
	s26 =	simm.s32 $0x2;
	[dreg:$0x7] =	wrdreg s0;
	s0 =	simm.s32 $0x7  }
.LBB2_1:
0x16: {  	s5 =	simm.s32 $0x40;
	s6 =	simm.s32 $0x0  }
.LBB2_2:
0x17: {  	p0 =	sne.s32 s5, $0x9FC0;
	[tilespmem:s6+$0x8E80] =	vst v0;
	s6 =	smov.u32 s5;
	s5 =	sadd.s32 $0x40, s5  }
.Ltmp0:
0x18: {  	(pc) =	sbr.rel @p0 .LBB2_2-.Ltmp0, $2  }
0x19: {  	_ =	sdelay $0x2  }
0x1a: {  	s6 =	sshra.s32 s6, $0x2  }
0x1b: {  	s5 =	rddreg [dreg:$0x5]  }
0x1c: {  	[tilespmem:s6+$0x8E80] =	vst v0;
	s8 =	rddreg [dreg:$0x6]  }
0x1d: {  	[spmem:s12], [sflag:s8] =	dma.local [hbm:s5], $0x500  }
0x1e: {  	_ =	swait.ge [sflag:s13], $0x500  }
0x1f: {  	[sflag:s13] =	ssyncset.done $0x0  }
0x20: {  	[sflag:s13] =	ssyncadd.s32 $0xFFFFFB00  }
0x21: {  	[spmem:s7] =	stream.linear.scatter [tilespmem:s14], [sflag:$0x9], $0x2800, $0x38;
	[tilespmem:$0x10680] =	vst v63  }
0x22: {  	_ =	swait.ge [sflag:s13], $0x2800  }
0x23: {  	[sflag:s13] =	ssyncset.done $0x0  }
0x24: {  	s5 =	simm.s32 $0x0;
	s15 =	rddreg [dreg:$0x7];
	[sflag:s13] =	ssyncadd.s32 $0xFFFFD800  }
0x25: {  	[tilespmem:s5], [sflag:$0x9] =	stream.linear.gather [hbm4b:s15+s5], $0x2800, $0x38;
	[tilespmem:$0x10680] =	vst v63  }
0x26: {  	_ =	swait.ge [sflag:s13], $0x2800  }
0x27: {  	[sflag:s13] =	ssyncset.done $0x0  }
0x28: {  	s8 =	simm.s32 $0x2800;
	[sflag:s13] =	ssyncadd.s32 $0xFFFFD800  }
0x29: {  	[tilespmem:s8], [sflag:$0x9] =	stream.linear.gather [hbm4b:s9+s5], $0x2800, $0x38;
	[tilespmem:$0x10680] =	vst v63  }
0x2a: {  	_ =	swait.ge [sflag:s13], $0x2800  }
0x2b: {  	[sflag:s13] =	ssyncset.done $0x0  }
0x2c: {  	[sflag:s13] =	ssyncadd.s32 $0xFFFFD800  }
0x2d: {  	s15 =	simm.s32 $0x0;
	[bflag:$0x0] =	sbarrier.arrive $0xFFFF  }
0x2e: {  	[tilespmem:s17], [sflag:$0x1] =	stream.indirect.gather [spmem:s2], $0x10, s15, s16, $0xb8;
	[tilespmem:$0x10680] =	vst v63  }
0x2f: {  	s6 =	simm.s32 $0x80  }
0x30: {  	[tilespmem:s18], [sflag:$0x2] =	stream.indirect.gather [spmem:s2], $0x10, s6, s16, $0xb8;
	[tilespmem:$0x10680] =	vst v63  }
0x31: {  	s8 =	simm.s32 $0x100  }
0x32: {  	[tilespmem:s19], [sflag:$0x3] =	stream.indirect.gather [spmem:s2], $0x10, s8, s16, $0xb8;
	[tilespmem:$0x10680] =	vst v63  }
0x33: {  	s15 =	simm.s32 $0x180  }
0x34: {  	[tilespmem:s20], [sflag:$0x4] =	stream.indirect.gather [spmem:s2], $0x10, s15, s16, $0xb8;
	[tilespmem:$0x10680] =	vst v63  }
0x35: {  	s6 =	simm.s32 $0x200  }
0x36: {  	[tilespmem:s21], [sflag:$0x5] =	stream.indirect.gather [spmem:s2], $0x10, s6, s16, $0xb8;
	[tilespmem:$0x10680] =	vst v63  }
0x37: {  	s8 =	simm.s32 $0x280  }
0x38: {  	[tilespmem:s22], [sflag:$0x6] =	stream.indirect.gather [spmem:s2], $0x10, s8, s16, $0xb8;
	[tilespmem:$0x10680] =	vst v63  }
0x39: {  	s15 =	simm.s32 $0x300  }
0x3a: {  	[tilespmem:s23], [sflag:$0x7] =	stream.indirect.gather [spmem:s2], $0x10, s15, s16, $0xb8;
	[tilespmem:$0x10680] =	vst v63  }
0x3b: {  	s6 =	simm.s32 $0x380  }
0x3c: {  	[tilespmem:s24], [sflag:$0x8] =	stream.indirect.gather [spmem:s2], $0x10, s6, s16, $0xb8;
	[tilespmem:$0x10680] =	vst v63  }
0x3d: {  	_ =	swait.ge [sflag:s25], $0x7D0  }
0x3e: {  	[sflag:s25] =	ssyncset.done $0x0  }
0x3f: {  	s8 =	simm.s32 $0x2800;
	[sflag:s25] =	ssyncadd.s32 $0xFFFFF830  }
0x40: {  	[spmem:s3] =	stream.indirect.scatter.add.f32 [tilespmem:s17], [sflag:$0x9], $0x10, s8, s16, $0xb8;
	[tilespmem:$0x10680] =	vst v63  }
0x41: {  	_ =	swait.ge [sflag:s13], $0x7D0  }
0x42: {  	[sflag:s13] =	ssyncset.done $0x0  }
0x43: {  	[sflag:s13] =	ssyncadd.s32 $0xFFFFF830  }
0x44: {  	_ =	swait.ge [sflag:s26], $0x7D0  }
0x45: {  	[sflag:s26] =	ssyncset.done $0x0  }
0x46: {  	s15 =	simm.s32 $0x2880;
	[sflag:s26] =	ssyncadd.s32 $0xFFFFF830  }
0x47: {  	[spmem:s3] =	stream.indirect.scatter.add.f32 [tilespmem:s18], [sflag:$0x9], $0x10, s15, s16, $0xb8;
	[tilespmem:$0x10680] =	vst v63  }
0x48: {  	_ =	swait.ge [sflag:s13], $0x7D0  }
0x49: {  	[sflag:s13] =	ssyncset.done $0x0  }
0x4a: {  	[sflag:s13] =	ssyncadd.s32 $0xFFFFF830  }
0x4b: {  	_ =	swait.ge [sflag:s28], $0x7D0  }
0x4c: {  	[sflag:s28] =	ssyncset.done $0x0  }
0x4d: {  	s6 =	simm.s32 $0x2900;
	[sflag:s28] =	ssyncadd.s32 $0xFFFFF830  }
0x4e: {  	[spmem:s3] =	stream.indirect.scatter.add.f32 [tilespmem:s19], [sflag:$0x9], $0x10, s6, s16, $0xb8;
	[tilespmem:$0x10680] =	vst v63  }
0x4f: {  	_ =	swait.ge [sflag:s13], $0x7D0  }
0x50: {  	[sflag:s13] =	ssyncset.done $0x0  }
0x51: {  	[sflag:s13] =	ssyncadd.s32 $0xFFFFF830  }
0x52: {  	_ =	swait.ge [sflag:s29], $0x7D0  }
0x53: {  	[sflag:s29] =	ssyncset.done $0x0  }
0x54: {  	s8 =	simm.s32 $0x2980;
	[sflag:s29] =	ssyncadd.s32 $0xFFFFF830  }
0x55: {  	[spmem:s3] =	stream.indirect.scatter.add.f32 [tilespmem:s20], [sflag:$0x9], $0x10, s8, s16, $0xb8;
	[tilespmem:$0x10680] =	vst v63  }
0x56: {  	_ =	swait.ge [sflag:s13], $0x7D0  }
0x57: {  	[sflag:s13] =	ssyncset.done $0x0  }
0x58: {  	[sflag:s13] =	ssyncadd.s32 $0xFFFFF830  }
0x59: {  	_ =	swait.ge [sflag:s30], $0x7D0  }
0x5a: {  	[sflag:s30] =	ssyncset.done $0x0  }
0x5b: {  	s15 =	simm.s32 $0x2A00;
	[sflag:s30] =	ssyncadd.s32 $0xFFFFF830  }
0x5c: {  	[spmem:s3] =	stream.indirect.scatter.add.f32 [tilespmem:s21], [sflag:$0x9], $0x10, s15, s16, $0xb8;
	[tilespmem:$0x10680] =	vst v63  }
0x5d: {  	_ =	swait.ge [sflag:s13], $0x7D0  }
0x5e: {  	[sflag:s13] =	ssyncset.done $0x0  }
0x5f: {  	[sflag:s13] =	ssyncadd.s32 $0xFFFFF830  }
0x60: {  	_ =	swait.ge [sflag:s31], $0x7D0  }
0x61: {  	[sflag:s31] =	ssyncset.done $0x0  }
0x62: {  	s6 =	simm.s32 $0x2A80;
	[sflag:s31] =	ssyncadd.s32 $0xFFFFF830  }
0x63: {  	[spmem:s3] =	stream.indirect.scatter.add.f32 [tilespmem:s22], [sflag:$0x9], $0x10, s6, s16, $0xb8;
	[tilespmem:$0x10680] =	vst v63  }
0x64: {  	_ =	swait.ge [sflag:s13], $0x7D0  }
0x65: {  	[sflag:s13] =	ssyncset.done $0x0  }
0x66: {  	[sflag:s13] =	ssyncadd.s32 $0xFFFFF830  }
0x67: {  	_ =	swait.ge [sflag:s0], $0x7D0  }
0x68: {  	[sflag:s0] =	ssyncset.done $0x0  }
0x69: {  	s8 =	simm.s32 $0x2B00;
	[sflag:s0] =	ssyncadd.s32 $0xFFFFF830  }
0x6a: {  	[spmem:s3] =	stream.indirect.scatter.add.f32 [tilespmem:s23], [sflag:$0x9], $0x10, s8, s16, $0xb8;
	[tilespmem:$0x10680] =	vst v63  }
0x6b: {  	_ =	swait.ge [sflag:s13], $0x7D0  }
0x6c: {  	[sflag:s13] =	ssyncset.done $0x0  }
0x6d: {  	[sflag:s13] =	ssyncadd.s32 $0xFFFFF830  }
0x6e: {  	_ =	swait.ge [sflag:s1], $0x7D0  }
0x6f: {  	[sflag:s1] =	ssyncset.done $0x0  }
0x70: {  	s15 =	simm.s32 $0x2B80;
	[sflag:s1] =	ssyncadd.s32 $0xFFFFF830  }
0x71: {  	[spmem:s3] =	stream.indirect.scatter.add.f32 [tilespmem:s24], [sflag:$0x9], $0x10, s15, s16, $0xb8;
	[tilespmem:$0x10680] =	vst v63  }
0x72: {  	_ =	swait.ge [sflag:s13], $0x7D0  }
0x73: {  	s5 =	simm.s32 $0x2000;
	s15 =	simm.s32 $0x1000;
	[sflag:s13] =	ssyncset.done $0x0  }
.LBB2_4:
0x74: {  	s6 =	sshra.s32 s15, $0x2  }
0x75: {  	[sflag:s13] =	ssyncadd.s32 $0xFFFFF830;
	s15 =	smov.u32 s5;
	s8 =	sadd.s32 $0x1000, s5  }
0x76: {  	[tilespmem:s17], [sflag:$0x1] =	stream.indirect.gather [spmem:s2], $0x10, s6, s16, $0xb8;
	[tilespmem:$0x10680] =	vst v63  }
0x77: {  	p0 =	sne.s32 s5, $0x9000;
	s5 =	sadd.s32 $0x80, s6  }
0x78: {  	[tilespmem:s18], [sflag:$0x2] =	stream.indirect.gather [spmem:s2], $0x10, s5, s16, $0xb8;
	[tilespmem:$0x10680] =	vst v63  }
0x79: {  	s5 =	sadd.s32 $0x100, s6  }
0x7a: {  	[tilespmem:s19], [sflag:$0x3] =	stream.indirect.gather [spmem:s2], $0x10, s5, s16, $0xb8;
	[tilespmem:$0x10680] =	vst v63  }
0x7b: {  	s5 =	sadd.s32 $0x180, s6  }
0x7c: {  	[tilespmem:s20], [sflag:$0x4] =	stream.indirect.gather [spmem:s2], $0x10, s5, s16, $0xb8;
	[tilespmem:$0x10680] =	vst v63  }
0x7d: {  	s5 =	sadd.s32 $0x200, s6  }
0x7e: {  	[tilespmem:s21], [sflag:$0x5] =	stream.indirect.gather [spmem:s2], $0x10, s5, s16, $0xb8;
	[tilespmem:$0x10680] =	vst v63  }
0x7f: {  	s5 =	sadd.s32 $0x280, s6  }
0x80: {  	[tilespmem:s22], [sflag:$0x6] =	stream.indirect.gather [spmem:s2], $0x10, s5, s16, $0xb8;
	[tilespmem:$0x10680] =	vst v63  }
0x81: {  	s5 =	sadd.s32 $0x300, s6  }
0x82: {  	[tilespmem:s23], [sflag:$0x7] =	stream.indirect.gather [spmem:s2], $0x10, s5, s16, $0xb8;
	[tilespmem:$0x10680] =	vst v63  }
0x83: {  	s5 =	sadd.s32 $0x380, s6  }
0x84: {  	[tilespmem:s24], [sflag:$0x8] =	stream.indirect.gather [spmem:s2], $0x10, s5, s16, $0xb8;
	[tilespmem:$0x10680] =	vst v63  }
0x85: {  	_ =	swait.ge [sflag:s25], $0x7D0  }
0x86: {  	[sflag:s25] =	ssyncset.done $0x0  }
0x87: {  	s5 =	sadd.s32 $0x2800, s6;
	[sflag:s25] =	ssyncadd.s32 $0xFFFFF830  }
0x88: {  	[spmem:s3] =	stream.indirect.scatter.add.f32 [tilespmem:s17], [sflag:$0x9], $0x10, s5, s16, $0xb8;
	[tilespmem:$0x10680] =	vst v63  }
0x89: {  	_ =	swait.ge [sflag:s13], $0x7D0  }
0x8a: {  	[sflag:s13] =	ssyncset.done $0x0  }
0x8b: {  	[sflag:s13] =	ssyncadd.s32 $0xFFFFF830  }
0x8c: {  	_ =	swait.ge [sflag:s26], $0x7D0  }
0x8d: {  	[sflag:s26] =	ssyncset.done $0x0  }
0x8e: {  	s5 =	sadd.s32 $0x2880, s6;
	[sflag:s26] =	ssyncadd.s32 $0xFFFFF830  }
0x8f: {  	[spmem:s3] =	stream.indirect.scatter.add.f32 [tilespmem:s18], [sflag:$0x9], $0x10, s5, s16, $0xb8;
	[tilespmem:$0x10680] =	vst v63  }
0x90: {  	_ =	swait.ge [sflag:s13], $0x7D0  }
0x91: {  	[sflag:s13] =	ssyncset.done $0x0  }
0x92: {  	[sflag:s13] =	ssyncadd.s32 $0xFFFFF830  }
0x93: {  	_ =	swait.ge [sflag:s28], $0x7D0  }
0x94: {  	[sflag:s28] =	ssyncset.done $0x0  }
0x95: {  	s5 =	sadd.s32 $0x2900, s6;
	[sflag:s28] =	ssyncadd.s32 $0xFFFFF830  }
0x96: {  	[spmem:s3] =	stream.indirect.scatter.add.f32 [tilespmem:s19], [sflag:$0x9], $0x10, s5, s16, $0xb8;
	[tilespmem:$0x10680] =	vst v63  }
0x97: {  	_ =	swait.ge [sflag:s13], $0x7D0  }
0x98: {  	[sflag:s13] =	ssyncset.done $0x0  }
0x99: {  	[sflag:s13] =	ssyncadd.s32 $0xFFFFF830  }
0x9a: {  	_ =	swait.ge [sflag:s29], $0x7D0  }
0x9b: {  	[sflag:s29] =	ssyncset.done $0x0  }
0x9c: {  	s5 =	sadd.s32 $0x2980, s6;
	[sflag:s29] =	ssyncadd.s32 $0xFFFFF830  }
0x9d: {  	[spmem:s3] =	stream.indirect.scatter.add.f32 [tilespmem:s20], [sflag:$0x9], $0x10, s5, s16, $0xb8;
	[tilespmem:$0x10680] =	vst v63  }
0x9e: {  	_ =	swait.ge [sflag:s13], $0x7D0  }
0x9f: {  	[sflag:s13] =	ssyncset.done $0x0  }
0xa0: {  	[sflag:s13] =	ssyncadd.s32 $0xFFFFF830  }
0xa1: {  	_ =	swait.ge [sflag:s30], $0x7D0  }
0xa2: {  	[sflag:s30] =	ssyncset.done $0x0  }
0xa3: {  	s5 =	sadd.s32 $0x2A00, s6;
	[sflag:s30] =	ssyncadd.s32 $0xFFFFF830  }
0xa4: {  	[spmem:s3] =	stream.indirect.scatter.add.f32 [tilespmem:s21], [sflag:$0x9], $0x10, s5, s16, $0xb8;
	[tilespmem:$0x10680] =	vst v63  }
0xa5: {  	_ =	swait.ge [sflag:s13], $0x7D0  }
0xa6: {  	[sflag:s13] =	ssyncset.done $0x0  }
0xa7: {  	[sflag:s13] =	ssyncadd.s32 $0xFFFFF830  }
0xa8: {  	_ =	swait.ge [sflag:s31], $0x7D0  }
0xa9: {  	[sflag:s31] =	ssyncset.done $0x0  }
0xaa: {  	s5 =	sadd.s32 $0x2A80, s6;
	[sflag:s31] =	ssyncadd.s32 $0xFFFFF830  }
0xab: {  	[spmem:s3] =	stream.indirect.scatter.add.f32 [tilespmem:s22], [sflag:$0x9], $0x10, s5, s16, $0xb8;
	[tilespmem:$0x10680] =	vst v63  }
0xac: {  	_ =	swait.ge [sflag:s13], $0x7D0  }
0xad: {  	[sflag:s13] =	ssyncset.done $0x0  }
0xae: {  	[sflag:s13] =	ssyncadd.s32 $0xFFFFF830  }
0xaf: {  	_ =	swait.ge [sflag:s0], $0x7D0  }
0xb0: {  	[sflag:s0] =	ssyncset.done $0x0  }
0xb1: {  	s5 =	sadd.s32 $0x2B00, s6;
	[sflag:s0] =	ssyncadd.s32 $0xFFFFF830  }
0xb2: {  	[spmem:s3] =	stream.indirect.scatter.add.f32 [tilespmem:s23], [sflag:$0x9], $0x10, s5, s16, $0xb8;
	[tilespmem:$0x10680] =	vst v63  }
0xb3: {  	_ =	swait.ge [sflag:s13], $0x7D0  }
0xb4: {  	[sflag:s13] =	ssyncset.done $0x0  }
0xb5: {  	[sflag:s13] =	ssyncadd.s32 $0xFFFFF830  }
0xb6: {  	_ =	swait.ge [sflag:s1], $0x7D0  }
.Ltmp1:
0xb7: {  	[sflag:s1] =	ssyncset.done $0x0;
	(pc) =	sbr.rel @p0 .LBB2_4-.Ltmp1, $4  }
0xb8: {  	s5 =	sadd.s32 $0x2B80, s6;
	[sflag:s1] =	ssyncadd.s32 $0xFFFFF830  }
0xb9: {  	[spmem:s3] =	stream.indirect.scatter.add.f32 [tilespmem:s24], [sflag:$0x9], $0x10, s5, s16, $0xb8;
	[tilespmem:$0x10680] =	vst v63  }
0xba: {  	_ =	swait.ge [sflag:s13], $0x7D0  }
0xbb: {  	s5 =	smov.u32 s8;
	[sflag:s13] =	ssyncset.done $0x0  }
0xbc: {  	s5 =	sshra.s32 s15, $0x2;
	[sflag:s13] =	ssyncadd.s32 $0xFFFFF830  }
0xbd: {  	[tilespmem:s17], [sflag:$0x1] =	stream.indirect.gather [spmem:s2], $0x10, s5, s16, $0xb8;
	[tilespmem:$0x10680] =	vst v63  }
0xbe: {  	s6 =	sadd.s32 $0x80, s5  }
0xbf: {  	[tilespmem:s18], [sflag:$0x2] =	stream.indirect.gather [spmem:s2], $0x10, s6, s16, $0xb8;
	[tilespmem:$0x10680] =	vst v63  }
0xc0: {  	s8 =	sadd.s32 $0x100, s5  }
0xc1: {  	[tilespmem:s19], [sflag:$0x3] =	stream.indirect.gather [spmem:s2], $0x10, s8, s16, $0xb8;
	[tilespmem:$0x10680] =	vst v63  }
0xc2: {  	s15 =	sadd.s32 $0x180, s5  }
0xc3: {  	[tilespmem:s20], [sflag:$0x4] =	stream.indirect.gather [spmem:s2], $0x10, s15, s16, $0xb8;
	[tilespmem:$0x10680] =	vst v63  }
0xc4: {  	s8 =	sadd.s32 $0x200, s5  }
0xc5: {  	[tilespmem:s21], [sflag:$0x5] =	stream.indirect.gather [spmem:s2], $0x10, s8, s16, $0xb8;
	[tilespmem:$0x10680] =	vst v63  }
0xc6: {  	s15 =	sadd.s32 $0x280, s5  }
0xc7: {  	[tilespmem:s22], [sflag:$0x6] =	stream.indirect.gather [spmem:s2], $0x10, s15, s16, $0xb8;
	[tilespmem:$0x10680] =	vst v63  }
0xc8: {  	s8 =	sadd.s32 $0x300, s5  }
0xc9: {  	[tilespmem:s23], [sflag:$0x7] =	stream.indirect.gather [spmem:s2], $0x10, s8, s16, $0xb8;
	[tilespmem:$0x10680] =	vst v63  }
0xca: {  	s15 =	sadd.s32 $0x380, s5  }
0xcb: {  	[tilespmem:s24], [sflag:$0x8] =	stream.indirect.gather [spmem:s2], $0x10, s15, s16, $0xb8;
	[tilespmem:$0x10680] =	vst v63  }
0xcc: {  	_ =	swait.ge [sflag:s25], $0x7D0  }
0xcd: {  	[sflag:s25] =	ssyncset.done $0x0  }
0xce: {  	s8 =	sadd.s32 $0x2800, s5;
	[sflag:s25] =	ssyncadd.s32 $0xFFFFF830  }
0xcf: {  	[spmem:s3] =	stream.indirect.scatter.add.f32 [tilespmem:s17], [sflag:$0x9], $0x10, s8, s16, $0xb8;
	[tilespmem:$0x10680] =	vst v63  }
0xd0: {  	_ =	swait.ge [sflag:s13], $0x7D0  }
0xd1: {  	[sflag:s13] =	ssyncset.done $0x0  }
0xd2: {  	[sflag:s13] =	ssyncadd.s32 $0xFFFFF830  }
0xd3: {  	_ =	swait.ge [sflag:s26], $0x7D0  }
0xd4: {  	[sflag:s26] =	ssyncset.done $0x0  }
0xd5: {  	s15 =	sadd.s32 $0x2880, s5;
	[sflag:s26] =	ssyncadd.s32 $0xFFFFF830  }
0xd6: {  	[spmem:s3] =	stream.indirect.scatter.add.f32 [tilespmem:s18], [sflag:$0x9], $0x10, s15, s16, $0xb8;
	[tilespmem:$0x10680] =	vst v63  }
0xd7: {  	_ =	swait.ge [sflag:s13], $0x7D0  }
0xd8: {  	[sflag:s13] =	ssyncset.done $0x0  }
0xd9: {  	[sflag:s13] =	ssyncadd.s32 $0xFFFFF830  }
0xda: {  	_ =	swait.ge [sflag:s28], $0x7D0  }
0xdb: {  	[sflag:s28] =	ssyncset.done $0x0  }
0xdc: {  	s8 =	sadd.s32 $0x2900, s5;
	[sflag:s28] =	ssyncadd.s32 $0xFFFFF830  }
0xdd: {  	[spmem:s3] =	stream.indirect.scatter.add.f32 [tilespmem:s19], [sflag:$0x9], $0x10, s8, s16, $0xb8;
	[tilespmem:$0x10680] =	vst v63  }
0xde: {  	_ =	swait.ge [sflag:s13], $0x7D0  }
0xdf: {  	[sflag:s13] =	ssyncset.done $0x0  }
0xe0: {  	[sflag:s13] =	ssyncadd.s32 $0xFFFFF830  }
0xe1: {  	_ =	swait.ge [sflag:s29], $0x7D0  }
0xe2: {  	[sflag:s29] =	ssyncset.done $0x0  }
0xe3: {  	s15 =	sadd.s32 $0x2980, s5;
	[sflag:s29] =	ssyncadd.s32 $0xFFFFF830  }
0xe4: {  	[spmem:s3] =	stream.indirect.scatter.add.f32 [tilespmem:s20], [sflag:$0x9], $0x10, s15, s16, $0xb8;
	[tilespmem:$0x10680] =	vst v63  }
0xe5: {  	_ =	swait.ge [sflag:s13], $0x7D0  }
0xe6: {  	[sflag:s13] =	ssyncset.done $0x0  }
0xe7: {  	[sflag:s13] =	ssyncadd.s32 $0xFFFFF830  }
0xe8: {  	_ =	swait.ge [sflag:s30], $0x7D0  }
0xe9: {  	[sflag:s30] =	ssyncset.done $0x0  }
0xea: {  	s8 =	sadd.s32 $0x2A00, s5;
	[sflag:s30] =	ssyncadd.s32 $0xFFFFF830  }
0xeb: {  	[spmem:s3] =	stream.indirect.scatter.add.f32 [tilespmem:s21], [sflag:$0x9], $0x10, s8, s16, $0xb8;
	[tilespmem:$0x10680] =	vst v63  }
0xec: {  	_ =	swait.ge [sflag:s13], $0x7D0  }
0xed: {  	[sflag:s13] =	ssyncset.done $0x0  }
0xee: {  	[sflag:s13] =	ssyncadd.s32 $0xFFFFF830  }
0xef: {  	_ =	swait.ge [sflag:s31], $0x7D0  }
0xf0: {  	[sflag:s31] =	ssyncset.done $0x0  }
0xf1: {  	s15 =	sadd.s32 $0x2A80, s5;
	[sflag:s31] =	ssyncadd.s32 $0xFFFFF830  }
0xf2: {  	[spmem:s3] =	stream.indirect.scatter.add.f32 [tilespmem:s22], [sflag:$0x9], $0x10, s15, s16, $0xb8;
	[tilespmem:$0x10680] =	vst v63  }
0xf3: {  	_ =	swait.ge [sflag:s13], $0x7D0  }
0xf4: {  	[sflag:s13] =	ssyncset.done $0x0  }
0xf5: {  	[sflag:s13] =	ssyncadd.s32 $0xFFFFF830  }
0xf6: {  	_ =	swait.ge [sflag:s0], $0x7D0  }
0xf7: {  	[sflag:s0] =	ssyncset.done $0x0  }
0xf8: {  	s8 =	sadd.s32 $0x2B00, s5;
	[sflag:s0] =	ssyncadd.s32 $0xFFFFF830  }
0xf9: {  	[spmem:s3] =	stream.indirect.scatter.add.f32 [tilespmem:s23], [sflag:$0x9], $0x10, s8, s16, $0xb8;
	[tilespmem:$0x10680] =	vst v63  }
0xfa: {  	_ =	swait.ge [sflag:s13], $0x7D0  }
0xfb: {  	[sflag:s13] =	ssyncset.done $0x0  }
0xfc: {  	[sflag:s13] =	ssyncadd.s32 $0xFFFFF830  }
0xfd: {  	_ =	swait.ge [sflag:s1], $0x7D0  }
0xfe: {  	[sflag:s1] =	ssyncset.done $0x0  }
0xff: {  	s5 =	sadd.s32 $0x2B80, s5;
	[sflag:s1] =	ssyncadd.s32 $0xFFFFF830  }
0x100: {  	[spmem:s3] =	stream.indirect.scatter.add.f32 [tilespmem:s24], [sflag:$0x9], $0x10, s5, s16, $0xb8;
	[tilespmem:$0x10680] =	vst v63  }
0x101: {  	_ =	swait.ge [sflag:s13], $0x7D0  }
0x102: {  	[sflag:s13] =	ssyncset.done $0x0  }
0x103: {  	[sflag:s13] =	ssyncadd.s32 $0xFFFFF830  }
0x104: {  	[bflag:$0x0] =	sbarrier.arrive $0xFFFF  }
0x105: {  	[tilespmem:s14], [sflag:$0x9] =	stream.linear.gather [spmem:s7], $0x2800, $0x38;
	[tilespmem:$0x10680] =	vst v63  }
0x106: {  	s4 =	sadd.s32 $0x1, s4;
	_ =	swait.ge [sflag:s13], $0x2800  }
0x107: {  	p0 =	sne.s32 s4, s10;
	[sflag:s13] =	ssyncset.done $0x0  }
.Ltmp2:
0x108: {  	s15 =	simm.s32 $0x0;
	[sflag:s13] =	ssyncadd.s32 $0xFFFFD800;
	(pc) =	sbr.rel @p0 .LBB2_1-.Ltmp2, $4  }
0x109: {  	[hbm4b:s11+s15] =	stream.linear.scatter [tilespmem:s14], [sflag:$0x9], $0x2800, $0x38;
	[tilespmem:$0x10680] =	vst v63  }
0x10a: {  	_ =	swait.ge [sflag:s13], $0x2800  }
0x10b: {  	[sflag:s13] =	ssyncset.done $0x0  }
0x10c: {  	[sflag:s13] =	ssyncadd.s32 $0xFFFFD800  }
0x10d: {  	_ =	sfence.sel $0x180000  }
0x10e: {  	[bflag:$0x0] =	sbarrier.arrive $0xFFFF  }
0x10f: {  	_ =	strace $0x9000004A  }
0x110: {  	s0 =	stileid.u32;
	[bflag:$0x2] =	sbarrier.arrive $0xFFFF  }
0x111: {  	p0 =	sne.s32 s0, $0x0;
	s0 =	rddreg [dreg:$0x4]  }
0x112: {  	s0 =	sadd.s32 @!p0 $0x100000, s0  }
0x113: {  	[sflag:s0] =	ssyncadd.tile.s32 @!p0 $0x1;
	_ =	shalt  }
.Lfunc_end2:
_tile_overlayer_lowered:
.L_overlay_start_2:
0x114: {  	(tag) =	ssettag $0x2  }
0x115: {  	s0 =	rddreg [dreg:$0x0];
	s2 =	stileid.u32  }
0x116: {  	s1 =	rddreg [dreg:$0x1];
	p0 =	sne.s32 s2, $0x0  }
0x117: {  	s3 =	rddreg [dreg:$0x2];
	[bflag:$0x3] =	sbarrier.arrive $0xFFFF;
	s2 =	simm.s32 @!p0 $0x1C09  }
0x118: {  	[timem:s3], [sflag:s2] =	dma.local @!p0 [hbm:s0], s1  }
0x119: {  	s0 =	simm.s32 @!p0 $0x9  }
0x11a: {  	_ =	swait.ge @!p0 [sflag:s0], s1  }
0x11b: {  	s1 =	ssub.s32 @!p0 $0x0, s1;
	[sflag:s0] =	ssyncset.done @!p0 $0x0  }
0x11c: {  	[sflag:s0] =	ssyncadd.s32 @!p0 s1  }
0x11d: {  	[bflag:$0x3] =	sbarrier.arrive $0xFFFF  }
0x11e: {  	_ =	shalt  }

// kernel: kernel.16.cloned.1.call-start
scs
__scs_entry_jumppad:
0x0: {  	(pc) =	sbr.rel $0x88, $3  }
0x1: {  	(tag) =	ssettag $0x0;
	lr =	simm.s32 $0x1  }
0x2: {  	[smem:$0x3F9B] =	sst lr;
	_ =	strace $0xD0000000  }
0x3: {  	_ = 	snop  }
0x4: {  	_ = 	snop  }
0x5: {  	_ = 	snop  }
0x6: {  	_ = 	snop  }
0x7: {  	_ = 	snop  }
__scs_overlays_trampoline_lowered:
0x8: {  	[smem:$0x3FAA] =	sst s0  }
0x9: {  	[smem:$0x3FAB] =	sst s1  }
0xa: {  	[smem:$0x3FAC] =	sst s2  }
0xb: {  	[smem:$0x3FAD] =	sst s3  }
0xc: {  	[smem:$0x3FAE] =	sst s4  }
0xd: {  	[smem:$0x3FAF] =	sst s5  }
0xe: {  	[smem:$0x3FB0] =	sst s6  }
0xf: {  	[smem:$0x3FB1] =	sst s7  }
0x10: {  	[smem:$0x3FB2] =	sst s8  }
0x11: {  	[smem:$0x3FB3] =	sst s9;
	s0 =	simm.s32 @!p0 $0x0  }
0x12: {  	s1 =	sld [smem:$0x3F99];
	s0 =	simm.s32 @p0 $0x1  }
0x13: {  	[smem:$0x3FB4] =	sst s0;
	s0 =	simm.s32 @!p1 $0x0  }
0x14: {  	s2 =	sld [smem:$0x3F98];
	s0 =	simm.s32 @p1 $0x1  }
0x15: {  	[smem:$0x3FB5] =	sst s0;
	s0 =	simm.s32 @!p2 $0x0  }
0x16: {  	s3 =	sld [smem:$0x3FDB];
	s0 =	simm.s32 @p2 $0x1  }
0x17: {  	s4 =	simm.s32 $0x1BF5;
	[smem:$0x3FB7] =	sst s0  }
0x18: {  	s0 =	sld [smem:$0x3F9A];
	_ =	swait.ge [sflag:s4], $0x0  }
0x19: {  	s7 =	sld [smem:$0x3F9B]  }
0x1a: {  	s8 =	sadd.s32 $0xFFFFE003, lr  }
0x1b: {  	s9 =	sadd.s32 $0xFFFFFEF7, lr;
	s5 =	simm.s32 $0xFFFFFFFF;
	p2 =	slt.u32 s8, $0xFFFFF086  }
0x1c: {  	p1 =	slt.u32 s9, $0xF7A;
	s5 =	simm.s32 @!p2 $0x0  }
0x1d: {  	s5 =	simm.s32 @p1 $0x1;
	p0 =	seq.s32 s7, s2  }
0x1e: {  	s7 =	smul.u32 @!p0 $0xF7A, s2;
	p2 =	seq.s32 @!p0 s5, $0x0  }
0x1f: {  	s9 =	smul.u32 $0xF7A, s1;
	s8 =	simm.s32 @!p0 $0x1BF5;
	p2 =	por !p2, p0  }
0x20: {  	[sflag:s8] =	ssyncset.s32 @!p0 $0xFFFFF086;
	s6 =	sadd.s32 @!p0 s3, s7;
	s7 =	simm.s32 @!p0 $0x108  }
0x21: {  	s3 =	sadd.s32 s3, s9;
	s6 =	sadd.s32 @!p0 $0x88, s6;
	s7 =	simm.s32 @p2 $0x1082  }
0x22: {  	[simem:s7], [sflag:s8] =	dma.local @!p0 [hbm:s6], $0xF7A  }
0x23: {  	s9 =	sor.u32 $0xD0000000, s2;
	s6 =	simm.s32 $0x108;
	_ =	swait.ge @!p0 [sflag:s8], $0x0  }
0x24: {  	s3 =	sadd.s32 $0x88, s3;
	s6 =	simm.s32 @!p1 $0x1082;
	[sflag:s4] =	ssyncset.s32 $0xFFFFF086  }
0x25: {  	[simem:s6], [sflag:s4] =	dma.local [hbm:s3], $0xF7A  }
0x26: {  	[smem:$0x3F9B] =	sst s1;
	(tag) =	ssettag s2;
	_ =	strace s9  }
0x27: {  	s1 =	sld [smem:$0x3FAB]  }
0x28: {  	s2 =	sld [smem:$0x3FAC]  }
0x29: {  	s4 =	sld [smem:$0x3FAE]  }
0x2a: {  	p0 =	seq.s32 s5, $0x0;
	s5 =	sld [smem:$0x3FAF]  }
0x2b: {  	s6 =	sld [smem:$0x3FB0]  }
0x2c: {  	s7 =	sld [smem:$0x3FB1]  }
0x2d: {  	s3 =	simm.s32 $0x108;
	s8 =	sld [smem:$0x3FB2]  }
0x2e: {  	s3 =	simm.s32 @!p0 $0x1082;
	s9 =	sld [smem:$0x3FB3]  }
0x2f: {  	lr =	sadd.s32 s0, s3;
	s0 =	sld [smem:$0x3FAA]  }
0x30: {  	s3 =	sld [smem:$0x3FAD]  }
0x31: {  	[smem:$0x3FB6] =	sst s10  }
0x32: {  	s10 =	sld [smem:$0x3FB4];
	_ =	sdelay $0x3  }
0x33: {  	p0 =	seq.s32 s10, $0x1;
	s10 =	sld [smem:$0x3FB6];
	_ =	sdelay $0x3  }
0x34: {  	[smem:$0x3FB6] =	sst s10  }
0x35: {  	s10 =	sld [smem:$0x3FB5];
	_ =	sdelay $0x3  }
0x36: {  	p1 =	seq.s32 s10, $0x1;
	s10 =	sld [smem:$0x3FB6];
	_ =	sdelay $0x3  }
0x37: {  	[smem:$0x3FB6] =	sst s10  }
0x38: {  	s10 =	sld [smem:$0x3FB7]  }
0x39: {  	_ = 	snop;
	(pc) =	sbr.ind lr, $3  }
0x3a: {  	_ = 	snop  }
0x3b: {  	_ = 	snop  }
0x3c: {  	p2 =	seq.s32 s10, $0x1;
	s10 =	sld [smem:$0x3FB6]  }
0x3d: {  	_ =	shalt  }
0x3e: {  	_ =	shalt  }
0x3f: {  	_ =	shalt  }
0x40: {  	_ =	shalt  }
0x41: {  	_ =	shalt  }
0x42: {  	_ =	shalt  }
0x43: {  	_ =	shalt  }
0x44: {  	_ =	shalt  }
0x45: {  	_ =	shalt  }
0x46: {  	_ =	shalt  }
0x47: {  	_ =	shalt  }
0x48: {  	_ =	shalt  }
0x49: {  	_ =	shalt  }
0x4a: {  	_ =	shalt  }
0x4b: {  	_ =	shalt  }
0x4c: {  	_ =	shalt  }
0x4d: {  	_ =	shalt  }
0x4e: {  	_ =	shalt  }
0x4f: {  	_ =	shalt  }
0x50: {  	_ =	shalt  }
0x51: {  	_ =	shalt  }
0x52: {  	_ =	shalt  }
0x53: {  	_ =	shalt  }
0x54: {  	_ =	shalt  }
0x55: {  	_ =	shalt  }
0x56: {  	_ =	shalt  }
0x57: {  	_ =	shalt  }
0x58: {  	_ =	shalt  }
0x59: {  	_ =	shalt  }
0x5a: {  	_ =	shalt  }
0x5b: {  	_ =	shalt  }
0x5c: {  	_ =	shalt  }
0x5d: {  	_ =	shalt  }
0x5e: {  	_ =	shalt  }
0x5f: {  	_ =	shalt  }
0x60: {  	_ =	shalt  }
0x61: {  	_ =	shalt  }
0x62: {  	_ =	shalt  }
0x63: {  	_ =	shalt  }
0x64: {  	_ =	shalt  }
0x65: {  	_ =	shalt  }
0x66: {  	_ =	shalt  }
0x67: {  	_ =	shalt  }
0x68: {  	_ =	shalt  }
0x69: {  	_ =	shalt  }
0x6a: {  	_ =	shalt  }
0x6b: {  	_ =	shalt  }
0x6c: {  	_ =	shalt  }
0x6d: {  	_ =	shalt  }
0x6e: {  	_ =	shalt  }
0x6f: {  	_ =	shalt  }
0x70: {  	_ =	shalt  }
0x71: {  	_ =	shalt  }
0x72: {  	_ =	shalt  }
0x73: {  	_ =	shalt  }
0x74: {  	_ =	shalt  }
0x75: {  	_ =	shalt  }
0x76: {  	_ =	shalt  }
0x77: {  	_ =	shalt  }
0x78: {  	_ =	shalt  }
0x79: {  	_ =	shalt  }
0x7a: {  	_ =	shalt  }
0x7b: {  	_ =	shalt  }
0x7c: {  	_ =	shalt  }
0x7d: {  	_ =	shalt  }
0x7e: {  	_ =	shalt  }
0x7f: {  	_ =	shalt  }
0x80: {  	_ =	shalt  }
0x81: {  	_ =	shalt  }
0x82: {  	_ =	shalt  }
0x83: {  	_ =	shalt  }
0x84: {  	_ =	shalt  }
0x85: {  	_ =	shalt  }
0x86: {  	_ =	shalt  }
0x87: {  	_ =	shalt  }
.Lfunc_end0:
.L_simem_size_0:
called_computation.2_lowered:
.L_overlay_start_0:
0x88: {  	s2 =	sld [smem:$0x3FD9]  }
0x89: {  	s3 =	sld [smem:$0x3FFE];
	_ =	sdelay $0x1  }
0x8a: {  	s1 =	srdreg.scid  }
0x8b: {  	s0 =	sand.u32 $0x1, s1  }
0x8c: {  	s17 =	sshll.u32 s0, $0xA;
	s2 =	sadd.s32 s3, s2  }
0x8d: {  	s2 =	sadd.s32 s2, s17  }
0x8e: {  	[smem:$0x3FC2] =	sst s2  }
0x8f: {  	_ = 	snop  }
0x90: {  	s2 =	sld [smem:$0x3FD0];
	(tm) =	ssettm $0x1  }
0x91: {  	s18 =	sld [smem:$0x3FFB];
	_ =	sdelay $0x3  }
0x92: {  	_ =	strace s18  }
0x93: {  	s3 =	sld [smem:$0x3FFC];
	_ =	sdelay $0x3  }
0x94: {  	_ =	strace s3  }
0x95: {  	s3 =	sld [smem:$0x3FFD];
	_ =	sdelay $0x3  }
0x96: {  	_ =	strace s3  }
0x97: {  	_ =	strace $0x8FFFFFFF  }
0x98: {  	s19 =	sld [smem:$0x3FDB];
	_ =	sdelay $0x1  }
0x99: {  	s4 =	simm.s32 $_scs_section_size  }
0x9a: {  	s5 =	simm.s32 $_size__tile_overlayer_lowered;
	s6 =	simm.s32 $_tile_overlayer_lowered  }
0x9b: {  	s22 =	simm.s32 $0x1BFF;
	s21 =	sshll.u32 s6, $0x1;
	s3 =	sadd.s32 s4, s19  }
0x9c: {  	s7 =	simm.s32 $0x0;
	s20 =	sshll.u32 s5, $0x1;
	s5 =	sadd.s32 s21, s3  }
0x9d: {  	[timem:s7], [sflag:s22] =	dma.local [hbm:s5], s20  }
0x9e: {  	_ =	swait.ge [sflag:s22], s20  }
0x9f: {  	s4 =	ssub.s32 $0x0, s20;
	[sflag:s22] =	ssyncset.done $0x0  }
0xa0: {  	[sflag:s22] =	ssyncadd.s32 s4;
	_ =	sdelay $0x1  }
0xa1: {  	s23 =	simm.s32 $0x1B8B  }
0xa2: {  	_ =	swait.ge [sflag:s23], $0x1  }
0xa3: {  	[sflag:s23] =	ssyncset.done $0x0  }
0xa4: {  	s25 =	simm.s32 $0x1B8E;
	s24 =	sld [smem:$0x3FFE];
	[sflag:s23] =	ssyncadd.s32 $0xFFFFFFFF  }
0xa5: {  	s26 =	simm.s32 $execute0_lowered;
	[smem:$0x3FD2] =	sst s25  }
0xa6: {  	s5 =	sshll.u32 s26, $0x1;
	_ =	strace $0x8000004C;
	[dreg:$0x1] =	wrdreg $0xFFFFFFFF  }
0xa7: {  	s28 =	simm.s32 $_size_execute0_lowered;
	s3 =	sadd.s32 s3, s5;
	[dreg:$0x0] =	wrdreg $0x0  }
0xa8: {  	s5 =	sshll.u32 s28, $0x1;
	[dreg:$0x2] =	wrdreg s3  }
0xa9: {  	[dreg:$0x3] =	wrdreg s5  }
0xaa: {  	[dreg:$0x4] =	wrdreg $0xC0  }
0xab: {  	_ =	task [dreg:s7], $0x5FFFF  }
0xac: {  	[dreg:$0x1] =	wrdreg $0xFFFFFFFF  }
0xad: {  	[dreg:$0x0] =	wrdreg $0x60  }
0xae: {  	[dreg:$0x2] =	wrdreg s24  }
0xaf: {  	[dreg:$0x3] =	wrdreg s2  }
0xb0: {  	[dreg:$0x4] =	wrdreg $0xDE800  }
0xb1: {  	[dreg:$0x5] =	wrdreg $0xB6800  }
0xb2: {  	[dreg:$0x6] =	wrdreg $0x9  }
0xb3: {  	_ =	task.clear_ibuf [dreg:s7], $0x7FFFF;
	_ =	strace $0x9000004C  }
0xb4: {  	s29 =	simm.s32 $0x9;
	_ =	strace $0x8000004E  }
0xb5: {  	_ =	swait.ge [sflag:s29], $0x1  }
0xb6: {  	[sflag:s29] =	ssyncadd.s32 $0xFFFFFFFF  }
0xb7: {  	_ =	strace $0x9000004E  }
0xb8: {  	_ =	sfence  }
0xb9: {  	s30 =	sld [smem:$0x0];
	_ =	sdelay $0x2  }
0xba: {  	s31 =	sshll.u32 s1, $0xD;
	s1 =	sshrl.u32 s1, $0x2  }
0xbb: {  	s3 =	sand.u32 $0x4000, s31;
	s1 =	sadd.s32 s1, s30  }
0xbc: {  	s0 =	sor.u32 s3, s0;
	s1 =	sshll.u32 s1, $0x11  }
0xbd: {  	s0 =	sor.u32 s1, s0  }
0xbe: {  	s0 =	sadd.s32 $0x8F2B, s0  }
0xbf: {  	[sflag:s0] =	ssyncadd.remote.s32 $0x1  }
0xc0: {  	_ =	sfence.sel $0xFFFF  }
0xc1: {  	[dreg:$0x0] =	wrdreg $0xFFFFFFFF;
	(pc) =	sbr.abs _section_cstart, $3  }
0xc2: {  	[dreg:$0x1] =	wrdreg $0xFFFFFFFF  }
0xc3: {  	_ =	task.clear_ibuf [dreg:s7], $0x2FFFF;
	_ =	strace $0x9FFFFFFF  }
0xc4: {  	(tm) =	ssettm $0x7FFFFFFF  }
0xc5: {  	_ =	shalt  }
tec
execute0_lowered:
.L_overlay_start_1:
0x0: {  	(tag) =	ssettag $0x1  }
0x1: {  	s0 =	rddreg [dreg:$0x0]  }
0x2: {  	s1 =	rddreg [dreg:$0x1]  }
0x3: {  	s2 =	rddreg [dreg:$0x2]  }
0x4: {  	s3 =	rddreg [dreg:$0x3];
	s7 =	simm.s32 $0x0  }
0x5: {  	s9 =	stileid.u32;
	s4 =	srdreg.scid;
	s13 =	simm.s32 $0x9  }
0x6: {  	s14 =	simm.s32 $0x8E80;
	s16 =	simm.s32 $0x7D;
	s17 =	simm.s32 $0x5000  }
0x7: {  	s18 =	simm.s32 $0x57D0;
	s19 =	simm.s32 $0x5FA0;
	s20 =	simm.s32 $0x6770  }
0x8: {  	s21 =	simm.s32 $0x6F40;
	s22 =	simm.s32 $0x7710;
	s28 =	simm.s32 $0x3  }
0x9: {  	s29 =	simm.s32 $0x4;
	s30 =	simm.s32 $0x5;
	s31 =	simm.s32 $0x6  }
0xa: {  	s5 =	smul.u32 $0x2800, s9;
	s4 =	sand.u32 $0x1, s4;
	s6 =	sshll.u32 s9, $0x1  }
0xb: {  	[smem:$0x7FF] =	sst s7;
	s25 =	sshll.u32 s9, $0x6;
	s6 =	sor.u32 s4, s6  }
0xc: {  	s8 =	ssub.s32 $0x2, s4;
	_ =	strace $0x8000004D;
	s7 =	sor.u32 $0x1C09, s25  }
0xd: {  	p0 =	seq.s32 s4, $0x1;
	s4 =	simm.s32 $0x16E00;
	s25 =	simm.s32 $0x1  }
0xe: {  	s23 =	sshrl.u32 s5, $0x3;
	s6 =	smul.u32 $0x500, s6;
	s24 =	sshrl.u32 s8, $0x1  }
0xf: {  	s12 =	sadd.s32 s5, s2;
	[dreg:$0x6] =	wrdreg s7;
	s7 =	sadd.s32 s5, s3  }
0x10: {  	s4 =	simm.s32 @!p0 $0x11E00;
	s11 =	sadd.s32 s23, s0;
	s8 =	ssub.s32 s8, s24  }
0x11: {  	s12 =	sshrl.u32 s12, $0x3;
	s23 =	simm.s32 $0x7EE0;
	s24 =	simm.s32 $0x86B0  }
0x12: {  	s0 =	sadd.s32 s6, s0;
	s26 =	sadd.s32 $0x2E00, s11;
	s9 =	sadd.s32 s1, s6  }
0x13: {  	s10 =	smax.u32 s8, $0x1;
	s11 =	sadd.s32 s4, s11;
	s1 =	simm.s32 $0x8  }
0x14: {  	s4 =	simm.s32 $0x0;
	[dreg:$0x5] =	wrdreg s26;
	s0 =	sadd.s32 $0x7E00, s0  }
0x15: {  	v0 =	vimm.f32 $0.0e+00;
	s26 =	simm.s32 $0x2;
	[dreg:$0x7] =	wrdreg s0;
	s0 =	simm.s32 $0x7  }
.LBB2_1:
0x16: {  	s5 =	simm.s32 $0x40;
	s6 =	simm.s32 $0x0  }
.LBB2_2:
0x17: {  	p0 =	sne.s32 s5, $0x9FC0;
	[tilespmem:s6+$0x8E80] =	vst v0;
	s6 =	smov.u32 s5;
	s5 =	sadd.s32 $0x40, s5  }
.Ltmp0:
0x18: {  	(pc) =	sbr.rel @p0 .LBB2_2-.Ltmp0, $2  }
0x19: {  	_ =	sdelay $0x2  }
0x1a: {  	s6 =	sshra.s32 s6, $0x2  }
0x1b: {  	s5 =	rddreg [dreg:$0x5]  }
0x1c: {  	[tilespmem:s6+$0x8E80] =	vst v0;
	s8 =	rddreg [dreg:$0x6]  }
0x1d: {  	[spmem:s12], [sflag:s8] =	dma.local [hbm:s5], $0x500  }
0x1e: {  	_ =	swait.ge [sflag:s13], $0x500  }
0x1f: {  	[sflag:s13] =	ssyncset.done $0x0  }
0x20: {  	[sflag:s13] =	ssyncadd.s32 $0xFFFFFB00  }
0x21: {  	[spmem:s7] =	stream.linear.scatter [tilespmem:s14], [sflag:$0x9], $0x2800, $0x38;
	[tilespmem:$0x10680] =	vst v63  }
0x22: {  	_ =	swait.ge [sflag:s13], $0x2800  }
0x23: {  	[sflag:s13] =	ssyncset.done $0x0  }
0x24: {  	s5 =	simm.s32 $0x0;
	s15 =	rddreg [dreg:$0x7];
	[sflag:s13] =	ssyncadd.s32 $0xFFFFD800  }
0x25: {  	[tilespmem:s5], [sflag:$0x9] =	stream.linear.gather [hbm4b:s15+s5], $0x2800, $0x38;
	[tilespmem:$0x10680] =	vst v63  }
0x26: {  	_ =	swait.ge [sflag:s13], $0x2800  }
0x27: {  	[sflag:s13] =	ssyncset.done $0x0  }
0x28: {  	s8 =	simm.s32 $0x2800;
	[sflag:s13] =	ssyncadd.s32 $0xFFFFD800  }
0x29: {  	[tilespmem:s8], [sflag:$0x9] =	stream.linear.gather [hbm4b:s9+s5], $0x2800, $0x38;
	[tilespmem:$0x10680] =	vst v63  }
0x2a: {  	_ =	swait.ge [sflag:s13], $0x2800  }
0x2b: {  	[sflag:s13] =	ssyncset.done $0x0  }
0x2c: {  	[sflag:s13] =	ssyncadd.s32 $0xFFFFD800  }
0x2d: {  	s15 =	simm.s32 $0x0;
	[bflag:$0x0] =	sbarrier.arrive $0xFFFF  }
0x2e: {  	[tilespmem:s17], [sflag:$0x1] =	stream.indirect.gather [spmem:s2], $0x10, s15, s16, $0xb8;
	[tilespmem:$0x10680] =	vst v63  }
0x2f: {  	s6 =	simm.s32 $0x80  }
0x30: {  	[tilespmem:s18], [sflag:$0x2] =	stream.indirect.gather [spmem:s2], $0x10, s6, s16, $0xb8;
	[tilespmem:$0x10680] =	vst v63  }
0x31: {  	s8 =	simm.s32 $0x100  }
0x32: {  	[tilespmem:s19], [sflag:$0x3] =	stream.indirect.gather [spmem:s2], $0x10, s8, s16, $0xb8;
	[tilespmem:$0x10680] =	vst v63  }
0x33: {  	s15 =	simm.s32 $0x180  }
0x34: {  	[tilespmem:s20], [sflag:$0x4] =	stream.indirect.gather [spmem:s2], $0x10, s15, s16, $0xb8;
	[tilespmem:$0x10680] =	vst v63  }
0x35: {  	s6 =	simm.s32 $0x200  }
0x36: {  	[tilespmem:s21], [sflag:$0x5] =	stream.indirect.gather [spmem:s2], $0x10, s6, s16, $0xb8;
	[tilespmem:$0x10680] =	vst v63  }
0x37: {  	s8 =	simm.s32 $0x280  }
0x38: {  	[tilespmem:s22], [sflag:$0x6] =	stream.indirect.gather [spmem:s2], $0x10, s8, s16, $0xb8;
	[tilespmem:$0x10680] =	vst v63  }
0x39: {  	s15 =	simm.s32 $0x300  }
0x3a: {  	[tilespmem:s23], [sflag:$0x7] =	stream.indirect.gather [spmem:s2], $0x10, s15, s16, $0xb8;
	[tilespmem:$0x10680] =	vst v63  }
0x3b: {  	s6 =	simm.s32 $0x380  }
0x3c: {  	[tilespmem:s24], [sflag:$0x8] =	stream.indirect.gather [spmem:s2], $0x10, s6, s16, $0xb8;
	[tilespmem:$0x10680] =	vst v63  }
0x3d: {  	_ =	swait.ge [sflag:s25], $0x7D0  }
0x3e: {  	[sflag:s25] =	ssyncset.done $0x0  }
0x3f: {  	s8 =	simm.s32 $0x2800;
	[sflag:s25] =	ssyncadd.s32 $0xFFFFF830  }
0x40: {  	[spmem:s3] =	stream.indirect.scatter.add.f32 [tilespmem:s17], [sflag:$0x9], $0x10, s8, s16, $0xb8;
	[tilespmem:$0x10680] =	vst v63  }
0x41: {  	_ =	swait.ge [sflag:s13], $0x7D0  }
0x42: {  	[sflag:s13] =	ssyncset.done $0x0  }
0x43: {  	[sflag:s13] =	ssyncadd.s32 $0xFFFFF830  }
0x44: {  	_ =	swait.ge [sflag:s26], $0x7D0  }
0x45: {  	[sflag:s26] =	ssyncset.done $0x0  }
0x46: {  	s15 =	simm.s32 $0x2880;
	[sflag:s26] =	ssyncadd.s32 $0xFFFFF830  }
0x47: {  	[spmem:s3] =	stream.indirect.scatter.add.f32 [tilespmem:s18], [sflag:$0x9], $0x10, s15, s16, $0xb8;
	[tilespmem:$0x10680] =	vst v63  }
0x48: {  	_ =	swait.ge [sflag:s13], $0x7D0  }
0x49: {  	[sflag:s13] =	ssyncset.done $0x0  }
0x4a: {  	[sflag:s13] =	ssyncadd.s32 $0xFFFFF830  }
0x4b: {  	_ =	swait.ge [sflag:s28], $0x7D0  }
0x4c: {  	[sflag:s28] =	ssyncset.done $0x0  }
0x4d: {  	s6 =	simm.s32 $0x2900;
	[sflag:s28] =	ssyncadd.s32 $0xFFFFF830  }
0x4e: {  	[spmem:s3] =	stream.indirect.scatter.add.f32 [tilespmem:s19], [sflag:$0x9], $0x10, s6, s16, $0xb8;
	[tilespmem:$0x10680] =	vst v63  }
0x4f: {  	_ =	swait.ge [sflag:s13], $0x7D0  }
0x50: {  	[sflag:s13] =	ssyncset.done $0x0  }
0x51: {  	[sflag:s13] =	ssyncadd.s32 $0xFFFFF830  }
0x52: {  	_ =	swait.ge [sflag:s29], $0x7D0  }
0x53: {  	[sflag:s29] =	ssyncset.done $0x0  }
0x54: {  	s8 =	simm.s32 $0x2980;
	[sflag:s29] =	ssyncadd.s32 $0xFFFFF830  }
0x55: {  	[spmem:s3] =	stream.indirect.scatter.add.f32 [tilespmem:s20], [sflag:$0x9], $0x10, s8, s16, $0xb8;
	[tilespmem:$0x10680] =	vst v63  }
0x56: {  	_ =	swait.ge [sflag:s13], $0x7D0  }
0x57: {  	[sflag:s13] =	ssyncset.done $0x0  }
0x58: {  	[sflag:s13] =	ssyncadd.s32 $0xFFFFF830  }
0x59: {  	_ =	swait.ge [sflag:s30], $0x7D0  }
0x5a: {  	[sflag:s30] =	ssyncset.done $0x0  }
0x5b: {  	s15 =	simm.s32 $0x2A00;
	[sflag:s30] =	ssyncadd.s32 $0xFFFFF830  }
0x5c: {  	[spmem:s3] =	stream.indirect.scatter.add.f32 [tilespmem:s21], [sflag:$0x9], $0x10, s15, s16, $0xb8;
	[tilespmem:$0x10680] =	vst v63  }
0x5d: {  	_ =	swait.ge [sflag:s13], $0x7D0  }
0x5e: {  	[sflag:s13] =	ssyncset.done $0x0  }
0x5f: {  	[sflag:s13] =	ssyncadd.s32 $0xFFFFF830  }
0x60: {  	_ =	swait.ge [sflag:s31], $0x7D0  }
0x61: {  	[sflag:s31] =	ssyncset.done $0x0  }
0x62: {  	s6 =	simm.s32 $0x2A80;
	[sflag:s31] =	ssyncadd.s32 $0xFFFFF830  }
0x63: {  	[spmem:s3] =	stream.indirect.scatter.add.f32 [tilespmem:s22], [sflag:$0x9], $0x10, s6, s16, $0xb8;
	[tilespmem:$0x10680] =	vst v63  }
0x64: {  	_ =	swait.ge [sflag:s13], $0x7D0  }
0x65: {  	[sflag:s13] =	ssyncset.done $0x0  }
0x66: {  	[sflag:s13] =	ssyncadd.s32 $0xFFFFF830  }
0x67: {  	_ =	swait.ge [sflag:s0], $0x7D0  }
0x68: {  	[sflag:s0] =	ssyncset.done $0x0  }
0x69: {  	s8 =	simm.s32 $0x2B00;
	[sflag:s0] =	ssyncadd.s32 $0xFFFFF830  }
0x6a: {  	[spmem:s3] =	stream.indirect.scatter.add.f32 [tilespmem:s23], [sflag:$0x9], $0x10, s8, s16, $0xb8;
	[tilespmem:$0x10680] =	vst v63  }
0x6b: {  	_ =	swait.ge [sflag:s13], $0x7D0  }
0x6c: {  	[sflag:s13] =	ssyncset.done $0x0  }
0x6d: {  	[sflag:s13] =	ssyncadd.s32 $0xFFFFF830  }
0x6e: {  	_ =	swait.ge [sflag:s1], $0x7D0  }
0x6f: {  	[sflag:s1] =	ssyncset.done $0x0  }
0x70: {  	s15 =	simm.s32 $0x2B80;
	[sflag:s1] =	ssyncadd.s32 $0xFFFFF830  }
0x71: {  	[spmem:s3] =	stream.indirect.scatter.add.f32 [tilespmem:s24], [sflag:$0x9], $0x10, s15, s16, $0xb8;
	[tilespmem:$0x10680] =	vst v63  }
0x72: {  	_ =	swait.ge [sflag:s13], $0x7D0  }
0x73: {  	s5 =	simm.s32 $0x2000;
	s15 =	simm.s32 $0x1000;
	[sflag:s13] =	ssyncset.done $0x0  }
.LBB2_4:
0x74: {  	s6 =	sshra.s32 s15, $0x2  }
0x75: {  	[sflag:s13] =	ssyncadd.s32 $0xFFFFF830;
	s15 =	smov.u32 s5;
	s8 =	sadd.s32 $0x1000, s5  }
0x76: {  	[tilespmem:s17], [sflag:$0x1] =	stream.indirect.gather [spmem:s2], $0x10, s6, s16, $0xb8;
	[tilespmem:$0x10680] =	vst v63  }
0x77: {  	p0 =	sne.s32 s5, $0x9000;
	s5 =	sadd.s32 $0x80, s6  }
0x78: {  	[tilespmem:s18], [sflag:$0x2] =	stream.indirect.gather [spmem:s2], $0x10, s5, s16, $0xb8;
	[tilespmem:$0x10680] =	vst v63  }
0x79: {  	s5 =	sadd.s32 $0x100, s6  }
0x7a: {  	[tilespmem:s19], [sflag:$0x3] =	stream.indirect.gather [spmem:s2], $0x10, s5, s16, $0xb8;
	[tilespmem:$0x10680] =	vst v63  }
0x7b: {  	s5 =	sadd.s32 $0x180, s6  }
0x7c: {  	[tilespmem:s20], [sflag:$0x4] =	stream.indirect.gather [spmem:s2], $0x10, s5, s16, $0xb8;
	[tilespmem:$0x10680] =	vst v63  }
0x7d: {  	s5 =	sadd.s32 $0x200, s6  }
0x7e: {  	[tilespmem:s21], [sflag:$0x5] =	stream.indirect.gather [spmem:s2], $0x10, s5, s16, $0xb8;
	[tilespmem:$0x10680] =	vst v63  }
0x7f: {  	s5 =	sadd.s32 $0x280, s6  }
0x80: {  	[tilespmem:s22], [sflag:$0x6] =	stream.indirect.gather [spmem:s2], $0x10, s5, s16, $0xb8;
	[tilespmem:$0x10680] =	vst v63  }
0x81: {  	s5 =	sadd.s32 $0x300, s6  }
0x82: {  	[tilespmem:s23], [sflag:$0x7] =	stream.indirect.gather [spmem:s2], $0x10, s5, s16, $0xb8;
	[tilespmem:$0x10680] =	vst v63  }
0x83: {  	s5 =	sadd.s32 $0x380, s6  }
0x84: {  	[tilespmem:s24], [sflag:$0x8] =	stream.indirect.gather [spmem:s2], $0x10, s5, s16, $0xb8;
	[tilespmem:$0x10680] =	vst v63  }
0x85: {  	_ =	swait.ge [sflag:s25], $0x7D0  }
0x86: {  	[sflag:s25] =	ssyncset.done $0x0  }
0x87: {  	s5 =	sadd.s32 $0x2800, s6;
	[sflag:s25] =	ssyncadd.s32 $0xFFFFF830  }
0x88: {  	[spmem:s3] =	stream.indirect.scatter.add.f32 [tilespmem:s17], [sflag:$0x9], $0x10, s5, s16, $0xb8;
	[tilespmem:$0x10680] =	vst v63  }
0x89: {  	_ =	swait.ge [sflag:s13], $0x7D0  }
0x8a: {  	[sflag:s13] =	ssyncset.done $0x0  }
0x8b: {  	[sflag:s13] =	ssyncadd.s32 $0xFFFFF830  }
0x8c: {  	_ =	swait.ge [sflag:s26], $0x7D0  }
0x8d: {  	[sflag:s26] =	ssyncset.done $0x0  }
0x8e: {  	s5 =	sadd.s32 $0x2880, s6;
	[sflag:s26] =	ssyncadd.s32 $0xFFFFF830  }
0x8f: {  	[spmem:s3] =	stream.indirect.scatter.add.f32 [tilespmem:s18], [sflag:$0x9], $0x10, s5, s16, $0xb8;
	[tilespmem:$0x10680] =	vst v63  }
0x90: {  	_ =	swait.ge [sflag:s13], $0x7D0  }
0x91: {  	[sflag:s13] =	ssyncset.done $0x0  }
0x92: {  	[sflag:s13] =	ssyncadd.s32 $0xFFFFF830  }
0x93: {  	_ =	swait.ge [sflag:s28], $0x7D0  }
0x94: {  	[sflag:s28] =	ssyncset.done $0x0  }
0x95: {  	s5 =	sadd.s32 $0x2900, s6;
	[sflag:s28] =	ssyncadd.s32 $0xFFFFF830  }
0x96: {  	[spmem:s3] =	stream.indirect.scatter.add.f32 [tilespmem:s19], [sflag:$0x9], $0x10, s5, s16, $0xb8;
	[tilespmem:$0x10680] =	vst v63  }
0x97: {  	_ =	swait.ge [sflag:s13], $0x7D0  }
0x98: {  	[sflag:s13] =	ssyncset.done $0x0  }
0x99: {  	[sflag:s13] =	ssyncadd.s32 $0xFFFFF830  }
0x9a: {  	_ =	swait.ge [sflag:s29], $0x7D0  }
0x9b: {  	[sflag:s29] =	ssyncset.done $0x0  }
0x9c: {  	s5 =	sadd.s32 $0x2980, s6;
	[sflag:s29] =	ssyncadd.s32 $0xFFFFF830  }
0x9d: {  	[spmem:s3] =	stream.indirect.scatter.add.f32 [tilespmem:s20], [sflag:$0x9], $0x10, s5, s16, $0xb8;
	[tilespmem:$0x10680] =	vst v63  }
0x9e: {  	_ =	swait.ge [sflag:s13], $0x7D0  }
0x9f: {  	[sflag:s13] =	ssyncset.done $0x0  }
0xa0: {  	[sflag:s13] =	ssyncadd.s32 $0xFFFFF830  }
0xa1: {  	_ =	swait.ge [sflag:s30], $0x7D0  }
0xa2: {  	[sflag:s30] =	ssyncset.done $0x0  }
0xa3: {  	s5 =	sadd.s32 $0x2A00, s6;
	[sflag:s30] =	ssyncadd.s32 $0xFFFFF830  }
0xa4: {  	[spmem:s3] =	stream.indirect.scatter.add.f32 [tilespmem:s21], [sflag:$0x9], $0x10, s5, s16, $0xb8;
	[tilespmem:$0x10680] =	vst v63  }
0xa5: {  	_ =	swait.ge [sflag:s13], $0x7D0  }
0xa6: {  	[sflag:s13] =	ssyncset.done $0x0  }
0xa7: {  	[sflag:s13] =	ssyncadd.s32 $0xFFFFF830  }
0xa8: {  	_ =	swait.ge [sflag:s31], $0x7D0  }
0xa9: {  	[sflag:s31] =	ssyncset.done $0x0  }
0xaa: {  	s5 =	sadd.s32 $0x2A80, s6;
	[sflag:s31] =	ssyncadd.s32 $0xFFFFF830  }
0xab: {  	[spmem:s3] =	stream.indirect.scatter.add.f32 [tilespmem:s22], [sflag:$0x9], $0x10, s5, s16, $0xb8;
	[tilespmem:$0x10680] =	vst v63  }
0xac: {  	_ =	swait.ge [sflag:s13], $0x7D0  }
0xad: {  	[sflag:s13] =	ssyncset.done $0x0  }
0xae: {  	[sflag:s13] =	ssyncadd.s32 $0xFFFFF830  }
0xaf: {  	_ =	swait.ge [sflag:s0], $0x7D0  }
0xb0: {  	[sflag:s0] =	ssyncset.done $0x0  }
0xb1: {  	s5 =	sadd.s32 $0x2B00, s6;
	[sflag:s0] =	ssyncadd.s32 $0xFFFFF830  }
0xb2: {  	[spmem:s3] =	stream.indirect.scatter.add.f32 [tilespmem:s23], [sflag:$0x9], $0x10, s5, s16, $0xb8;
	[tilespmem:$0x10680] =	vst v63  }
0xb3: {  	_ =	swait.ge [sflag:s13], $0x7D0  }
0xb4: {  	[sflag:s13] =	ssyncset.done $0x0  }
0xb5: {  	[sflag:s13] =	ssyncadd.s32 $0xFFFFF830  }
0xb6: {  	_ =	swait.ge [sflag:s1], $0x7D0  }
.Ltmp1:
0xb7: {  	[sflag:s1] =	ssyncset.done $0x0;
	(pc) =	sbr.rel @p0 .LBB2_4-.Ltmp1, $4  }
0xb8: {  	s5 =	sadd.s32 $0x2B80, s6;
	[sflag:s1] =	ssyncadd.s32 $0xFFFFF830  }
0xb9: {  	[spmem:s3] =	stream.indirect.scatter.add.f32 [tilespmem:s24], [sflag:$0x9], $0x10, s5, s16, $0xb8;
	[tilespmem:$0x10680] =	vst v63  }
0xba: {  	_ =	swait.ge [sflag:s13], $0x7D0  }
0xbb: {  	s5 =	smov.u32 s8;
	[sflag:s13] =	ssyncset.done $0x0  }
0xbc: {  	s5 =	sshra.s32 s15, $0x2;
	[sflag:s13] =	ssyncadd.s32 $0xFFFFF830  }
0xbd: {  	[tilespmem:s17], [sflag:$0x1] =	stream.indirect.gather [spmem:s2], $0x10, s5, s16, $0xb8;
	[tilespmem:$0x10680] =	vst v63  }
0xbe: {  	s6 =	sadd.s32 $0x80, s5  }
0xbf: {  	[tilespmem:s18], [sflag:$0x2] =	stream.indirect.gather [spmem:s2], $0x10, s6, s16, $0xb8;
	[tilespmem:$0x10680] =	vst v63  }
0xc0: {  	s8 =	sadd.s32 $0x100, s5  }
0xc1: {  	[tilespmem:s19], [sflag:$0x3] =	stream.indirect.gather [spmem:s2], $0x10, s8, s16, $0xb8;
	[tilespmem:$0x10680] =	vst v63  }
0xc2: {  	s15 =	sadd.s32 $0x180, s5  }
0xc3: {  	[tilespmem:s20], [sflag:$0x4] =	stream.indirect.gather [spmem:s2], $0x10, s15, s16, $0xb8;
	[tilespmem:$0x10680] =	vst v63  }
0xc4: {  	s8 =	sadd.s32 $0x200, s5  }
0xc5: {  	[tilespmem:s21], [sflag:$0x5] =	stream.indirect.gather [spmem:s2], $0x10, s8, s16, $0xb8;
	[tilespmem:$0x10680] =	vst v63  }
0xc6: {  	s15 =	sadd.s32 $0x280, s5  }
0xc7: {  	[tilespmem:s22], [sflag:$0x6] =	stream.indirect.gather [spmem:s2], $0x10, s15, s16, $0xb8;
	[tilespmem:$0x10680] =	vst v63  }
0xc8: {  	s8 =	sadd.s32 $0x300, s5  }
0xc9: {  	[tilespmem:s23], [sflag:$0x7] =	stream.indirect.gather [spmem:s2], $0x10, s8, s16, $0xb8;
	[tilespmem:$0x10680] =	vst v63  }
0xca: {  	s15 =	sadd.s32 $0x380, s5  }
0xcb: {  	[tilespmem:s24], [sflag:$0x8] =	stream.indirect.gather [spmem:s2], $0x10, s15, s16, $0xb8;
	[tilespmem:$0x10680] =	vst v63  }
0xcc: {  	_ =	swait.ge [sflag:s25], $0x7D0  }
0xcd: {  	[sflag:s25] =	ssyncset.done $0x0  }
0xce: {  	s8 =	sadd.s32 $0x2800, s5;
	[sflag:s25] =	ssyncadd.s32 $0xFFFFF830  }
0xcf: {  	[spmem:s3] =	stream.indirect.scatter.add.f32 [tilespmem:s17], [sflag:$0x9], $0x10, s8, s16, $0xb8;
	[tilespmem:$0x10680] =	vst v63  }
0xd0: {  	_ =	swait.ge [sflag:s13], $0x7D0  }
0xd1: {  	[sflag:s13] =	ssyncset.done $0x0  }
0xd2: {  	[sflag:s13] =	ssyncadd.s32 $0xFFFFF830  }
0xd3: {  	_ =	swait.ge [sflag:s26], $0x7D0  }
0xd4: {  	[sflag:s26] =	ssyncset.done $0x0  }
0xd5: {  	s15 =	sadd.s32 $0x2880, s5;
	[sflag:s26] =	ssyncadd.s32 $0xFFFFF830  }
0xd6: {  	[spmem:s3] =	stream.indirect.scatter.add.f32 [tilespmem:s18], [sflag:$0x9], $0x10, s15, s16, $0xb8;
	[tilespmem:$0x10680] =	vst v63  }
0xd7: {  	_ =	swait.ge [sflag:s13], $0x7D0  }
0xd8: {  	[sflag:s13] =	ssyncset.done $0x0  }
0xd9: {  	[sflag:s13] =	ssyncadd.s32 $0xFFFFF830  }
0xda: {  	_ =	swait.ge [sflag:s28], $0x7D0  }
0xdb: {  	[sflag:s28] =	ssyncset.done $0x0  }
0xdc: {  	s8 =	sadd.s32 $0x2900, s5;
	[sflag:s28] =	ssyncadd.s32 $0xFFFFF830  }
0xdd: {  	[spmem:s3] =	stream.indirect.scatter.add.f32 [tilespmem:s19], [sflag:$0x9], $0x10, s8, s16, $0xb8;
	[tilespmem:$0x10680] =	vst v63  }
0xde: {  	_ =	swait.ge [sflag:s13], $0x7D0  }
0xdf: {  	[sflag:s13] =	ssyncset.done $0x0  }
0xe0: {  	[sflag:s13] =	ssyncadd.s32 $0xFFFFF830  }
0xe1: {  	_ =	swait.ge [sflag:s29], $0x7D0  }
0xe2: {  	[sflag:s29] =	ssyncset.done $0x0  }
0xe3: {  	s15 =	sadd.s32 $0x2980, s5;
	[sflag:s29] =	ssyncadd.s32 $0xFFFFF830  }
0xe4: {  	[spmem:s3] =	stream.indirect.scatter.add.f32 [tilespmem:s20], [sflag:$0x9], $0x10, s15, s16, $0xb8;
	[tilespmem:$0x10680] =	vst v63  }
0xe5: {  	_ =	swait.ge [sflag:s13], $0x7D0  }
0xe6: {  	[sflag:s13] =	ssyncset.done $0x0  }
0xe7: {  	[sflag:s13] =	ssyncadd.s32 $0xFFFFF830  }
0xe8: {  	_ =	swait.ge [sflag:s30], $0x7D0  }
0xe9: {  	[sflag:s30] =	ssyncset.done $0x0  }
0xea: {  	s8 =	sadd.s32 $0x2A00, s5;
	[sflag:s30] =	ssyncadd.s32 $0xFFFFF830  }
0xeb: {  	[spmem:s3] =	stream.indirect.scatter.add.f32 [tilespmem:s21], [sflag:$0x9], $0x10, s8, s16, $0xb8;
	[tilespmem:$0x10680] =	vst v63  }
0xec: {  	_ =	swait.ge [sflag:s13], $0x7D0  }
0xed: {  	[sflag:s13] =	ssyncset.done $0x0  }
0xee: {  	[sflag:s13] =	ssyncadd.s32 $0xFFFFF830  }
0xef: {  	_ =	swait.ge [sflag:s31], $0x7D0  }
0xf0: {  	[sflag:s31] =	ssyncset.done $0x0  }
0xf1: {  	s15 =	sadd.s32 $0x2A80, s5;
	[sflag:s31] =	ssyncadd.s32 $0xFFFFF830  }
0xf2: {  	[spmem:s3] =	stream.indirect.scatter.add.f32 [tilespmem:s22], [sflag:$0x9], $0x10, s15, s16, $0xb8;
	[tilespmem:$0x10680] =	vst v63  }
0xf3: {  	_ =	swait.ge [sflag:s13], $0x7D0  }
0xf4: {  	[sflag:s13] =	ssyncset.done $0x0  }
0xf5: {  	[sflag:s13] =	ssyncadd.s32 $0xFFFFF830  }
0xf6: {  	_ =	swait.ge [sflag:s0], $0x7D0  }
0xf7: {  	[sflag:s0] =	ssyncset.done $0x0  }
0xf8: {  	s8 =	sadd.s32 $0x2B00, s5;
	[sflag:s0] =	ssyncadd.s32 $0xFFFFF830  }
0xf9: {  	[spmem:s3] =	stream.indirect.scatter.add.f32 [tilespmem:s23], [sflag:$0x9], $0x10, s8, s16, $0xb8;
	[tilespmem:$0x10680] =	vst v63  }
0xfa: {  	_ =	swait.ge [sflag:s13], $0x7D0  }
0xfb: {  	[sflag:s13] =	ssyncset.done $0x0  }
0xfc: {  	[sflag:s13] =	ssyncadd.s32 $0xFFFFF830  }
0xfd: {  	_ =	swait.ge [sflag:s1], $0x7D0  }
0xfe: {  	[sflag:s1] =	ssyncset.done $0x0  }
0xff: {  	s5 =	sadd.s32 $0x2B80, s5;
	[sflag:s1] =	ssyncadd.s32 $0xFFFFF830  }
0x100: {  	[spmem:s3] =	stream.indirect.scatter.add.f32 [tilespmem:s24], [sflag:$0x9], $0x10, s5, s16, $0xb8;
	[tilespmem:$0x10680] =	vst v63  }
0x101: {  	_ =	swait.ge [sflag:s13], $0x7D0  }
0x102: {  	[sflag:s13] =	ssyncset.done $0x0  }
0x103: {  	[sflag:s13] =	ssyncadd.s32 $0xFFFFF830  }
0x104: {  	[bflag:$0x0] =	sbarrier.arrive $0xFFFF  }
0x105: {  	[tilespmem:s14], [sflag:$0x9] =	stream.linear.gather [spmem:s7], $0x2800, $0x38;
	[tilespmem:$0x10680] =	vst v63  }
0x106: {  	s4 =	sadd.s32 $0x1, s4;
	_ =	swait.ge [sflag:s13], $0x2800  }
0x107: {  	p0 =	sne.s32 s4, s10;
	[sflag:s13] =	ssyncset.done $0x0  }
.Ltmp2:
0x108: {  	s15 =	simm.s32 $0x0;
	[sflag:s13] =	ssyncadd.s32 $0xFFFFD800;
	(pc) =	sbr.rel @p0 .LBB2_1-.Ltmp2, $4  }
0x109: {  	[hbm4b:s11+s15] =	stream.linear.scatter [tilespmem:s14], [sflag:$0x9], $0x2800, $0x38;
	[tilespmem:$0x10680] =	vst v63  }
0x10a: {  	_ =	swait.ge [sflag:s13], $0x2800  }
0x10b: {  	[sflag:s13] =	ssyncset.done $0x0  }
0x10c: {  	[sflag:s13] =	ssyncadd.s32 $0xFFFFD800  }
0x10d: {  	_ =	sfence.sel $0x180000  }
0x10e: {  	[bflag:$0x0] =	sbarrier.arrive $0xFFFF  }
0x10f: {  	_ =	strace $0x9000004D  }
0x110: {  	s0 =	stileid.u32;
	[bflag:$0x2] =	sbarrier.arrive $0xFFFF  }
0x111: {  	p0 =	sne.s32 s0, $0x0;
	s0 =	rddreg [dreg:$0x4]  }
0x112: {  	s0 =	sadd.s32 @!p0 $0x100000, s0  }
0x113: {  	[sflag:s0] =	ssyncadd.tile.s32 @!p0 $0x1;
	_ =	shalt  }
.Lfunc_end2:
_tile_overlayer_lowered:
.L_overlay_start_2:
0x114: {  	(tag) =	ssettag $0x2  }
0x115: {  	s0 =	rddreg [dreg:$0x0];
	s2 =	stileid.u32  }
0x116: {  	s1 =	rddreg [dreg:$0x1];
	p0 =	sne.s32 s2, $0x0  }
0x117: {  	s3 =	rddreg [dreg:$0x2];
	[bflag:$0x3] =	sbarrier.arrive $0xFFFF;
	s2 =	simm.s32 @!p0 $0x1C09  }
0x118: {  	[timem:s3], [sflag:s2] =	dma.local @!p0 [hbm:s0], s1  }
0x119: {  	s0 =	simm.s32 @!p0 $0x9  }
0x11a: {  	_ =	swait.ge @!p0 [sflag:s0], s1  }
0x11b: {  	s1 =	ssub.s32 @!p0 $0x0, s1;
	[sflag:s0] =	ssyncset.done @!p0 $0x0  }
0x11c: {  	[sflag:s0] =	ssyncadd.s32 @!p0 s1  }
0x11d: {  	[bflag:$0x3] =	sbarrier.arrive $0xFFFF  }
0x11e: {  	_ =	shalt  }

</sc_bundles>
